<compile_context>
chip_gen: v7x
topology: tpu7x:2x2x1
jax: 0.10.2.dev20260603
libtpu: 0.0.44.dev20260713+nightly
codegen_flags: <defaults>
</compile_context>

<pallas_src>
import functools

import jax
import jax.numpy as jnp
from jax import lax
from jax.experimental import pallas as pl
from jax.experimental.pallas import tpu as pltpu
from jax.experimental.pallas import tpu_sc as plsc

D = 128
NC, NS = 2, 16
NW = NC * NS
CH = 64
NBUF = 10
LAG = 3


@functools.lru_cache(maxsize=None)
def _make_gather(batch: int, hist: int):
    BPT = batch // NW
    NCB = BPT // CH
    NCHUNK = hist * NCB
    assert NCHUNK % NBUF == 0
    mesh = plsc.VectorSubcoreMesh(core_axis_name="c", subcore_axis_name="s")

    @functools.partial(
        pl.kernel,
        out_type=jax.ShapeDtypeStruct((hist, batch, D), jnp.float32),
        mesh=mesh,
        scratch_types=[
            pltpu.VMEM((hist, BPT), jnp.int32),
            pltpu.VMEM((NBUF, CH, D), jnp.float32),
            pltpu.SemaphoreType.DMA((NBUF,)),
            pltpu.SemaphoreType.DMA((NBUF,)),
        ],
    )
    def gather_kernel(idx_hbm, table_hbm, out_hbm, idx_v, rows_v, gsem, wsem):
        wid = lax.axis_index("s") * NC + lax.axis_index("c")
        base = wid * BPT
        pltpu.sync_copy(idx_hbm.at[:, pl.ds(base, BPT)], idx_v)

        def start_gather(k, b):
            h, c = k // NCB, k % NCB
            pltpu.async_copy(
                table_hbm.at[idx_v.at[h].at[pl.ds(c * CH, CH)]],
                rows_v.at[b], gsem.at[b])

        def wait_gather(b):
            pltpu.make_async_copy(table_hbm.at[idx_v.at[0].at[pl.ds(0, CH)]],
                                  rows_v.at[b], gsem.at[b]).wait()

        def start_write(k, b):
            h, c = k // NCB, k % NCB
            pltpu.async_copy(rows_v.at[b],
                             out_hbm.at[h].at[pl.ds(base + c * CH, CH)],
                             wsem.at[b])

        def wait_write(b):
            pltpu.make_async_copy(rows_v.at[b], out_hbm.at[0].at[pl.ds(0, CH)],
                                  wsem.at[b]).wait()

        for b in range(NBUF):
            start_gather(b, b)

        @pl.loop(0, NCHUNK // NBUF)
        def _group(g):
            for b in range(NBUF):
                k = g * NBUF + b
                wait_gather(b)
                start_write(k, b)
                bp = (b - LAG) % NBUF
                kp_next = k - LAG + NBUF

                @pl.when(k >= LAG)
                def _():
                    wait_write(bp)

                    @pl.when(kp_next < NCHUNK)
                    def _():
                        start_gather(kp_next, bp)

        for i in range(LAG):
            wait_write((NCHUNK - LAG + i) % NBUF)

    return gather_kernel


def kernel(x, table):
    batch, hist = x.shape
    xt = x.astype(jnp.int32).T
    out_t = _make_gather(batch, hist)(xt, table)
    return jnp.transpose(out_t, (1, 0, 2))

# --- scband reference (transcript-rebuilt; emitter-appended) ---
"""Pipeline reference for scband-embedding-42082089566211 (READ-ONLY COPY).

The authoritative reference and input builder live on the scoring server;
editing this copy changes nothing except your own understanding.
"""

import jax, jax.numpy as jnp
import numpy as np

VOCAB = 100000
EMBED_DIM = 128
BATCH = 16384
HIST = 50


def setup_inputs(seed: int = 0) -> dict:
    key = jax.random.key(seed)
    k1, k2 = jax.random.split(key)
    x = jax.random.randint(k1, (BATCH, HIST), 0, VOCAB)
    table = jax.random.normal(k2, (VOCAB, EMBED_DIM), dtype=jnp.float32) * 0.02
    return {"x": x, "table": table}


def reference(x, table):
    # nn.Embedding forward: row gather from the embedding table
    return jnp.take(table, x, axis=0)

if __name__ == "__main__":
    import jax
    _d = setup_inputs()
    print(jax.jit(kernel)(*tuple(_d.values())))

</pallas_src>

<mosaic_0001>
#map = affine_map<(d0, d1) -> (0, 0)>
#map1 = affine_map<(d0, d1) -> (0, 0, 0)>
module attributes {stable_mosaic.version = 14 : i64} {
  func.func @gather_kernel(%arg0: i32, %arg1: i32, %arg2: memref<50x16384xi32, #tpu.memory_space<hbm>>, %arg3: memref<100000x128xf32, #tpu.memory_space<hbm>>, %arg4: memref<50x16384x128xf32, #tpu.memory_space<hbm>>, %arg5: memref<50x512xi32, #tpu.memory_space<vmem>>, %arg6: memref<10x64x128xf32, #tpu.memory_space<vmem>>, %arg7: memref<10x!tpu.dma_semaphore, #tpu.memory_space<semaphore_mem>>, %arg8: memref<10x!tpu.dma_semaphore, #tpu.memory_space<semaphore_mem>>) attributes {dimension_semantics = [#tpu.dimension_semantics<core_parallel>, #tpu.dimension_semantics<subcore_parallel>], iteration_bounds = array<i64: 2, 16>, scalar_prefetch = 0 : i64, scratch_operands = 4 : i64, tpu.core_type = #tpu.core_type<sc_vector_subcore>, window_params = [{transform_indices = #map}, {transform_indices = #map}, {transform_indices = #map1}]} {
    %mul3A = arith.constant 2 : i32
    %mul3A_0 = arith.muli %arg1, %mul3A : i32
    %add3A = arith.addi %mul3A_0, %arg0 : i32
    %mul3A_1 = arith.constant 512 : i32
    %mul3A_2 = arith.muli %add3A, %mul3A_1 : i32
    "tpu.region"() ({
      %run_scoped3A = tpu.sem_alloc : memref<!tpu.dma_semaphore, #tpu.memory_space<semaphore_mem>>
      %dma_start3A_256 = arith.constant 0 : i32
      %dma_start3A_257 = tpu.memref_slice %arg2[%dma_start3A_256, %mul3A_2] : memref<50x16384xi32, #tpu.memory_space<hbm>> -> memref<50x512xi32, #tpu.memory_space<hbm>>
      %dma_start3A_258 = arith.constant 0 : i32
      %dma_start3A_259 = tpu.memref_slice %arg2[%dma_start3A_258, %mul3A_2] : memref<50x16384xi32, #tpu.memory_space<hbm>> -> memref<50x512xi32, #tpu.memory_space<hbm>>
      tpu.enqueue_dma source(%dma_start3A_259 : memref<50x512xi32, #tpu.memory_space<hbm>>) target(%arg5 : memref<50x512xi32, #tpu.memory_space<vmem>>) target_semaphore(%run_scoped3A : memref<!tpu.dma_semaphore, #tpu.memory_space<semaphore_mem>>)
      %dma_wait3A_260 = arith.constant 0 : i32
      %dma_wait3A_261 = tpu.memref_slice %arg2[%dma_wait3A_260, %mul3A_2] : memref<50x16384xi32, #tpu.memory_space<hbm>> -> memref<50x512xi32, #tpu.memory_space<hbm>>
      %dma_wait3A_262 = arith.constant 0 : i32
      %dma_wait3A_263 = tpu.memref_slice %arg2[%dma_wait3A_262, %mul3A_2] : memref<50x16384xi32, #tpu.memory_space<hbm>> -> memref<50x512xi32, #tpu.memory_space<hbm>>
      tpu.wait_dma2 semaphore(%run_scoped3A : memref<!tpu.dma_semaphore, #tpu.memory_space<semaphore_mem>>) src(%dma_wait3A_263 : memref<50x512xi32, #tpu.memory_space<hbm>>) dst(%arg5 : memref<50x512xi32, #tpu.memory_space<vmem>>)
      tpu.yield
    }) : () -> ()
    %dma_start3A = arith.constant 0 : i32
    %dma_start3A_3 = arith.constant 0 : i32
    %dma_start3A_4 = arith.constant 0 : i32
    %dma_start3A_5 = arith.constant 0 : i32
    %dma_start3A_6 = arith.constant 0 : i32
    %dma_start3A_7 = tpu.memref_slice %arg6[%dma_start3A_3, %dma_start3A_5, %dma_start3A_6] : memref<10x64x128xf32, #tpu.memory_space<vmem>> -> memref<1x64x128xf32, #tpu.memory_space<vmem>>
    %dma_start3A_8 = tpu.memref_squeeze %dma_start3A_7 : memref<1x64x128xf32, #tpu.memory_space<vmem>> -> memref<64x128xf32, #tpu.memory_space<vmem>>
    %dma_start3A_9 = arith.constant 0 : i32
    %dma_start3A_10 = tpu.memref_slice %arg5[%dma_start3A, %dma_start3A_9] : memref<50x512xi32, #tpu.memory_space<vmem>> -> memref<1x512xi32, #tpu.memory_space<vmem>>
    %dma_start3A_11 = tpu.memref_squeeze %dma_start3A_10 : memref<1x512xi32, #tpu.memory_space<vmem>> -> memref<512xi32, #tpu.memory_space<vmem>>
    %dma_start3A_12 = arith.constant 0 : i32
    %dma_start3A_13 = tpu.memref_slice %dma_start3A_11[%dma_start3A_12] : memref<512xi32, #tpu.memory_space<vmem>> -> memref<64xi32, #tpu.memory_space<vmem>>
    %dma_start3A_14 = arith.constant 0 : i32
    %dma_start3A_15 = arith.constant 0 : i32
    %dma_start3A_16 = tpu.memref_slice %arg3[%dma_start3A_14, %dma_start3A_15] : memref<100000x128xf32, #tpu.memory_space<hbm>> -> memref<100000x128xf32, #tpu.memory_space<hbm>>
    %dma_start3A_17 = tpu.memref_slice %arg7[%dma_start3A_4] : memref<10x!tpu.dma_semaphore, #tpu.memory_space<semaphore_mem>> -> memref<1x!tpu.dma_semaphore, #tpu.memory_space<semaphore_mem>>
    %dma_start3A_18 = tpu.memref_squeeze %dma_start3A_17 : memref<1x!tpu.dma_semaphore, #tpu.memory_space<semaphore_mem>> -> memref<!tpu.dma_semaphore, #tpu.memory_space<semaphore_mem>>
    tpu.enqueue_indirect_dma source(%dma_start3A_16 : memref<100000x128xf32, #tpu.memory_space<hbm>>) target(%dma_start3A_8 : memref<64x128xf32, #tpu.memory_space<vmem>>) offsets(%dma_start3A_13 : memref<64xi32, #tpu.memory_space<vmem>>) semaphore(%dma_start3A_18 : memref<!tpu.dma_semaphore, #tpu.memory_space<semaphore_mem>>)
    %dma_start3A_19 = arith.constant 0 : i32
    %dma_start3A_20 = arith.constant 1 : i32
    %dma_start3A_21 = arith.constant 1 : i32
    %dma_start3A_22 = arith.constant 0 : i32
    %dma_start3A_23 = arith.constant 0 : i32
    %dma_start3A_24 = tpu.memref_slice %arg6[%dma_start3A_20, %dma_start3A_22, %dma_start3A_23] : memref<10x64x128xf32, #tpu.memory_space<vmem>> -> memref<1x64x128xf32, #tpu.memory_space<vmem>>
    %dma_start3A_25 = tpu.memref_squeeze %dma_start3A_24 : memref<1x64x128xf32, #tpu.memory_space<vmem>> -> memref<64x128xf32, #tpu.memory_space<vmem>>
    %dma_start3A_26 = arith.constant 0 : i32
    %dma_start3A_27 = tpu.memref_slice %arg5[%dma_start3A_19, %dma_start3A_26] : memref<50x512xi32, #tpu.memory_space<vmem>> -> memref<1x512xi32, #tpu.memory_space<vmem>>
    %dma_start3A_28 = tpu.memref_squeeze %dma_start3A_27 : memref<1x512xi32, #tpu.memory_space<vmem>> -> memref<512xi32, #tpu.memory_space<vmem>>
    %dma_start3A_29 = arith.constant 64 : i32
    %dma_start3A_30 = tpu.memref_slice %dma_start3A_28[%dma_start3A_29] : memref<512xi32, #tpu.memory_space<vmem>> -> memref<64xi32, #tpu.memory_space<vmem>>
    %dma_start3A_31 = arith.constant 0 : i32
    %dma_start3A_32 = arith.constant 0 : i32
    %dma_start3A_33 = tpu.memref_slice %arg3[%dma_start3A_31, %dma_start3A_32] : memref<100000x128xf32, #tpu.memory_space<hbm>> -> memref<100000x128xf32, #tpu.memory_space<hbm>>
    %dma_start3A_34 = tpu.memref_slice %arg7[%dma_start3A_21] : memref<10x!tpu.dma_semaphore, #tpu.memory_space<semaphore_mem>> -> memref<1x!tpu.dma_semaphore, #tpu.memory_space<semaphore_mem>>
    %dma_start3A_35 = tpu.memref_squeeze %dma_start3A_34 : memref<1x!tpu.dma_semaphore, #tpu.memory_space<semaphore_mem>> -> memref<!tpu.dma_semaphore, #tpu.memory_space<semaphore_mem>>
    tpu.enqueue_indirect_dma source(%dma_start3A_33 : memref<100000x128xf32, #tpu.memory_space<hbm>>) target(%dma_start3A_25 : memref<64x128xf32, #tpu.memory_space<vmem>>) offsets(%dma_start3A_30 : memref<64xi32, #tpu.memory_space<vmem>>) semaphore(%dma_start3A_35 : memref<!tpu.dma_semaphore, #tpu.memory_space<semaphore_mem>>)
    %dma_start3A_36 = arith.constant 0 : i32
    %dma_start3A_37 = arith.constant 2 : i32
    %dma_start3A_38 = arith.constant 2 : i32
    %dma_start3A_39 = arith.constant 0 : i32
    %dma_start3A_40 = arith.constant 0 : i32
    %dma_start3A_41 = tpu.memref_slice %arg6[%dma_start3A_37, %dma_start3A_39, %dma_start3A_40] : memref<10x64x128xf32, #tpu.memory_space<vmem>> -> memref<1x64x128xf32, #tpu.memory_space<vmem>>
    %dma_start3A_42 = tpu.memref_squeeze %dma_start3A_41 : memref<1x64x128xf32, #tpu.memory_space<vmem>> -> memref<64x128xf32, #tpu.memory_space<vmem>>
    %dma_start3A_43 = arith.constant 0 : i32
    %dma_start3A_44 = tpu.memref_slice %arg5[%dma_start3A_36, %dma_start3A_43] : memref<50x512xi32, #tpu.memory_space<vmem>> -> memref<1x512xi32, #tpu.memory_space<vmem>>
    %dma_start3A_45 = tpu.memref_squeeze %dma_start3A_44 : memref<1x512xi32, #tpu.memory_space<vmem>> -> memref<512xi32, #tpu.memory_space<vmem>>
    %dma_start3A_46 = arith.constant 128 : i32
    %dma_start3A_47 = tpu.memref_slice %dma_start3A_45[%dma_start3A_46] : memref<512xi32, #tpu.memory_space<vmem>> -> memref<64xi32, #tpu.memory_space<vmem>>
    %dma_start3A_48 = arith.constant 0 : i32
    %dma_start3A_49 = arith.constant 0 : i32
    %dma_start3A_50 = tpu.memref_slice %arg3[%dma_start3A_48, %dma_start3A_49] : memref<100000x128xf32, #tpu.memory_space<hbm>> -> memref<100000x128xf32, #tpu.memory_space<hbm>>
    %dma_start3A_51 = tpu.memref_slice %arg7[%dma_start3A_38] : memref<10x!tpu.dma_semaphore, #tpu.memory_space<semaphore_mem>> -> memref<1x!tpu.dma_semaphore, #tpu.memory_space<semaphore_mem>>
    %dma_start3A_52 = tpu.memref_squeeze %dma_start3A_51 : memref<1x!tpu.dma_semaphore, #tpu.memory_space<semaphore_mem>> -> memref<!tpu.dma_semaphore, #tpu.memory_space<semaphore_mem>>
    tpu.enqueue_indirect_dma source(%dma_start3A_50 : memref<100000x128xf32, #tpu.memory_space<hbm>>) target(%dma_start3A_42 : memref<64x128xf32, #tpu.memory_space<vmem>>) offsets(%dma_start3A_47 : memref<64xi32, #tpu.memory_space<vmem>>) semaphore(%dma_start3A_52 : memref<!tpu.dma_semaphore, #tpu.memory_space<semaphore_mem>>)
    %dma_start3A_53 = arith.constant 0 : i32
    %dma_start3A_54 = arith.constant 3 : i32
    %dma_start3A_55 = arith.constant 3 : i32
    %dma_start3A_56 = arith.constant 0 : i32
    %dma_start3A_57 = arith.constant 0 : i32
    %dma_start3A_58 = tpu.memref_slice %arg6[%dma_start3A_54, %dma_start3A_56, %dma_start3A_57] : memref<10x64x128xf32, #tpu.memory_space<vmem>> -> memref<1x64x128xf32, #tpu.memory_space<vmem>>
    %dma_start3A_59 = tpu.memref_squeeze %dma_start3A_58 : memref<1x64x128xf32, #tpu.memory_space<vmem>> -> memref<64x128xf32, #tpu.memory_space<vmem>>
    %dma_start3A_60 = arith.constant 0 : i32
    %dma_start3A_61 = tpu.memref_slice %arg5[%dma_start3A_53, %dma_start3A_60] : memref<50x512xi32, #tpu.memory_space<vmem>> -> memref<1x512xi32, #tpu.memory_space<vmem>>
    %dma_start3A_62 = tpu.memref_squeeze %dma_start3A_61 : memref<1x512xi32, #tpu.memory_space<vmem>> -> memref<512xi32, #tpu.memory_space<vmem>>
    %dma_start3A_63 = arith.constant 192 : i32
    %dma_start3A_64 = tpu.memref_slice %dma_start3A_62[%dma_start3A_63] : memref<512xi32, #tpu.memory_space<vmem>> -> memref<64xi32, #tpu.memory_space<vmem>>
    %dma_start3A_65 = arith.constant 0 : i32
    %dma_start3A_66 = arith.constant 0 : i32
    %dma_start3A_67 = tpu.memref_slice %arg3[%dma_start3A_65, %dma_start3A_66] : memref<100000x128xf32, #tpu.memory_space<hbm>> -> memref<100000x128xf32, #tpu.memory_space<hbm>>
    %dma_start3A_68 = tpu.memref_slice %arg7[%dma_start3A_55] : memref<10x!tpu.dma_semaphore, #tpu.memory_space<semaphore_mem>> -> memref<1x!tpu.dma_semaphore, #tpu.memory_space<semaphore_mem>>
    %dma_start3A_69 = tpu.memref_squeeze %dma_start3A_68 : memref<1x!tpu.dma_semaphore, #tpu.memory_space<semaphore_mem>> -> memref<!tpu.dma_semaphore, #tpu.memory_space<semaphore_mem>>
    tpu.enqueue_indirect_dma source(%dma_start3A_67 : memref<100000x128xf32, #tpu.memory_space<hbm>>) target(%dma_start3A_59 : memref<64x128xf32, #tpu.memory_space<vmem>>) offsets(%dma_start3A_64 : memref<64xi32, #tpu.memory_space<vmem>>) semaphore(%dma_start3A_69 : memref<!tpu.dma_semaphore, #tpu.memory_space<semaphore_mem>>)
    %dma_start3A_70 = arith.constant 0 : i32
    %dma_start3A_71 = arith.constant 4 : i32
    %dma_start3A_72 = arith.constant 4 : i32
    %dma_start3A_73 = arith.constant 0 : i32
    %dma_start3A_74 = arith.constant 0 : i32
    %dma_start3A_75 = tpu.memref_slice %arg6[%dma_start3A_71, %dma_start3A_73, %dma_start3A_74] : memref<10x64x128xf32, #tpu.memory_space<vmem>> -> memref<1x64x128xf32, #tpu.memory_space<vmem>>
    %dma_start3A_76 = tpu.memref_squeeze %dma_start3A_75 : memref<1x64x128xf32, #tpu.memory_space<vmem>> -> memref<64x128xf32, #tpu.memory_space<vmem>>
    %dma_start3A_77 = arith.constant 0 : i32
    %dma_start3A_78 = tpu.memref_slice %arg5[%dma_start3A_70, %dma_start3A_77] : memref<50x512xi32, #tpu.memory_space<vmem>> -> memref<1x512xi32, #tpu.memory_space<vmem>>
    %dma_start3A_79 = tpu.memref_squeeze %dma_start3A_78 : memref<1x512xi32, #tpu.memory_space<vmem>> -> memref<512xi32, #tpu.memory_space<vmem>>
    %dma_start3A_80 = arith.constant 256 : i32
    %dma_start3A_81 = tpu.memref_slice %dma_start3A_79[%dma_start3A_80] : memref<512xi32, #tpu.memory_space<vmem>> -> memref<64xi32, #tpu.memory_space<vmem>>
    %dma_start3A_82 = arith.constant 0 : i32
    %dma_start3A_83 = arith.constant 0 : i32
    %dma_start3A_84 = tpu.memref_slice %arg3[%dma_start3A_82, %dma_start3A_83] : memref<100000x128xf32, #tpu.memory_space<hbm>> -> memref<100000x128xf32, #tpu.memory_space<hbm>>
    %dma_start3A_85 = tpu.memref_slice %arg7[%dma_start3A_72] : memref<10x!tpu.dma_semaphore, #tpu.memory_space<semaphore_mem>> -> memref<1x!tpu.dma_semaphore, #tpu.memory_space<semaphore_mem>>
    %dma_start3A_86 = tpu.memref_squeeze %dma_start3A_85 : memref<1x!tpu.dma_semaphore, #tpu.memory_space<semaphore_mem>> -> memref<!tpu.dma_semaphore, #tpu.memory_space<semaphore_mem>>
    tpu.enqueue_indirect_dma source(%dma_start3A_84 : memref<100000x128xf32, #tpu.memory_space<hbm>>) target(%dma_start3A_76 : memref<64x128xf32, #tpu.memory_space<vmem>>) offsets(%dma_start3A_81 : memref<64xi32, #tpu.memory_space<vmem>>) semaphore(%dma_start3A_86 : memref<!tpu.dma_semaphore, #tpu.memory_space<semaphore_mem>>)
    %dma_start3A_87 = arith.constant 0 : i32
    %dma_start3A_88 = arith.constant 5 : i32
    %dma_start3A_89 = arith.constant 5 : i32
    %dma_start3A_90 = arith.constant 0 : i32
    %dma_start3A_91 = arith.constant 0 : i32
    %dma_start3A_92 = tpu.memref_slice %arg6[%dma_start3A_88, %dma_start3A_90, %dma_start3A_91] : memref<10x64x128xf32, #tpu.memory_space<vmem>> -> memref<1x64x128xf32, #tpu.memory_space<vmem>>
    %dma_start3A_93 = tpu.memref_squeeze %dma_start3A_92 : memref<1x64x128xf32, #tpu.memory_space<vmem>> -> memref<64x128xf32, #tpu.memory_space<vmem>>
    %dma_start3A_94 = arith.constant 0 : i32
    %dma_start3A_95 = tpu.memref_slice %arg5[%dma_start3A_87, %dma_start3A_94] : memref<50x512xi32, #tpu.memory_space<vmem>> -> memref<1x512xi32, #tpu.memory_space<vmem>>
    %dma_start3A_96 = tpu.memref_squeeze %dma_start3A_95 : memref<1x512xi32, #tpu.memory_space<vmem>> -> memref<512xi32, #tpu.memory_space<vmem>>
    %dma_start3A_97 = arith.constant 320 : i32
    %dma_start3A_98 = tpu.memref_slice %dma_start3A_96[%dma_start3A_97] : memref<512xi32, #tpu.memory_space<vmem>> -> memref<64xi32, #tpu.memory_space<vmem>>
    %dma_start3A_99 = arith.constant 0 : i32
    %dma_start3A_100 = arith.constant 0 : i32
    %dma_start3A_101 = tpu.memref_slice %arg3[%dma_start3A_99, %dma_start3A_100] : memref<100000x128xf32, #tpu.memory_space<hbm>> -> memref<100000x128xf32, #tpu.memory_space<hbm>>
    %dma_start3A_102 = tpu.memref_slice %arg7[%dma_start3A_89] : memref<10x!tpu.dma_semaphore, #tpu.memory_space<semaphore_mem>> -> memref<1x!tpu.dma_semaphore, #tpu.memory_space<semaphore_mem>>
    %dma_start3A_103 = tpu.memref_squeeze %dma_start3A_102 : memref<1x!tpu.dma_semaphore, #tpu.memory_space<semaphore_mem>> -> memref<!tpu.dma_semaphore, #tpu.memory_space<semaphore_mem>>
    tpu.enqueue_indirect_dma source(%dma_start3A_101 : memref<100000x128xf32, #tpu.memory_space<hbm>>) target(%dma_start3A_93 : memref<64x128xf32, #tpu.memory_space<vmem>>) offsets(%dma_start3A_98 : memref<64xi32, #tpu.memory_space<vmem>>) semaphore(%dma_start3A_103 : memref<!tpu.dma_semaphore, #tpu.memory_space<semaphore_mem>>)
    %dma_start3A_104 = arith.constant 0 : i32
    %dma_start3A_105 = arith.constant 6 : i32
    %dma_start3A_106 = arith.constant 6 : i32
    %dma_start3A_107 = arith.constant 0 : i32
    %dma_start3A_108 = arith.constant 0 : i32
    %dma_start3A_109 = tpu.memref_slice %arg6[%dma_start3A_105, %dma_start3A_107, %dma_start3A_108] : memref<10x64x128xf32, #tpu.memory_space<vmem>> -> memref<1x64x128xf32, #tpu.memory_space<vmem>>
    %dma_start3A_110 = tpu.memref_squeeze %dma_start3A_109 : memref<1x64x128xf32, #tpu.memory_space<vmem>> -> memref<64x128xf32, #tpu.memory_space<vmem>>
    %dma_start3A_111 = arith.constant 0 : i32
    %dma_start3A_112 = tpu.memref_slice %arg5[%dma_start3A_104, %dma_start3A_111] : memref<50x512xi32, #tpu.memory_space<vmem>> -> memref<1x512xi32, #tpu.memory_space<vmem>>
    %dma_start3A_113 = tpu.memref_squeeze %dma_start3A_112 : memref<1x512xi32, #tpu.memory_space<vmem>> -> memref<512xi32, #tpu.memory_space<vmem>>
    %dma_start3A_114 = arith.constant 384 : i32
    %dma_start3A_115 = tpu.memref_slice %dma_start3A_113[%dma_start3A_114] : memref<512xi32, #tpu.memory_space<vmem>> -> memref<64xi32, #tpu.memory_space<vmem>>
    %dma_start3A_116 = arith.constant 0 : i32
    %dma_start3A_117 = arith.constant 0 : i32
    %dma_start3A_118 = tpu.memref_slice %arg3[%dma_start3A_116, %dma_start3A_117] : memref<100000x128xf32, #tpu.memory_space<hbm>> -> memref<100000x128xf32, #tpu.memory_space<hbm>>
    %dma_start3A_119 = tpu.memref_slice %arg7[%dma_start3A_106] : memref<10x!tpu.dma_semaphore, #tpu.memory_space<semaphore_mem>> -> memref<1x!tpu.dma_semaphore, #tpu.memory_space<semaphore_mem>>
    %dma_start3A_120 = tpu.memref_squeeze %dma_start3A_119 : memref<1x!tpu.dma_semaphore, #tpu.memory_space<semaphore_mem>> -> memref<!tpu.dma_semaphore, #tpu.memory_space<semaphore_mem>>
    tpu.enqueue_indirect_dma source(%dma_start3A_118 : memref<100000x128xf32, #tpu.memory_space<hbm>>) target(%dma_start3A_110 : memref<64x128xf32, #tpu.memory_space<vmem>>) offsets(%dma_start3A_115 : memref<64xi32, #tpu.memory_space<vmem>>) semaphore(%dma_start3A_120 : memref<!tpu.dma_semaphore, #tpu.memory_space<semaphore_mem>>)
    %dma_start3A_121 = arith.constant 0 : i32
    %dma_start3A_122 = arith.constant 7 : i32
    %dma_start3A_123 = arith.constant 7 : i32
    %dma_start3A_124 = arith.constant 0 : i32
    %dma_start3A_125 = arith.constant 0 : i32
    %dma_start3A_126 = tpu.memref_slice %arg6[%dma_start3A_122, %dma_start3A_124, %dma_start3A_125] : memref<10x64x128xf32, #tpu.memory_space<vmem>> -> memref<1x64x128xf32, #tpu.memory_space<vmem>>
    %dma_start3A_127 = tpu.memref_squeeze %dma_start3A_126 : memref<1x64x128xf32, #tpu.memory_space<vmem>> -> memref<64x128xf32, #tpu.memory_space<vmem>>
    %dma_start3A_128 = arith.constant 0 : i32
    %dma_start3A_129 = tpu.memref_slice %arg5[%dma_start3A_121, %dma_start3A_128] : memref<50x512xi32, #tpu.memory_space<vmem>> -> memref<1x512xi32, #tpu.memory_space<vmem>>
    %dma_start3A_130 = tpu.memref_squeeze %dma_start3A_129 : memref<1x512xi32, #tpu.memory_space<vmem>> -> memref<512xi32, #tpu.memory_space<vmem>>
    %dma_start3A_131 = arith.constant 448 : i32
    %dma_start3A_132 = tpu.memref_slice %dma_start3A_130[%dma_start3A_131] : memref<512xi32, #tpu.memory_space<vmem>> -> memref<64xi32, #tpu.memory_space<vmem>>
    %dma_start3A_133 = arith.constant 0 : i32
    %dma_start3A_134 = arith.constant 0 : i32
    %dma_start3A_135 = tpu.memref_slice %arg3[%dma_start3A_133, %dma_start3A_134] : memref<100000x128xf32, #tpu.memory_space<hbm>> -> memref<100000x128xf32, #tpu.memory_space<hbm>>
    %dma_start3A_136 = tpu.memref_slice %arg7[%dma_start3A_123] : memref<10x!tpu.dma_semaphore, #tpu.memory_space<semaphore_mem>> -> memref<1x!tpu.dma_semaphore, #tpu.memory_space<semaphore_mem>>
    %dma_start3A_137 = tpu.memref_squeeze %dma_start3A_136 : memref<1x!tpu.dma_semaphore, #tpu.memory_space<semaphore_mem>> -> memref<!tpu.dma_semaphore, #tpu.memory_space<semaphore_mem>>
    tpu.enqueue_indirect_dma source(%dma_start3A_135 : memref<100000x128xf32, #tpu.memory_space<hbm>>) target(%dma_start3A_127 : memref<64x128xf32, #tpu.memory_space<vmem>>) offsets(%dma_start3A_132 : memref<64xi32, #tpu.memory_space<vmem>>) semaphore(%dma_start3A_137 : memref<!tpu.dma_semaphore, #tpu.memory_space<semaphore_mem>>)
    %dma_start3A_138 = arith.constant 1 : i32
    %dma_start3A_139 = arith.constant 8 : i32
    %dma_start3A_140 = arith.constant 8 : i32
    %dma_start3A_141 = arith.constant 0 : i32
    %dma_start3A_142 = arith.constant 0 : i32
    %dma_start3A_143 = tpu.memref_slice %arg6[%dma_start3A_139, %dma_start3A_141, %dma_start3A_142] : memref<10x64x128xf32, #tpu.memory_space<vmem>> -> memref<1x64x128xf32, #tpu.memory_space<vmem>>
    %dma_start3A_144 = tpu.memref_squeeze %dma_start3A_143 : memref<1x64x128xf32, #tpu.memory_space<vmem>> -> memref<64x128xf32, #tpu.memory_space<vmem>>
    %dma_start3A_145 = arith.constant 0 : i32
    %dma_start3A_146 = tpu.memref_slice %arg5[%dma_start3A_138, %dma_start3A_145] : memref<50x512xi32, #tpu.memory_space<vmem>> -> memref<1x512xi32, #tpu.memory_space<vmem>>
    %dma_start3A_147 = tpu.memref_squeeze %dma_start3A_146 : memref<1x512xi32, #tpu.memory_space<vmem>> -> memref<512xi32, #tpu.memory_space<vmem>>
    %dma_start3A_148 = arith.constant 0 : i32
    %dma_start3A_149 = tpu.memref_slice %dma_start3A_147[%dma_start3A_148] : memref<512xi32, #tpu.memory_space<vmem>> -> memref<64xi32, #tpu.memory_space<vmem>>
    %dma_start3A_150 = arith.constant 0 : i32
    %dma_start3A_151 = arith.constant 0 : i32
    %dma_start3A_152 = tpu.memref_slice %arg3[%dma_start3A_150, %dma_start3A_151] : memref<100000x128xf32, #tpu.memory_space<hbm>> -> memref<100000x128xf32, #tpu.memory_space<hbm>>
    %dma_start3A_153 = tpu.memref_slice %arg7[%dma_start3A_140] : memref<10x!tpu.dma_semaphore, #tpu.memory_space<semaphore_mem>> -> memref<1x!tpu.dma_semaphore, #tpu.memory_space<semaphore_mem>>
    %dma_start3A_154 = tpu.memref_squeeze %dma_start3A_153 : memref<1x!tpu.dma_semaphore, #tpu.memory_space<semaphore_mem>> -> memref<!tpu.dma_semaphore, #tpu.memory_space<semaphore_mem>>
    tpu.enqueue_indirect_dma source(%dma_start3A_152 : memref<100000x128xf32, #tpu.memory_space<hbm>>) target(%dma_start3A_144 : memref<64x128xf32, #tpu.memory_space<vmem>>) offsets(%dma_start3A_149 : memref<64xi32, #tpu.memory_space<vmem>>) semaphore(%dma_start3A_154 : memref<!tpu.dma_semaphore, #tpu.memory_space<semaphore_mem>>)
    %dma_start3A_155 = arith.constant 1 : i32
    %dma_start3A_156 = arith.constant 9 : i32
    %dma_start3A_157 = arith.constant 9 : i32
    %dma_start3A_158 = arith.constant 0 : i32
    %dma_start3A_159 = arith.constant 0 : i32
    %dma_start3A_160 = tpu.memref_slice %arg6[%dma_start3A_156, %dma_start3A_158, %dma_start3A_159] : memref<10x64x128xf32, #tpu.memory_space<vmem>> -> memref<1x64x128xf32, #tpu.memory_space<vmem>>
    %dma_start3A_161 = tpu.memref_squeeze %dma_start3A_160 : memref<1x64x128xf32, #tpu.memory_space<vmem>> -> memref<64x128xf32, #tpu.memory_space<vmem>>
    %dma_start3A_162 = arith.constant 0 : i32
    %dma_start3A_163 = tpu.memref_slice %arg5[%dma_start3A_155, %dma_start3A_162] : memref<50x512xi32, #tpu.memory_space<vmem>> -> memref<1x512xi32, #tpu.memory_space<vmem>>
    %dma_start3A_164 = tpu.memref_squeeze %dma_start3A_163 : memref<1x512xi32, #tpu.memory_space<vmem>> -> memref<512xi32, #tpu.memory_space<vmem>>
    %dma_start3A_165 = arith.constant 64 : i32
    %dma_start3A_166 = tpu.memref_slice %dma_start3A_164[%dma_start3A_165] : memref<512xi32, #tpu.memory_space<vmem>> -> memref<64xi32, #tpu.memory_space<vmem>>
    %dma_start3A_167 = arith.constant 0 : i32
    %dma_start3A_168 = arith.constant 0 : i32
    %dma_start3A_169 = tpu.memref_slice %arg3[%dma_start3A_167, %dma_start3A_168] : memref<100000x128xf32, #tpu.memory_space<hbm>> -> memref<100000x128xf32, #tpu.memory_space<hbm>>
    %dma_start3A_170 = tpu.memref_slice %arg7[%dma_start3A_157] : memref<10x!tpu.dma_semaphore, #tpu.memory_space<semaphore_mem>> -> memref<1x!tpu.dma_semaphore, #tpu.memory_space<semaphore_mem>>
    %dma_start3A_171 = tpu.memref_squeeze %dma_start3A_170 : memref<1x!tpu.dma_semaphore, #tpu.memory_space<semaphore_mem>> -> memref<!tpu.dma_semaphore, #tpu.memory_space<semaphore_mem>>
    tpu.enqueue_indirect_dma source(%dma_start3A_169 : memref<100000x128xf32, #tpu.memory_space<hbm>>) target(%dma_start3A_161 : memref<64x128xf32, #tpu.memory_space<vmem>>) offsets(%dma_start3A_166 : memref<64xi32, #tpu.memory_space<vmem>>) semaphore(%dma_start3A_171 : memref<!tpu.dma_semaphore, #tpu.memory_space<semaphore_mem>>)
    %scan3A = arith.constant 0 : i32
    %scan3A_172 = arith.constant 40 : i32
    %scan3A_173 = arith.addi %scan3A, %scan3A_172 : i32
    %scan3A_174 = arith.constant 1 : i32
    scf.for %scan3A_256 = %scan3A to %scan3A_173 step %scan3A_174  : i32 {
      %mul3A_257 = arith.constant 1 : i32
      %mul3A_258 = arith.muli %scan3A_256, %mul3A_257 : i32
      %add3A_259 = arith.constant 0 : i32
      %add3A_260 = arith.addi %add3A_259, %mul3A_258 : i32
      %mul3A_261 = arith.constant 10 : i32
      %mul3A_262 = arith.muli %add3A_260, %mul3A_261 : i32
      %add3A_263 = arith.constant 0 : i32
      %add3A_264 = arith.addi %mul3A_262, %add3A_263 : i32
      %dma_wait3A_265 = arith.constant 0 : i32
      %dma_wait3A_266 = arith.constant 0 : i32
      %dma_wait3A_267 = arith.constant 0 : i32
      %dma_wait3A_268 = arith.constant 0 : i32
      %dma_wait3A_269 = arith.constant 0 : i32
      %dma_wait3A_270 = tpu.memref_slice %arg6[%dma_wait3A_266, %dma_wait3A_268, %dma_wait3A_269] : memref<10x64x128xf32, #tpu.memory_space<vmem>> -> memref<1x64x128xf32, #tpu.memory_space<vmem>>
      %dma_wait3A_271 = tpu.memref_squeeze %dma_wait3A_270 : memref<1x64x128xf32, #tpu.memory_space<vmem>> -> memref<64x128xf32, #tpu.memory_space<vmem>>
      %dma_wait3A_272 = arith.constant 0 : i32
      %dma_wait3A_273 = tpu.memref_slice %arg5[%dma_wait3A_265, %dma_wait3A_272] : memref<50x512xi32, #tpu.memory_space<vmem>> -> memref<1x512xi32, #tpu.memory_space<vmem>>
      %dma_wait3A_274 = tpu.memref_squeeze %dma_wait3A_273 : memref<1x512xi32, #tpu.memory_space<vmem>> -> memref<512xi32, #tpu.memory_space<vmem>>
      %dma_wait3A_275 = arith.constant 0 : i32
      %dma_wait3A_276 = tpu.memref_slice %dma_wait3A_274[%dma_wait3A_275] : memref<512xi32, #tpu.memory_space<vmem>> -> memref<64xi32, #tpu.memory_space<vmem>>
      %dma_wait3A_277 = arith.constant 0 : i32
      %dma_wait3A_278 = arith.constant 0 : i32
      %dma_wait3A_279 = tpu.memref_slice %arg3[%dma_wait3A_277, %dma_wait3A_278] : memref<100000x128xf32, #tpu.memory_space<hbm>> -> memref<100000x128xf32, #tpu.memory_space<hbm>>
      %dma_wait3A_280 = tpu.memref_slice %arg7[%dma_wait3A_267] : memref<10x!tpu.dma_semaphore, #tpu.memory_space<semaphore_mem>> -> memref<1x!tpu.dma_semaphore, #tpu.memory_space<semaphore_mem>>
      %dma_wait3A_281 = tpu.memref_squeeze %dma_wait3A_280 : memref<1x!tpu.dma_semaphore, #tpu.memory_space<semaphore_mem>> -> memref<!tpu.dma_semaphore, #tpu.memory_space<semaphore_mem>>
      tpu.wait_indirect_dma semaphore(%dma_wait3A_281 : memref<!tpu.dma_semaphore, #tpu.memory_space<semaphore_mem>>) src(%dma_wait3A_279 : memref<100000x128xf32, #tpu.memory_space<hbm>>) dst(%dma_wait3A_271 : memref<64x128xf32, #tpu.memory_space<vmem>>)
      %jit3A = arith.constant 8 : i32
      %div3A = arith.divsi %add3A_264, %jit3A : i32
      %sign3A = arith.constant 0 : i32
      %sign3A_282 = arith.cmpi sgt, %add3A_264, %sign3A : i32
      %sign3A_283 = arith.extui %sign3A_282 : i1 to i32
      %sign3A_284 = arith.constant 0 : i32
      %sign3A_285 = arith.cmpi slt, %add3A_264, %sign3A_284 : i32
      %sign3A_286 = arith.extui %sign3A_285 : i1 to i32
      %sign3A_287 = arith.subi %sign3A_283, %sign3A_286 : i32
      %sign3A_288 = arith.constant 0 : i32
      %sign3A_289 = arith.cmpi sgt, %jit3A, %sign3A_288 : i32
      %sign3A_290 = arith.extui %sign3A_289 : i1 to i32
      %sign3A_291 = arith.constant 0 : i32
      %sign3A_292 = arith.cmpi slt, %jit3A, %sign3A_291 : i32
      %sign3A_293 = arith.extui %sign3A_292 : i1 to i32
      %sign3A_294 = arith.subi %sign3A_290, %sign3A_293 : i32
      %ne3A = arith.cmpi ne, %sign3A_287, %sign3A_294 : i32
      %rem3A = arith.remsi %add3A_264, %jit3A : i32
      %ne3A_295 = arith.constant 0 : i32
      %ne3A_296 = arith.cmpi ne, %rem3A, %ne3A_295 : i32
      %and3A = arith.andi %ne3A, %ne3A_296 : i1
      %sub3A = arith.constant 1 : i32
      %sub3A_297 = arith.subi %div3A, %sub3A : i32
      %select_n3A = arith.select %and3A, %sub3A_297, %div3A : i32
      %jit3A_298 = arith.constant 8 : i32
      %eq3A = arith.constant 0 : i32
      %eq3A_299 = arith.cmpi eq, %jit3A_298, %eq3A : i32
      %jit3A_300 = arith.constant 1 : i32
      %select_n3A_301 = arith.select %eq3A_299, %jit3A_300, %jit3A_298 : i32
      %rem3A_302 = arith.remsi %add3A_264, %select_n3A_301 : i32
      %ne3A_303 = arith.constant 0 : i32
      %ne3A_304 = arith.cmpi ne, %rem3A_302, %ne3A_303 : i32
      %lt3A = arith.constant 0 : i32
      %lt3A_305 = arith.cmpi slt, %rem3A_302, %lt3A : i32
      %lt3A_306 = arith.constant 0 : i32
      %lt3A_307 = arith.cmpi slt, %select_n3A_301, %lt3A_306 : i32
      %ne3A_308 = arith.xori %lt3A_305, %lt3A_307 : i1
      %and3A_309 = arith.andi %ne3A_308, %ne3A_304 : i1
      %add3A_310 = arith.addi %rem3A_302, %select_n3A_301 : i32
      %select_n3A_311 = arith.select %and3A_309, %add3A_310, %rem3A_302 : i32
      %mul3A_312 = arith.constant 64 : i32
      %mul3A_313 = arith.muli %select_n3A_311, %mul3A_312 : i32
      %add3A_314 = arith.addi %mul3A_2, %mul3A_313 : i32
      %dma_start3A_315 = arith.constant 0 : i32
      %dma_start3A_316 = arith.constant 0 : i32
      %dma_start3A_317 = arith.constant 0 : i32
      %dma_start3A_318 = arith.constant 0 : i32
      %dma_start3A_319 = tpu.memref_slice %arg6[%dma_start3A_315, %dma_start3A_317, %dma_start3A_318] : memref<10x64x128xf32, #tpu.memory_space<vmem>> -> memref<1x64x128xf32, #tpu.memory_space<vmem>>
      %dma_start3A_320 = tpu.memref_squeeze %dma_start3A_319 : memref<1x64x128xf32, #tpu.memory_space<vmem>> -> memref<64x128xf32, #tpu.memory_space<vmem>>
      %dma_start3A_321 = arith.constant 0 : i32
      %dma_start3A_322 = arith.constant 0 : i32
      %dma_start3A_323 = tpu.memref_slice %arg4[%select_n3A, %dma_start3A_321, %dma_start3A_322] : memref<50x16384x128xf32, #tpu.memory_space<hbm>> -> memref<1x16384x128xf32, #tpu.memory_space<hbm>>
      %dma_start3A_324 = tpu.memref_squeeze %dma_start3A_323 : memref<1x16384x128xf32, #tpu.memory_space<hbm>> -> memref<16384x128xf32, #tpu.memory_space<hbm>>
      %dma_start3A_325 = arith.constant 0 : i32
      %dma_start3A_326 = tpu.memref_slice %dma_start3A_324[%add3A_314, %dma_start3A_325] : memref<16384x128xf32, #tpu.memory_space<hbm>> -> memref<64x128xf32, #tpu.memory_space<hbm>>
      %dma_start3A_327 = tpu.memref_slice %arg8[%dma_start3A_316] : memref<10x!tpu.dma_semaphore, #tpu.memory_space<semaphore_mem>> -> memref<1x!tpu.dma_semaphore, #tpu.memory_space<semaphore_mem>>
      %dma_start3A_328 = tpu.memref_squeeze %dma_start3A_327 : memref<1x!tpu.dma_semaphore, #tpu.memory_space<semaphore_mem>> -> memref<!tpu.dma_semaphore, #tpu.memory_space<semaphore_mem>>
      %dma_start3A_329 = arith.constant 0 : i32
      %dma_start3A_330 = arith.constant 0 : i32
      %dma_start3A_331 = tpu.memref_slice %arg4[%select_n3A, %dma_start3A_329, %dma_start3A_330] : memref<50x16384x128xf32, #tpu.memory_space<hbm>> -> memref<1x16384x128xf32, #tpu.memory_space<hbm>>
      %dma_start3A_332 = tpu.memref_squeeze %dma_start3A_331 : memref<1x16384x128xf32, #tpu.memory_space<hbm>> -> memref<16384x128xf32, #tpu.memory_space<hbm>>
      %dma_start3A_333 = arith.constant 0 : i32
      %dma_start3A_334 = tpu.memref_slice %dma_start3A_332[%add3A_314, %dma_start3A_333] : memref<16384x128xf32, #tpu.memory_space<hbm>> -> memref<64x128xf32, #tpu.memory_space<hbm>>
      %dma_start3A_335 = arith.constant 0 : i32
      %dma_start3A_336 = arith.constant 0 : i32
      %dma_start3A_337 = tpu.memref_slice %arg6[%dma_start3A_315, %dma_start3A_335, %dma_start3A_336] : memref<10x64x128xf32, #tpu.memory_space<vmem>> -> memref<1x64x128xf32, #tpu.memory_space<vmem>>
      %dma_start3A_338 = tpu.memref_squeeze %dma_start3A_337 : memref<1x64x128xf32, #tpu.memory_space<vmem>> -> memref<64x128xf32, #tpu.memory_space<vmem>>
      tpu.enqueue_dma source(%dma_start3A_338 : memref<64x128xf32, #tpu.memory_space<vmem>>) target(%dma_start3A_334 : memref<64x128xf32, #tpu.memory_space<hbm>>) target_semaphore(%dma_start3A_328 : memref<!tpu.dma_semaphore, #tpu.memory_space<semaphore_mem>>)
      %sub3A_339 = arith.constant 3 : i32
      %sub3A_340 = arith.subi %add3A_264, %sub3A_339 : i32
      %add3A_341 = arith.constant 10 : i32
      %add3A_342 = arith.addi %sub3A_340, %add3A_341 : i32
      %ge3A = arith.constant 3 : i32
      %ge3A_343 = arith.cmpi sge, %add3A_264, %ge3A : i32
      %convert_element_type3A = arith.extui %ge3A_343 : i1 to i32
      %cond3A = arith.constant 0 : i32
      %cond3A_344 = arith.cmpi ne, %convert_element_type3A, %cond3A : i32
      scf.if %cond3A_344 {
        %dma_wait3A_1218 = arith.constant 7 : i32
        %dma_wait3A_1219 = arith.constant 0 : i32
        %dma_wait3A_1220 = arith.constant 7 : i32
        %dma_wait3A_1221 = arith.constant 0 : i32
        %dma_wait3A_1222 = arith.constant 0 : i32
        %dma_wait3A_1223 = tpu.memref_slice %arg6[%dma_wait3A_1218, %dma_wait3A_1221, %dma_wait3A_1222] : memref<10x64x128xf32, #tpu.memory_space<vmem>> -> memref<1x64x128xf32, #tpu.memory_space<vmem>>
        %dma_wait3A_1224 = tpu.memref_squeeze %dma_wait3A_1223 : memref<1x64x128xf32, #tpu.memory_space<vmem>> -> memref<64x128xf32, #tpu.memory_space<vmem>>
        %dma_wait3A_1225 = arith.constant 0 : i32
        %dma_wait3A_1226 = arith.constant 0 : i32
        %dma_wait3A_1227 = tpu.memref_slice %arg4[%dma_wait3A_1219, %dma_wait3A_1225, %dma_wait3A_1226] : memref<50x16384x128xf32, #tpu.memory_space<hbm>> -> memref<1x16384x128xf32, #tpu.memory_space<hbm>>
        %dma_wait3A_1228 = tpu.memref_squeeze %dma_wait3A_1227 : memref<1x16384x128xf32, #tpu.memory_space<hbm>> -> memref<16384x128xf32, #tpu.memory_space<hbm>>
        %dma_wait3A_1229 = arith.constant 0 : i32
        %dma_wait3A_1230 = arith.constant 0 : i32
        %dma_wait3A_1231 = tpu.memref_slice %dma_wait3A_1228[%dma_wait3A_1229, %dma_wait3A_1230] : memref<16384x128xf32, #tpu.memory_space<hbm>> -> memref<64x128xf32, #tpu.memory_space<hbm>>
        %dma_wait3A_1232 = tpu.memref_slice %arg8[%dma_wait3A_1220] : memref<10x!tpu.dma_semaphore, #tpu.memory_space<semaphore_mem>> -> memref<1x!tpu.dma_semaphore, #tpu.memory_space<semaphore_mem>>
        %dma_wait3A_1233 = tpu.memref_squeeze %dma_wait3A_1232 : memref<1x!tpu.dma_semaphore, #tpu.memory_space<semaphore_mem>> -> memref<!tpu.dma_semaphore, #tpu.memory_space<semaphore_mem>>
        %dma_wait3A_1234 = arith.constant 0 : i32
        %dma_wait3A_1235 = arith.constant 0 : i32
        %dma_wait3A_1236 = tpu.memref_slice %arg4[%dma_wait3A_1219, %dma_wait3A_1234, %dma_wait3A_1235] : memref<50x16384x128xf32, #tpu.memory_space<hbm>> -> memref<1x16384x128xf32, #tpu.memory_space<hbm>>
        %dma_wait3A_1237 = tpu.memref_squeeze %dma_wait3A_1236 : memref<1x16384x128xf32, #tpu.memory_space<hbm>> -> memref<16384x128xf32, #tpu.memory_space<hbm>>
        %dma_wait3A_1238 = arith.constant 0 : i32
        %dma_wait3A_1239 = arith.constant 0 : i32
        %dma_wait3A_1240 = tpu.memref_slice %dma_wait3A_1237[%dma_wait3A_1238, %dma_wait3A_1239] : memref<16384x128xf32, #tpu.memory_space<hbm>> -> memref<64x128xf32, #tpu.memory_space<hbm>>
        %dma_wait3A_1241 = arith.constant 0 : i32
        %dma_wait3A_1242 = arith.constant 0 : i32
        %dma_wait3A_1243 = tpu.memref_slice %arg6[%dma_wait3A_1218, %dma_wait3A_1241, %dma_wait3A_1242] : memref<10x64x128xf32, #tpu.memory_space<vmem>> -> memref<1x64x128xf32, #tpu.memory_space<vmem>>
        %dma_wait3A_1244 = tpu.memref_squeeze %dma_wait3A_1243 : memref<1x64x128xf32, #tpu.memory_space<vmem>> -> memref<64x128xf32, #tpu.memory_space<vmem>>
        tpu.wait_dma2 semaphore(%dma_wait3A_1233 : memref<!tpu.dma_semaphore, #tpu.memory_space<semaphore_mem>>) src(%dma_wait3A_1244 : memref<64x128xf32, #tpu.memory_space<vmem>>) dst(%dma_wait3A_1240 : memref<64x128xf32, #tpu.memory_space<hbm>>)
        %lt3A_1245 = arith.constant 400 : i32
        %lt3A_1246 = arith.cmpi slt, %add3A_342, %lt3A_1245 : i32
        %convert_element_type3A_1247 = arith.extui %lt3A_1246 : i1 to i32
        %cond3A_1248 = arith.constant 0 : i32
        %cond3A_1249 = arith.cmpi ne, %convert_element_type3A_1247, %cond3A_1248 : i32
        scf.if %cond3A_1249 {
          %jit3A_1250 = arith.constant 8 : i32
          %div3A_1251 = arith.divsi %add3A_342, %jit3A_1250 : i32
          %sign3A_1252 = arith.constant 0 : i32
          %sign3A_1253 = arith.cmpi sgt, %add3A_342, %sign3A_1252 : i32
          %sign3A_1254 = arith.extui %sign3A_1253 : i1 to i32
          %sign3A_1255 = arith.constant 0 : i32
          %sign3A_1256 = arith.cmpi slt, %add3A_342, %sign3A_1255 : i32
          %sign3A_1257 = arith.extui %sign3A_1256 : i1 to i32
          %sign3A_1258 = arith.subi %sign3A_1254, %sign3A_1257 : i32
          %sign3A_1259 = arith.constant 0 : i32
          %sign3A_1260 = arith.cmpi sgt, %jit3A_1250, %sign3A_1259 : i32
          %sign3A_1261 = arith.extui %sign3A_1260 : i1 to i32
          %sign3A_1262 = arith.constant 0 : i32
          %sign3A_1263 = arith.cmpi slt, %jit3A_1250, %sign3A_1262 : i32
          %sign3A_1264 = arith.extui %sign3A_1263 : i1 to i32
          %sign3A_1265 = arith.subi %sign3A_1261, %sign3A_1264 : i32
          %ne3A_1266 = arith.cmpi ne, %sign3A_1258, %sign3A_1265 : i32
          %rem3A_1267 = arith.remsi %add3A_342, %jit3A_1250 : i32
          %ne3A_1268 = arith.constant 0 : i32
          %ne3A_1269 = arith.cmpi ne, %rem3A_1267, %ne3A_1268 : i32
          %and3A_1270 = arith.andi %ne3A_1266, %ne3A_1269 : i1
          %sub3A_1271 = arith.constant 1 : i32
          %sub3A_1272 = arith.subi %div3A_1251, %sub3A_1271 : i32
          %select_n3A_1273 = arith.select %and3A_1270, %sub3A_1272, %div3A_1251 : i32
          %jit3A_1274 = arith.constant 8 : i32
          %eq3A_1275 = arith.constant 0 : i32
          %eq3A_1276 = arith.cmpi eq, %jit3A_1274, %eq3A_1275 : i32
          %jit3A_1277 = arith.constant 1 : i32
          %select_n3A_1278 = arith.select %eq3A_1276, %jit3A_1277, %jit3A_1274 : i32
          %rem3A_1279 = arith.remsi %add3A_342, %select_n3A_1278 : i32
          %ne3A_1280 = arith.constant 0 : i32
          %ne3A_1281 = arith.cmpi ne, %rem3A_1279, %ne3A_1280 : i32
          %lt3A_1282 = arith.constant 0 : i32
          %lt3A_1283 = arith.cmpi slt, %rem3A_1279, %lt3A_1282 : i32
          %lt3A_1284 = arith.constant 0 : i32
          %lt3A_1285 = arith.cmpi slt, %select_n3A_1278, %lt3A_1284 : i32
          %ne3A_1286 = arith.xori %lt3A_1283, %lt3A_1285 : i1
          %and3A_1287 = arith.andi %ne3A_1286, %ne3A_1281 : i1
          %add3A_1288 = arith.addi %rem3A_1279, %select_n3A_1278 : i32
          %select_n3A_1289 = arith.select %and3A_1287, %add3A_1288, %rem3A_1279 : i32
          %mul3A_1290 = arith.constant 64 : i32
          %mul3A_1291 = arith.muli %select_n3A_1289, %mul3A_1290 : i32
          %dma_start3A_1292 = arith.constant 7 : i32
          %dma_start3A_1293 = arith.constant 7 : i32
          %dma_start3A_1294 = arith.constant 0 : i32
          %dma_start3A_1295 = arith.constant 0 : i32
          %dma_start3A_1296 = tpu.memref_slice %arg6[%dma_start3A_1292, %dma_start3A_1294, %dma_start3A_1295] : memref<10x64x128xf32, #tpu.memory_space<vmem>> -> memref<1x64x128xf32, #tpu.memory_space<vmem>>
          %dma_start3A_1297 = tpu.memref_squeeze %dma_start3A_1296 : memref<1x64x128xf32, #tpu.memory_space<vmem>> -> memref<64x128xf32, #tpu.memory_space<vmem>>
          %dma_start3A_1298 = arith.constant 0 : i32
          %dma_start3A_1299 = tpu.memref_slice %arg5[%select_n3A_1273, %dma_start3A_1298] : memref<50x512xi32, #tpu.memory_space<vmem>> -> memref<1x512xi32, #tpu.memory_space<vmem>>
          %dma_start3A_1300 = tpu.memref_squeeze %dma_start3A_1299 : memref<1x512xi32, #tpu.memory_space<vmem>> -> memref<512xi32, #tpu.memory_space<vmem>>
          %dma_start3A_1301 = tpu.memref_slice %dma_start3A_1300[%mul3A_1291] : memref<512xi32, #tpu.memory_space<vmem>> -> memref<64xi32, #tpu.memory_space<vmem>>
          %dma_start3A_1302 = arith.constant 0 : i32
          %dma_start3A_1303 = arith.constant 0 : i32
          %dma_start3A_1304 = tpu.memref_slice %arg3[%dma_start3A_1302, %dma_start3A_1303] : memref<100000x128xf32, #tpu.memory_space<hbm>> -> memref<100000x128xf32, #tpu.memory_space<hbm>>
          %dma_start3A_1305 = tpu.memref_slice %arg7[%dma_start3A_1293] : memref<10x!tpu.dma_semaphore, #tpu.memory_space<semaphore_mem>> -> memref<1x!tpu.dma_semaphore, #tpu.memory_space<semaphore_mem>>
          %dma_start3A_1306 = tpu.memref_squeeze %dma_start3A_1305 : memref<1x!tpu.dma_semaphore, #tpu.memory_space<semaphore_mem>> -> memref<!tpu.dma_semaphore, #tpu.memory_space<semaphore_mem>>
          tpu.enqueue_indirect_dma source(%dma_start3A_1304 : memref<100000x128xf32, #tpu.memory_space<hbm>>) target(%dma_start3A_1297 : memref<64x128xf32, #tpu.memory_space<vmem>>) offsets(%dma_start3A_1301 : memref<64xi32, #tpu.memory_space<vmem>>) semaphore(%dma_start3A_1306 : memref<!tpu.dma_semaphore, #tpu.memory_space<semaphore_mem>>)
        } else {
        }
      } else {
      }
      %mul3A_345 = arith.constant 10 : i32
      %mul3A_346 = arith.muli %add3A_260, %mul3A_345 : i32
      %add3A_347 = arith.constant 1 : i32
      %add3A_348 = arith.addi %mul3A_346, %add3A_347 : i32
      %dma_wait3A_349 = arith.constant 0 : i32
      %dma_wait3A_350 = arith.constant 1 : i32
      %dma_wait3A_351 = arith.constant 1 : i32
      %dma_wait3A_352 = arith.constant 0 : i32
      %dma_wait3A_353 = arith.constant 0 : i32
      %dma_wait3A_354 = tpu.memref_slice %arg6[%dma_wait3A_350, %dma_wait3A_352, %dma_wait3A_353] : memref<10x64x128xf32, #tpu.memory_space<vmem>> -> memref<1x64x128xf32, #tpu.memory_space<vmem>>
      %dma_wait3A_355 = tpu.memref_squeeze %dma_wait3A_354 : memref<1x64x128xf32, #tpu.memory_space<vmem>> -> memref<64x128xf32, #tpu.memory_space<vmem>>
      %dma_wait3A_356 = arith.constant 0 : i32
      %dma_wait3A_357 = tpu.memref_slice %arg5[%dma_wait3A_349, %dma_wait3A_356] : memref<50x512xi32, #tpu.memory_space<vmem>> -> memref<1x512xi32, #tpu.memory_space<vmem>>
      %dma_wait3A_358 = tpu.memref_squeeze %dma_wait3A_357 : memref<1x512xi32, #tpu.memory_space<vmem>> -> memref<512xi32, #tpu.memory_space<vmem>>
      %dma_wait3A_359 = arith.constant 0 : i32
      %dma_wait3A_360 = tpu.memref_slice %dma_wait3A_358[%dma_wait3A_359] : memref<512xi32, #tpu.memory_space<vmem>> -> memref<64xi32, #tpu.memory_space<vmem>>
      %dma_wait3A_361 = arith.constant 0 : i32
      %dma_wait3A_362 = arith.constant 0 : i32
      %dma_wait3A_363 = tpu.memref_slice %arg3[%dma_wait3A_361, %dma_wait3A_362] : memref<100000x128xf32, #tpu.memory_space<hbm>> -> memref<100000x128xf32, #tpu.memory_space<hbm>>
      %dma_wait3A_364 = tpu.memref_slice %arg7[%dma_wait3A_351] : memref<10x!tpu.dma_semaphore, #tpu.memory_space<semaphore_mem>> -> memref<1x!tpu.dma_semaphore, #tpu.memory_space<semaphore_mem>>
      %dma_wait3A_365 = tpu.memref_squeeze %dma_wait3A_364 : memref<1x!tpu.dma_semaphore, #tpu.memory_space<semaphore_mem>> -> memref<!tpu.dma_semaphore, #tpu.memory_space<semaphore_mem>>
      tpu.wait_indirect_dma semaphore(%dma_wait3A_365 : memref<!tpu.dma_semaphore, #tpu.memory_space<semaphore_mem>>) src(%dma_wait3A_363 : memref<100000x128xf32, #tpu.memory_space<hbm>>) dst(%dma_wait3A_355 : memref<64x128xf32, #tpu.memory_space<vmem>>)
      %jit3A_366 = arith.constant 8 : i32
      %div3A_367 = arith.divsi %add3A_348, %jit3A_366 : i32
      %sign3A_368 = arith.constant 0 : i32
      %sign3A_369 = arith.cmpi sgt, %add3A_348, %sign3A_368 : i32
      %sign3A_370 = arith.extui %sign3A_369 : i1 to i32
      %sign3A_371 = arith.constant 0 : i32
      %sign3A_372 = arith.cmpi slt, %add3A_348, %sign3A_371 : i32
      %sign3A_373 = arith.extui %sign3A_372 : i1 to i32
      %sign3A_374 = arith.subi %sign3A_370, %sign3A_373 : i32
      %sign3A_375 = arith.constant 0 : i32
      %sign3A_376 = arith.cmpi sgt, %jit3A_366, %sign3A_375 : i32
      %sign3A_377 = arith.extui %sign3A_376 : i1 to i32
      %sign3A_378 = arith.constant 0 : i32
      %sign3A_379 = arith.cmpi slt, %jit3A_366, %sign3A_378 : i32
      %sign3A_380 = arith.extui %sign3A_379 : i1 to i32
      %sign3A_381 = arith.subi %sign3A_377, %sign3A_380 : i32
      %ne3A_382 = arith.cmpi ne, %sign3A_374, %sign3A_381 : i32
      %rem3A_383 = arith.remsi %add3A_348, %jit3A_366 : i32
      %ne3A_384 = arith.constant 0 : i32
      %ne3A_385 = arith.cmpi ne, %rem3A_383, %ne3A_384 : i32
      %and3A_386 = arith.andi %ne3A_382, %ne3A_385 : i1
      %sub3A_387 = arith.constant 1 : i32
      %sub3A_388 = arith.subi %div3A_367, %sub3A_387 : i32
      %select_n3A_389 = arith.select %and3A_386, %sub3A_388, %div3A_367 : i32
      %jit3A_390 = arith.constant 8 : i32
      %eq3A_391 = arith.constant 0 : i32
      %eq3A_392 = arith.cmpi eq, %jit3A_390, %eq3A_391 : i32
      %jit3A_393 = arith.constant 1 : i32
      %select_n3A_394 = arith.select %eq3A_392, %jit3A_393, %jit3A_390 : i32
      %rem3A_395 = arith.remsi %add3A_348, %select_n3A_394 : i32
      %ne3A_396 = arith.constant 0 : i32
      %ne3A_397 = arith.cmpi ne, %rem3A_395, %ne3A_396 : i32
      %lt3A_398 = arith.constant 0 : i32
      %lt3A_399 = arith.cmpi slt, %rem3A_395, %lt3A_398 : i32
      %lt3A_400 = arith.constant 0 : i32
      %lt3A_401 = arith.cmpi slt, %select_n3A_394, %lt3A_400 : i32
      %ne3A_402 = arith.xori %lt3A_399, %lt3A_401 : i1
      %and3A_403 = arith.andi %ne3A_402, %ne3A_397 : i1
      %add3A_404 = arith.addi %rem3A_395, %select_n3A_394 : i32
      %select_n3A_405 = arith.select %and3A_403, %add3A_404, %rem3A_395 : i32
      %mul3A_406 = arith.constant 64 : i32
      %mul3A_407 = arith.muli %select_n3A_405, %mul3A_406 : i32
      %add3A_408 = arith.addi %mul3A_2, %mul3A_407 : i32
      %dma_start3A_409 = arith.constant 1 : i32
      %dma_start3A_410 = arith.constant 1 : i32
      %dma_start3A_411 = arith.constant 0 : i32
      %dma_start3A_412 = arith.constant 0 : i32
      %dma_start3A_413 = tpu.memref_slice %arg6[%dma_start3A_409, %dma_start3A_411, %dma_start3A_412] : memref<10x64x128xf32, #tpu.memory_space<vmem>> -> memref<1x64x128xf32, #tpu.memory_space<vmem>>
      %dma_start3A_414 = tpu.memref_squeeze %dma_start3A_413 : memref<1x64x128xf32, #tpu.memory_space<vmem>> -> memref<64x128xf32, #tpu.memory_space<vmem>>
      %dma_start3A_415 = arith.constant 0 : i32
      %dma_start3A_416 = arith.constant 0 : i32
      %dma_start3A_417 = tpu.memref_slice %arg4[%select_n3A_389, %dma_start3A_415, %dma_start3A_416] : memref<50x16384x128xf32, #tpu.memory_space<hbm>> -> memref<1x16384x128xf32, #tpu.memory_space<hbm>>
      %dma_start3A_418 = tpu.memref_squeeze %dma_start3A_417 : memref<1x16384x128xf32, #tpu.memory_space<hbm>> -> memref<16384x128xf32, #tpu.memory_space<hbm>>
      %dma_start3A_419 = arith.constant 0 : i32
      %dma_start3A_420 = tpu.memref_slice %dma_start3A_418[%add3A_408, %dma_start3A_419] : memref<16384x128xf32, #tpu.memory_space<hbm>> -> memref<64x128xf32, #tpu.memory_space<hbm>>
      %dma_start3A_421 = tpu.memref_slice %arg8[%dma_start3A_410] : memref<10x!tpu.dma_semaphore, #tpu.memory_space<semaphore_mem>> -> memref<1x!tpu.dma_semaphore, #tpu.memory_space<semaphore_mem>>
      %dma_start3A_422 = tpu.memref_squeeze %dma_start3A_421 : memref<1x!tpu.dma_semaphore, #tpu.memory_space<semaphore_mem>> -> memref<!tpu.dma_semaphore, #tpu.memory_space<semaphore_mem>>
      %dma_start3A_423 = arith.constant 0 : i32
      %dma_start3A_424 = arith.constant 0 : i32
      %dma_start3A_425 = tpu.memref_slice %arg4[%select_n3A_389, %dma_start3A_423, %dma_start3A_424] : memref<50x16384x128xf32, #tpu.memory_space<hbm>> -> memref<1x16384x128xf32, #tpu.memory_space<hbm>>
      %dma_start3A_426 = tpu.memref_squeeze %dma_start3A_425 : memref<1x16384x128xf32, #tpu.memory_space<hbm>> -> memref<16384x128xf32, #tpu.memory_space<hbm>>
      %dma_start3A_427 = arith.constant 0 : i32
      %dma_start3A_428 = tpu.memref_slice %dma_start3A_426[%add3A_408, %dma_start3A_427] : memref<16384x128xf32, #tpu.memory_space<hbm>> -> memref<64x128xf32, #tpu.memory_space<hbm>>
      %dma_start3A_429 = arith.constant 0 : i32
      %dma_start3A_430 = arith.constant 0 : i32
      %dma_start3A_431 = tpu.memref_slice %arg6[%dma_start3A_409, %dma_start3A_429, %dma_start3A_430] : memref<10x64x128xf32, #tpu.memory_space<vmem>> -> memref<1x64x128xf32, #tpu.memory_space<vmem>>
      %dma_start3A_432 = tpu.memref_squeeze %dma_start3A_431 : memref<1x64x128xf32, #tpu.memory_space<vmem>> -> memref<64x128xf32, #tpu.memory_space<vmem>>
      tpu.enqueue_dma source(%dma_start3A_432 : memref<64x128xf32, #tpu.memory_space<vmem>>) target(%dma_start3A_428 : memref<64x128xf32, #tpu.memory_space<hbm>>) target_semaphore(%dma_start3A_422 : memref<!tpu.dma_semaphore, #tpu.memory_space<semaphore_mem>>)
      %sub3A_433 = arith.constant 3 : i32
      %sub3A_434 = arith.subi %add3A_348, %sub3A_433 : i32
      %add3A_435 = arith.constant 10 : i32
      %add3A_436 = arith.addi %sub3A_434, %add3A_435 : i32
      %ge3A_437 = arith.constant 3 : i32
      %ge3A_438 = arith.cmpi sge, %add3A_348, %ge3A_437 : i32
      %convert_element_type3A_439 = arith.extui %ge3A_438 : i1 to i32
      %cond3A_440 = arith.constant 0 : i32
      %cond3A_441 = arith.cmpi ne, %convert_element_type3A_439, %cond3A_440 : i32
      scf.if %cond3A_441 {
        %dma_wait3A_1218 = arith.constant 8 : i32
        %dma_wait3A_1219 = arith.constant 0 : i32
        %dma_wait3A_1220 = arith.constant 8 : i32
        %dma_wait3A_1221 = arith.constant 0 : i32
        %dma_wait3A_1222 = arith.constant 0 : i32
        %dma_wait3A_1223 = tpu.memref_slice %arg6[%dma_wait3A_1218, %dma_wait3A_1221, %dma_wait3A_1222] : memref<10x64x128xf32, #tpu.memory_space<vmem>> -> memref<1x64x128xf32, #tpu.memory_space<vmem>>
        %dma_wait3A_1224 = tpu.memref_squeeze %dma_wait3A_1223 : memref<1x64x128xf32, #tpu.memory_space<vmem>> -> memref<64x128xf32, #tpu.memory_space<vmem>>
        %dma_wait3A_1225 = arith.constant 0 : i32
        %dma_wait3A_1226 = arith.constant 0 : i32
        %dma_wait3A_1227 = tpu.memref_slice %arg4[%dma_wait3A_1219, %dma_wait3A_1225, %dma_wait3A_1226] : memref<50x16384x128xf32, #tpu.memory_space<hbm>> -> memref<1x16384x128xf32, #tpu.memory_space<hbm>>
        %dma_wait3A_1228 = tpu.memref_squeeze %dma_wait3A_1227 : memref<1x16384x128xf32, #tpu.memory_space<hbm>> -> memref<16384x128xf32, #tpu.memory_space<hbm>>
        %dma_wait3A_1229 = arith.constant 0 : i32
        %dma_wait3A_1230 = arith.constant 0 : i32
        %dma_wait3A_1231 = tpu.memref_slice %dma_wait3A_1228[%dma_wait3A_1229, %dma_wait3A_1230] : memref<16384x128xf32, #tpu.memory_space<hbm>> -> memref<64x128xf32, #tpu.memory_space<hbm>>
        %dma_wait3A_1232 = tpu.memref_slice %arg8[%dma_wait3A_1220] : memref<10x!tpu.dma_semaphore, #tpu.memory_space<semaphore_mem>> -> memref<1x!tpu.dma_semaphore, #tpu.memory_space<semaphore_mem>>
        %dma_wait3A_1233 = tpu.memref_squeeze %dma_wait3A_1232 : memref<1x!tpu.dma_semaphore, #tpu.memory_space<semaphore_mem>> -> memref<!tpu.dma_semaphore, #tpu.memory_space<semaphore_mem>>
        %dma_wait3A_1234 = arith.constant 0 : i32
        %dma_wait3A_1235 = arith.constant 0 : i32
        %dma_wait3A_1236 = tpu.memref_slice %arg4[%dma_wait3A_1219, %dma_wait3A_1234, %dma_wait3A_1235] : memref<50x16384x128xf32, #tpu.memory_space<hbm>> -> memref<1x16384x128xf32, #tpu.memory_space<hbm>>
        %dma_wait3A_1237 = tpu.memref_squeeze %dma_wait3A_1236 : memref<1x16384x128xf32, #tpu.memory_space<hbm>> -> memref<16384x128xf32, #tpu.memory_space<hbm>>
        %dma_wait3A_1238 = arith.constant 0 : i32
        %dma_wait3A_1239 = arith.constant 0 : i32
        %dma_wait3A_1240 = tpu.memref_slice %dma_wait3A_1237[%dma_wait3A_1238, %dma_wait3A_1239] : memref<16384x128xf32, #tpu.memory_space<hbm>> -> memref<64x128xf32, #tpu.memory_space<hbm>>
        %dma_wait3A_1241 = arith.constant 0 : i32
        %dma_wait3A_1242 = arith.constant 0 : i32
        %dma_wait3A_1243 = tpu.memref_slice %arg6[%dma_wait3A_1218, %dma_wait3A_1241, %dma_wait3A_1242] : memref<10x64x128xf32, #tpu.memory_space<vmem>> -> memref<1x64x128xf32, #tpu.memory_space<vmem>>
        %dma_wait3A_1244 = tpu.memref_squeeze %dma_wait3A_1243 : memref<1x64x128xf32, #tpu.memory_space<vmem>> -> memref<64x128xf32, #tpu.memory_space<vmem>>
        tpu.wait_dma2 semaphore(%dma_wait3A_1233 : memref<!tpu.dma_semaphore, #tpu.memory_space<semaphore_mem>>) src(%dma_wait3A_1244 : memref<64x128xf32, #tpu.memory_space<vmem>>) dst(%dma_wait3A_1240 : memref<64x128xf32, #tpu.memory_space<hbm>>)
        %lt3A_1245 = arith.constant 400 : i32
        %lt3A_1246 = arith.cmpi slt, %add3A_436, %lt3A_1245 : i32
        %convert_element_type3A_1247 = arith.extui %lt3A_1246 : i1 to i32
        %cond3A_1248 = arith.constant 0 : i32
        %cond3A_1249 = arith.cmpi ne, %convert_element_type3A_1247, %cond3A_1248 : i32
        scf.if %cond3A_1249 {
          %jit3A_1250 = arith.constant 8 : i32
          %div3A_1251 = arith.divsi %add3A_436, %jit3A_1250 : i32
          %sign3A_1252 = arith.constant 0 : i32
          %sign3A_1253 = arith.cmpi sgt, %add3A_436, %sign3A_1252 : i32
          %sign3A_1254 = arith.extui %sign3A_1253 : i1 to i32
          %sign3A_1255 = arith.constant 0 : i32
          %sign3A_1256 = arith.cmpi slt, %add3A_436, %sign3A_1255 : i32
          %sign3A_1257 = arith.extui %sign3A_1256 : i1 to i32
          %sign3A_1258 = arith.subi %sign3A_1254, %sign3A_1257 : i32
          %sign3A_1259 = arith.constant 0 : i32
          %sign3A_1260 = arith.cmpi sgt, %jit3A_1250, %sign3A_1259 : i32
          %sign3A_1261 = arith.extui %sign3A_1260 : i1 to i32
          %sign3A_1262 = arith.constant 0 : i32
          %sign3A_1263 = arith.cmpi slt, %jit3A_1250, %sign3A_1262 : i32
          %sign3A_1264 = arith.extui %sign3A_1263 : i1 to i32
          %sign3A_1265 = arith.subi %sign3A_1261, %sign3A_1264 : i32
          %ne3A_1266 = arith.cmpi ne, %sign3A_1258, %sign3A_1265 : i32
          %rem3A_1267 = arith.remsi %add3A_436, %jit3A_1250 : i32
          %ne3A_1268 = arith.constant 0 : i32
          %ne3A_1269 = arith.cmpi ne, %rem3A_1267, %ne3A_1268 : i32
          %and3A_1270 = arith.andi %ne3A_1266, %ne3A_1269 : i1
          %sub3A_1271 = arith.constant 1 : i32
          %sub3A_1272 = arith.subi %div3A_1251, %sub3A_1271 : i32
          %select_n3A_1273 = arith.select %and3A_1270, %sub3A_1272, %div3A_1251 : i32
          %jit3A_1274 = arith.constant 8 : i32
          %eq3A_1275 = arith.constant 0 : i32
          %eq3A_1276 = arith.cmpi eq, %jit3A_1274, %eq3A_1275 : i32
          %jit3A_1277 = arith.constant 1 : i32
          %select_n3A_1278 = arith.select %eq3A_1276, %jit3A_1277, %jit3A_1274 : i32
          %rem3A_1279 = arith.remsi %add3A_436, %select_n3A_1278 : i32
          %ne3A_1280 = arith.constant 0 : i32
          %ne3A_1281 = arith.cmpi ne, %rem3A_1279, %ne3A_1280 : i32
          %lt3A_1282 = arith.constant 0 : i32
          %lt3A_1283 = arith.cmpi slt, %rem3A_1279, %lt3A_1282 : i32
          %lt3A_1284 = arith.constant 0 : i32
          %lt3A_1285 = arith.cmpi slt, %select_n3A_1278, %lt3A_1284 : i32
          %ne3A_1286 = arith.xori %lt3A_1283, %lt3A_1285 : i1
          %and3A_1287 = arith.andi %ne3A_1286, %ne3A_1281 : i1
          %add3A_1288 = arith.addi %rem3A_1279, %select_n3A_1278 : i32
          %select_n3A_1289 = arith.select %and3A_1287, %add3A_1288, %rem3A_1279 : i32
          %mul3A_1290 = arith.constant 64 : i32
          %mul3A_1291 = arith.muli %select_n3A_1289, %mul3A_1290 : i32
          %dma_start3A_1292 = arith.constant 8 : i32
          %dma_start3A_1293 = arith.constant 8 : i32
          %dma_start3A_1294 = arith.constant 0 : i32
          %dma_start3A_1295 = arith.constant 0 : i32
          %dma_start3A_1296 = tpu.memref_slice %arg6[%dma_start3A_1292, %dma_start3A_1294, %dma_start3A_1295] : memref<10x64x128xf32, #tpu.memory_space<vmem>> -> memref<1x64x128xf32, #tpu.memory_space<vmem>>
          %dma_start3A_1297 = tpu.memref_squeeze %dma_start3A_1296 : memref<1x64x128xf32, #tpu.memory_space<vmem>> -> memref<64x128xf32, #tpu.memory_space<vmem>>
          %dma_start3A_1298 = arith.constant 0 : i32
          %dma_start3A_1299 = tpu.memref_slice %arg5[%select_n3A_1273, %dma_start3A_1298] : memref<50x512xi32, #tpu.memory_space<vmem>> -> memref<1x512xi32, #tpu.memory_space<vmem>>
          %dma_start3A_1300 = tpu.memref_squeeze %dma_start3A_1299 : memref<1x512xi32, #tpu.memory_space<vmem>> -> memref<512xi32, #tpu.memory_space<vmem>>
          %dma_start3A_1301 = tpu.memref_slice %dma_start3A_1300[%mul3A_1291] : memref<512xi32, #tpu.memory_space<vmem>> -> memref<64xi32, #tpu.memory_space<vmem>>
          %dma_start3A_1302 = arith.constant 0 : i32
          %dma_start3A_1303 = arith.constant 0 : i32
          %dma_start3A_1304 = tpu.memref_slice %arg3[%dma_start3A_1302, %dma_start3A_1303] : memref<100000x128xf32, #tpu.memory_space<hbm>> -> memref<100000x128xf32, #tpu.memory_space<hbm>>
          %dma_start3A_1305 = tpu.memref_slice %arg7[%dma_start3A_1293] : memref<10x!tpu.dma_semaphore, #tpu.memory_space<semaphore_mem>> -> memref<1x!tpu.dma_semaphore, #tpu.memory_space<semaphore_mem>>
          %dma_start3A_1306 = tpu.memref_squeeze %dma_start3A_1305 : memref<1x!tpu.dma_semaphore, #tpu.memory_space<semaphore_mem>> -> memref<!tpu.dma_semaphore, #tpu.memory_space<semaphore_mem>>
          tpu.enqueue_indirect_dma source(%dma_start3A_1304 : memref<100000x128xf32, #tpu.memory_space<hbm>>) target(%dma_start3A_1297 : memref<64x128xf32, #tpu.memory_space<vmem>>) offsets(%dma_start3A_1301 : memref<64xi32, #tpu.memory_space<vmem>>) semaphore(%dma_start3A_1306 : memref<!tpu.dma_semaphore, #tpu.memory_space<semaphore_mem>>)
        } else {
        }
      } else {
      }
      %mul3A_442 = arith.constant 10 : i32
      %mul3A_443 = arith.muli %add3A_260, %mul3A_442 : i32
      %add3A_444 = arith.constant 2 : i32
      %add3A_445 = arith.addi %mul3A_443, %add3A_444 : i32
      %dma_wait3A_446 = arith.constant 0 : i32
      %dma_wait3A_447 = arith.constant 2 : i32
      %dma_wait3A_448 = arith.constant 2 : i32
      %dma_wait3A_449 = arith.constant 0 : i32
      %dma_wait3A_450 = arith.constant 0 : i32
      %dma_wait3A_451 = tpu.memref_slice %arg6[%dma_wait3A_447, %dma_wait3A_449, %dma_wait3A_450] : memref<10x64x128xf32, #tpu.memory_space<vmem>> -> memref<1x64x128xf32, #tpu.memory_space<vmem>>
      %dma_wait3A_452 = tpu.memref_squeeze %dma_wait3A_451 : memref<1x64x128xf32, #tpu.memory_space<vmem>> -> memref<64x128xf32, #tpu.memory_space<vmem>>
      %dma_wait3A_453 = arith.constant 0 : i32
      %dma_wait3A_454 = tpu.memref_slice %arg5[%dma_wait3A_446, %dma_wait3A_453] : memref<50x512xi32, #tpu.memory_space<vmem>> -> memref<1x512xi32, #tpu.memory_space<vmem>>
      %dma_wait3A_455 = tpu.memref_squeeze %dma_wait3A_454 : memref<1x512xi32, #tpu.memory_space<vmem>> -> memref<512xi32, #tpu.memory_space<vmem>>
      %dma_wait3A_456 = arith.constant 0 : i32
      %dma_wait3A_457 = tpu.memref_slice %dma_wait3A_455[%dma_wait3A_456] : memref<512xi32, #tpu.memory_space<vmem>> -> memref<64xi32, #tpu.memory_space<vmem>>
      %dma_wait3A_458 = arith.constant 0 : i32
      %dma_wait3A_459 = arith.constant 0 : i32
      %dma_wait3A_460 = tpu.memref_slice %arg3[%dma_wait3A_458, %dma_wait3A_459] : memref<100000x128xf32, #tpu.memory_space<hbm>> -> memref<100000x128xf32, #tpu.memory_space<hbm>>
      %dma_wait3A_461 = tpu.memref_slice %arg7[%dma_wait3A_448] : memref<10x!tpu.dma_semaphore, #tpu.memory_space<semaphore_mem>> -> memref<1x!tpu.dma_semaphore, #tpu.memory_space<semaphore_mem>>
      %dma_wait3A_462 = tpu.memref_squeeze %dma_wait3A_461 : memref<1x!tpu.dma_semaphore, #tpu.memory_space<semaphore_mem>> -> memref<!tpu.dma_semaphore, #tpu.memory_space<semaphore_mem>>
      tpu.wait_indirect_dma semaphore(%dma_wait3A_462 : memref<!tpu.dma_semaphore, #tpu.memory_space<semaphore_mem>>) src(%dma_wait3A_460 : memref<100000x128xf32, #tpu.memory_space<hbm>>) dst(%dma_wait3A_452 : memref<64x128xf32, #tpu.memory_space<vmem>>)
      %jit3A_463 = arith.constant 8 : i32
      %div3A_464 = arith.divsi %add3A_445, %jit3A_463 : i32
      %sign3A_465 = arith.constant 0 : i32
      %sign3A_466 = arith.cmpi sgt, %add3A_445, %sign3A_465 : i32
      %sign3A_467 = arith.extui %sign3A_466 : i1 to i32
      %sign3A_468 = arith.constant 0 : i32
      %sign3A_469 = arith.cmpi slt, %add3A_445, %sign3A_468 : i32
      %sign3A_470 = arith.extui %sign3A_469 : i1 to i32
      %sign3A_471 = arith.subi %sign3A_467, %sign3A_470 : i32
      %sign3A_472 = arith.constant 0 : i32
      %sign3A_473 = arith.cmpi sgt, %jit3A_463, %sign3A_472 : i32
      %sign3A_474 = arith.extui %sign3A_473 : i1 to i32
      %sign3A_475 = arith.constant 0 : i32
      %sign3A_476 = arith.cmpi slt, %jit3A_463, %sign3A_475 : i32
      %sign3A_477 = arith.extui %sign3A_476 : i1 to i32
      %sign3A_478 = arith.subi %sign3A_474, %sign3A_477 : i32
      %ne3A_479 = arith.cmpi ne, %sign3A_471, %sign3A_478 : i32
      %rem3A_480 = arith.remsi %add3A_445, %jit3A_463 : i32
      %ne3A_481 = arith.constant 0 : i32
      %ne3A_482 = arith.cmpi ne, %rem3A_480, %ne3A_481 : i32
      %and3A_483 = arith.andi %ne3A_479, %ne3A_482 : i1
      %sub3A_484 = arith.constant 1 : i32
      %sub3A_485 = arith.subi %div3A_464, %sub3A_484 : i32
      %select_n3A_486 = arith.select %and3A_483, %sub3A_485, %div3A_464 : i32
      %jit3A_487 = arith.constant 8 : i32
      %eq3A_488 = arith.constant 0 : i32
      %eq3A_489 = arith.cmpi eq, %jit3A_487, %eq3A_488 : i32
      %jit3A_490 = arith.constant 1 : i32
      %select_n3A_491 = arith.select %eq3A_489, %jit3A_490, %jit3A_487 : i32
      %rem3A_492 = arith.remsi %add3A_445, %select_n3A_491 : i32
      %ne3A_493 = arith.constant 0 : i32
      %ne3A_494 = arith.cmpi ne, %rem3A_492, %ne3A_493 : i32
      %lt3A_495 = arith.constant 0 : i32
      %lt3A_496 = arith.cmpi slt, %rem3A_492, %lt3A_495 : i32
      %lt3A_497 = arith.constant 0 : i32
      %lt3A_498 = arith.cmpi slt, %select_n3A_491, %lt3A_497 : i32
      %ne3A_499 = arith.xori %lt3A_496, %lt3A_498 : i1
      %and3A_500 = arith.andi %ne3A_499, %ne3A_494 : i1
      %add3A_501 = arith.addi %rem3A_492, %select_n3A_491 : i32
      %select_n3A_502 = arith.select %and3A_500, %add3A_501, %rem3A_492 : i32
      %mul3A_503 = arith.constant 64 : i32
      %mul3A_504 = arith.muli %select_n3A_502, %mul3A_503 : i32
      %add3A_505 = arith.addi %mul3A_2, %mul3A_504 : i32
      %dma_start3A_506 = arith.constant 2 : i32
      %dma_start3A_507 = arith.constant 2 : i32
      %dma_start3A_508 = arith.constant 0 : i32
      %dma_start3A_509 = arith.constant 0 : i32
      %dma_start3A_510 = tpu.memref_slice %arg6[%dma_start3A_506, %dma_start3A_508, %dma_start3A_509] : memref<10x64x128xf32, #tpu.memory_space<vmem>> -> memref<1x64x128xf32, #tpu.memory_space<vmem>>
      %dma_start3A_511 = tpu.memref_squeeze %dma_start3A_510 : memref<1x64x128xf32, #tpu.memory_space<vmem>> -> memref<64x128xf32, #tpu.memory_space<vmem>>
      %dma_start3A_512 = arith.constant 0 : i32
      %dma_start3A_513 = arith.constant 0 : i32
      %dma_start3A_514 = tpu.memref_slice %arg4[%select_n3A_486, %dma_start3A_512, %dma_start3A_513] : memref<50x16384x128xf32, #tpu.memory_space<hbm>> -> memref<1x16384x128xf32, #tpu.memory_space<hbm>>
      %dma_start3A_515 = tpu.memref_squeeze %dma_start3A_514 : memref<1x16384x128xf32, #tpu.memory_space<hbm>> -> memref<16384x128xf32, #tpu.memory_space<hbm>>
      %dma_start3A_516 = arith.constant 0 : i32
      %dma_start3A_517 = tpu.memref_slice %dma_start3A_515[%add3A_505, %dma_start3A_516] : memref<16384x128xf32, #tpu.memory_space<hbm>> -> memref<64x128xf32, #tpu.memory_space<hbm>>
      %dma_start3A_518 = tpu.memref_slice %arg8[%dma_start3A_507] : memref<10x!tpu.dma_semaphore, #tpu.memory_space<semaphore_mem>> -> memref<1x!tpu.dma_semaphore, #tpu.memory_space<semaphore_mem>>
      %dma_start3A_519 = tpu.memref_squeeze %dma_start3A_518 : memref<1x!tpu.dma_semaphore, #tpu.memory_space<semaphore_mem>> -> memref<!tpu.dma_semaphore, #tpu.memory_space<semaphore_mem>>
      %dma_start3A_520 = arith.constant 0 : i32
      %dma_start3A_521 = arith.constant 0 : i32
      %dma_start3A_522 = tpu.memref_slice %arg4[%select_n3A_486, %dma_start3A_520, %dma_start3A_521] : memref<50x16384x128xf32, #tpu.memory_space<hbm>> -> memref<1x16384x128xf32, #tpu.memory_space<hbm>>
      %dma_start3A_523 = tpu.memref_squeeze %dma_start3A_522 : memref<1x16384x128xf32, #tpu.memory_space<hbm>> -> memref<16384x128xf32, #tpu.memory_space<hbm>>
      %dma_start3A_524 = arith.constant 0 : i32
      %dma_start3A_525 = tpu.memref_slice %dma_start3A_523[%add3A_505, %dma_start3A_524] : memref<16384x128xf32, #tpu.memory_space<hbm>> -> memref<64x128xf32, #tpu.memory_space<hbm>>
      %dma_start3A_526 = arith.constant 0 : i32
      %dma_start3A_527 = arith.constant 0 : i32
      %dma_start3A_528 = tpu.memref_slice %arg6[%dma_start3A_506, %dma_start3A_526, %dma_start3A_527] : memref<10x64x128xf32, #tpu.memory_space<vmem>> -> memref<1x64x128xf32, #tpu.memory_space<vmem>>
      %dma_start3A_529 = tpu.memref_squeeze %dma_start3A_528 : memref<1x64x128xf32, #tpu.memory_space<vmem>> -> memref<64x128xf32, #tpu.memory_space<vmem>>
      tpu.enqueue_dma source(%dma_start3A_529 : memref<64x128xf32, #tpu.memory_space<vmem>>) target(%dma_start3A_525 : memref<64x128xf32, #tpu.memory_space<hbm>>) target_semaphore(%dma_start3A_519 : memref<!tpu.dma_semaphore, #tpu.memory_space<semaphore_mem>>)
      %sub3A_530 = arith.constant 3 : i32
      %sub3A_531 = arith.subi %add3A_445, %sub3A_530 : i32
      %add3A_532 = arith.constant 10 : i32
      %add3A_533 = arith.addi %sub3A_531, %add3A_532 : i32
      %ge3A_534 = arith.constant 3 : i32
      %ge3A_535 = arith.cmpi sge, %add3A_445, %ge3A_534 : i32
      %convert_element_type3A_536 = arith.extui %ge3A_535 : i1 to i32
      %cond3A_537 = arith.constant 0 : i32
      %cond3A_538 = arith.cmpi ne, %convert_element_type3A_536, %cond3A_537 : i32
      scf.if %cond3A_538 {
        %dma_wait3A_1218 = arith.constant 9 : i32
        %dma_wait3A_1219 = arith.constant 0 : i32
        %dma_wait3A_1220 = arith.constant 9 : i32
        %dma_wait3A_1221 = arith.constant 0 : i32
        %dma_wait3A_1222 = arith.constant 0 : i32
        %dma_wait3A_1223 = tpu.memref_slice %arg6[%dma_wait3A_1218, %dma_wait3A_1221, %dma_wait3A_1222] : memref<10x64x128xf32, #tpu.memory_space<vmem>> -> memref<1x64x128xf32, #tpu.memory_space<vmem>>
        %dma_wait3A_1224 = tpu.memref_squeeze %dma_wait3A_1223 : memref<1x64x128xf32, #tpu.memory_space<vmem>> -> memref<64x128xf32, #tpu.memory_space<vmem>>
        %dma_wait3A_1225 = arith.constant 0 : i32
        %dma_wait3A_1226 = arith.constant 0 : i32
        %dma_wait3A_1227 = tpu.memref_slice %arg4[%dma_wait3A_1219, %dma_wait3A_1225, %dma_wait3A_1226] : memref<50x16384x128xf32, #tpu.memory_space<hbm>> -> memref<1x16384x128xf32, #tpu.memory_space<hbm>>
        %dma_wait3A_1228 = tpu.memref_squeeze %dma_wait3A_1227 : memref<1x16384x128xf32, #tpu.memory_space<hbm>> -> memref<16384x128xf32, #tpu.memory_space<hbm>>
        %dma_wait3A_1229 = arith.constant 0 : i32
        %dma_wait3A_1230 = arith.constant 0 : i32
        %dma_wait3A_1231 = tpu.memref_slice %dma_wait3A_1228[%dma_wait3A_1229, %dma_wait3A_1230] : memref<16384x128xf32, #tpu.memory_space<hbm>> -> memref<64x128xf32, #tpu.memory_space<hbm>>
        %dma_wait3A_1232 = tpu.memref_slice %arg8[%dma_wait3A_1220] : memref<10x!tpu.dma_semaphore, #tpu.memory_space<semaphore_mem>> -> memref<1x!tpu.dma_semaphore, #tpu.memory_space<semaphore_mem>>
        %dma_wait3A_1233 = tpu.memref_squeeze %dma_wait3A_1232 : memref<1x!tpu.dma_semaphore, #tpu.memory_space<semaphore_mem>> -> memref<!tpu.dma_semaphore, #tpu.memory_space<semaphore_mem>>
        %dma_wait3A_1234 = arith.constant 0 : i32
        %dma_wait3A_1235 = arith.constant 0 : i32
        %dma_wait3A_1236 = tpu.memref_slice %arg4[%dma_wait3A_1219, %dma_wait3A_1234, %dma_wait3A_1235] : memref<50x16384x128xf32, #tpu.memory_space<hbm>> -> memref<1x16384x128xf32, #tpu.memory_space<hbm>>
        %dma_wait3A_1237 = tpu.memref_squeeze %dma_wait3A_1236 : memref<1x16384x128xf32, #tpu.memory_space<hbm>> -> memref<16384x128xf32, #tpu.memory_space<hbm>>
        %dma_wait3A_1238 = arith.constant 0 : i32
        %dma_wait3A_1239 = arith.constant 0 : i32
        %dma_wait3A_1240 = tpu.memref_slice %dma_wait3A_1237[%dma_wait3A_1238, %dma_wait3A_1239] : memref<16384x128xf32, #tpu.memory_space<hbm>> -> memref<64x128xf32, #tpu.memory_space<hbm>>
        %dma_wait3A_1241 = arith.constant 0 : i32
        %dma_wait3A_1242 = arith.constant 0 : i32
        %dma_wait3A_1243 = tpu.memref_slice %arg6[%dma_wait3A_1218, %dma_wait3A_1241, %dma_wait3A_1242] : memref<10x64x128xf32, #tpu.memory_space<vmem>> -> memref<1x64x128xf32, #tpu.memory_space<vmem>>
        %dma_wait3A_1244 = tpu.memref_squeeze %dma_wait3A_1243 : memref<1x64x128xf32, #tpu.memory_space<vmem>> -> memref<64x128xf32, #tpu.memory_space<vmem>>
        tpu.wait_dma2 semaphore(%dma_wait3A_1233 : memref<!tpu.dma_semaphore, #tpu.memory_space<semaphore_mem>>) src(%dma_wait3A_1244 : memref<64x128xf32, #tpu.memory_space<vmem>>) dst(%dma_wait3A_1240 : memref<64x128xf32, #tpu.memory_space<hbm>>)
        %lt3A_1245 = arith.constant 400 : i32
        %lt3A_1246 = arith.cmpi slt, %add3A_533, %lt3A_1245 : i32
        %convert_element_type3A_1247 = arith.extui %lt3A_1246 : i1 to i32
        %cond3A_1248 = arith.constant 0 : i32
        %cond3A_1249 = arith.cmpi ne, %convert_element_type3A_1247, %cond3A_1248 : i32
        scf.if %cond3A_1249 {
          %jit3A_1250 = arith.constant 8 : i32
          %div3A_1251 = arith.divsi %add3A_533, %jit3A_1250 : i32
          %sign3A_1252 = arith.constant 0 : i32
          %sign3A_1253 = arith.cmpi sgt, %add3A_533, %sign3A_1252 : i32
          %sign3A_1254 = arith.extui %sign3A_1253 : i1 to i32
          %sign3A_1255 = arith.constant 0 : i32
          %sign3A_1256 = arith.cmpi slt, %add3A_533, %sign3A_1255 : i32
          %sign3A_1257 = arith.extui %sign3A_1256 : i1 to i32
          %sign3A_1258 = arith.subi %sign3A_1254, %sign3A_1257 : i32
          %sign3A_1259 = arith.constant 0 : i32
          %sign3A_1260 = arith.cmpi sgt, %jit3A_1250, %sign3A_1259 : i32
          %sign3A_1261 = arith.extui %sign3A_1260 : i1 to i32
          %sign3A_1262 = arith.constant 0 : i32
          %sign3A_1263 = arith.cmpi slt, %jit3A_1250, %sign3A_1262 : i32
          %sign3A_1264 = arith.extui %sign3A_1263 : i1 to i32
          %sign3A_1265 = arith.subi %sign3A_1261, %sign3A_1264 : i32
          %ne3A_1266 = arith.cmpi ne, %sign3A_1258, %sign3A_1265 : i32
          %rem3A_1267 = arith.remsi %add3A_533, %jit3A_1250 : i32
          %ne3A_1268 = arith.constant 0 : i32
          %ne3A_1269 = arith.cmpi ne, %rem3A_1267, %ne3A_1268 : i32
          %and3A_1270 = arith.andi %ne3A_1266, %ne3A_1269 : i1
          %sub3A_1271 = arith.constant 1 : i32
          %sub3A_1272 = arith.subi %div3A_1251, %sub3A_1271 : i32
          %select_n3A_1273 = arith.select %and3A_1270, %sub3A_1272, %div3A_1251 : i32
          %jit3A_1274 = arith.constant 8 : i32
          %eq3A_1275 = arith.constant 0 : i32
          %eq3A_1276 = arith.cmpi eq, %jit3A_1274, %eq3A_1275 : i32
          %jit3A_1277 = arith.constant 1 : i32
          %select_n3A_1278 = arith.select %eq3A_1276, %jit3A_1277, %jit3A_1274 : i32
          %rem3A_1279 = arith.remsi %add3A_533, %select_n3A_1278 : i32
          %ne3A_1280 = arith.constant 0 : i32
          %ne3A_1281 = arith.cmpi ne, %rem3A_1279, %ne3A_1280 : i32
          %lt3A_1282 = arith.constant 0 : i32
          %lt3A_1283 = arith.cmpi slt, %rem3A_1279, %lt3A_1282 : i32
          %lt3A_1284 = arith.constant 0 : i32
          %lt3A_1285 = arith.cmpi slt, %select_n3A_1278, %lt3A_1284 : i32
          %ne3A_1286 = arith.xori %lt3A_1283, %lt3A_1285 : i1
          %and3A_1287 = arith.andi %ne3A_1286, %ne3A_1281 : i1
          %add3A_1288 = arith.addi %rem3A_1279, %select_n3A_1278 : i32
          %select_n3A_1289 = arith.select %and3A_1287, %add3A_1288, %rem3A_1279 : i32
          %mul3A_1290 = arith.constant 64 : i32
          %mul3A_1291 = arith.muli %select_n3A_1289, %mul3A_1290 : i32
          %dma_start3A_1292 = arith.constant 9 : i32
          %dma_start3A_1293 = arith.constant 9 : i32
          %dma_start3A_1294 = arith.constant 0 : i32
          %dma_start3A_1295 = arith.constant 0 : i32
          %dma_start3A_1296 = tpu.memref_slice %arg6[%dma_start3A_1292, %dma_start3A_1294, %dma_start3A_1295] : memref<10x64x128xf32, #tpu.memory_space<vmem>> -> memref<1x64x128xf32, #tpu.memory_space<vmem>>
          %dma_start3A_1297 = tpu.memref_squeeze %dma_start3A_1296 : memref<1x64x128xf32, #tpu.memory_space<vmem>> -> memref<64x128xf32, #tpu.memory_space<vmem>>
          %dma_start3A_1298 = arith.constant 0 : i32
          %dma_start3A_1299 = tpu.memref_slice %arg5[%select_n3A_1273, %dma_start3A_1298] : memref<50x512xi32, #tpu.memory_space<vmem>> -> memref<1x512xi32, #tpu.memory_space<vmem>>
          %dma_start3A_1300 = tpu.memref_squeeze %dma_start3A_1299 : memref<1x512xi32, #tpu.memory_space<vmem>> -> memref<512xi32, #tpu.memory_space<vmem>>
          %dma_start3A_1301 = tpu.memref_slice %dma_start3A_1300[%mul3A_1291] : memref<512xi32, #tpu.memory_space<vmem>> -> memref<64xi32, #tpu.memory_space<vmem>>
          %dma_start3A_1302 = arith.constant 0 : i32
          %dma_start3A_1303 = arith.constant 0 : i32
          %dma_start3A_1304 = tpu.memref_slice %arg3[%dma_start3A_1302, %dma_start3A_1303] : memref<100000x128xf32, #tpu.memory_space<hbm>> -> memref<100000x128xf32, #tpu.memory_space<hbm>>
          %dma_start3A_1305 = tpu.memref_slice %arg7[%dma_start3A_1293] : memref<10x!tpu.dma_semaphore, #tpu.memory_space<semaphore_mem>> -> memref<1x!tpu.dma_semaphore, #tpu.memory_space<semaphore_mem>>
          %dma_start3A_1306 = tpu.memref_squeeze %dma_start3A_1305 : memref<1x!tpu.dma_semaphore, #tpu.memory_space<semaphore_mem>> -> memref<!tpu.dma_semaphore, #tpu.memory_space<semaphore_mem>>
          tpu.enqueue_indirect_dma source(%dma_start3A_1304 : memref<100000x128xf32, #tpu.memory_space<hbm>>) target(%dma_start3A_1297 : memref<64x128xf32, #tpu.memory_space<vmem>>) offsets(%dma_start3A_1301 : memref<64xi32, #tpu.memory_space<vmem>>) semaphore(%dma_start3A_1306 : memref<!tpu.dma_semaphore, #tpu.memory_space<semaphore_mem>>)
        } else {
        }
      } else {
      }
      %mul3A_539 = arith.constant 10 : i32
      %mul3A_540 = arith.muli %add3A_260, %mul3A_539 : i32
      %add3A_541 = arith.constant 3 : i32
      %add3A_542 = arith.addi %mul3A_540, %add3A_541 : i32
      %dma_wait3A_543 = arith.constant 0 : i32
      %dma_wait3A_544 = arith.constant 3 : i32
      %dma_wait3A_545 = arith.constant 3 : i32
      %dma_wait3A_546 = arith.constant 0 : i32
      %dma_wait3A_547 = arith.constant 0 : i32
      %dma_wait3A_548 = tpu.memref_slice %arg6[%dma_wait3A_544, %dma_wait3A_546, %dma_wait3A_547] : memref<10x64x128xf32, #tpu.memory_space<vmem>> -> memref<1x64x128xf32, #tpu.memory_space<vmem>>
      %dma_wait3A_549 = tpu.memref_squeeze %dma_wait3A_548 : memref<1x64x128xf32, #tpu.memory_space<vmem>> -> memref<64x128xf32, #tpu.memory_space<vmem>>
      %dma_wait3A_550 = arith.constant 0 : i32
      %dma_wait3A_551 = tpu.memref_slice %arg5[%dma_wait3A_543, %dma_wait3A_550] : memref<50x512xi32, #tpu.memory_space<vmem>> -> memref<1x512xi32, #tpu.memory_space<vmem>>
      %dma_wait3A_552 = tpu.memref_squeeze %dma_wait3A_551 : memref<1x512xi32, #tpu.memory_space<vmem>> -> memref<512xi32, #tpu.memory_space<vmem>>
      %dma_wait3A_553 = arith.constant 0 : i32
      %dma_wait3A_554 = tpu.memref_slice %dma_wait3A_552[%dma_wait3A_553] : memref<512xi32, #tpu.memory_space<vmem>> -> memref<64xi32, #tpu.memory_space<vmem>>
      %dma_wait3A_555 = arith.constant 0 : i32
      %dma_wait3A_556 = arith.constant 0 : i32
      %dma_wait3A_557 = tpu.memref_slice %arg3[%dma_wait3A_555, %dma_wait3A_556] : memref<100000x128xf32, #tpu.memory_space<hbm>> -> memref<100000x128xf32, #tpu.memory_space<hbm>>
      %dma_wait3A_558 = tpu.memref_slice %arg7[%dma_wait3A_545] : memref<10x!tpu.dma_semaphore, #tpu.memory_space<semaphore_mem>> -> memref<1x!tpu.dma_semaphore, #tpu.memory_space<semaphore_mem>>
      %dma_wait3A_559 = tpu.memref_squeeze %dma_wait3A_558 : memref<1x!tpu.dma_semaphore, #tpu.memory_space<semaphore_mem>> -> memref<!tpu.dma_semaphore, #tpu.memory_space<semaphore_mem>>
      tpu.wait_indirect_dma semaphore(%dma_wait3A_559 : memref<!tpu.dma_semaphore, #tpu.memory_space<semaphore_mem>>) src(%dma_wait3A_557 : memref<100000x128xf32, #tpu.memory_space<hbm>>) dst(%dma_wait3A_549 : memref<64x128xf32, #tpu.memory_space<vmem>>)
      %jit3A_560 = arith.constant 8 : i32
      %div3A_561 = arith.divsi %add3A_542, %jit3A_560 : i32
      %sign3A_562 = arith.constant 0 : i32
      %sign3A_563 = arith.cmpi sgt, %add3A_542, %sign3A_562 : i32
      %sign3A_564 = arith.extui %sign3A_563 : i1 to i32
      %sign3A_565 = arith.constant 0 : i32
      %sign3A_566 = arith.cmpi slt, %add3A_542, %sign3A_565 : i32
      %sign3A_567 = arith.extui %sign3A_566 : i1 to i32
      %sign3A_568 = arith.subi %sign3A_564, %sign3A_567 : i32
      %sign3A_569 = arith.constant 0 : i32
      %sign3A_570 = arith.cmpi sgt, %jit3A_560, %sign3A_569 : i32
      %sign3A_571 = arith.extui %sign3A_570 : i1 to i32
      %sign3A_572 = arith.constant 0 : i32
      %sign3A_573 = arith.cmpi slt, %jit3A_560, %sign3A_572 : i32
      %sign3A_574 = arith.extui %sign3A_573 : i1 to i32
      %sign3A_575 = arith.subi %sign3A_571, %sign3A_574 : i32
      %ne3A_576 = arith.cmpi ne, %sign3A_568, %sign3A_575 : i32
      %rem3A_577 = arith.remsi %add3A_542, %jit3A_560 : i32
      %ne3A_578 = arith.constant 0 : i32
      %ne3A_579 = arith.cmpi ne, %rem3A_577, %ne3A_578 : i32
      %and3A_580 = arith.andi %ne3A_576, %ne3A_579 : i1
      %sub3A_581 = arith.constant 1 : i32
      %sub3A_582 = arith.subi %div3A_561, %sub3A_581 : i32
      %select_n3A_583 = arith.select %and3A_580, %sub3A_582, %div3A_561 : i32
      %jit3A_584 = arith.constant 8 : i32
      %eq3A_585 = arith.constant 0 : i32
      %eq3A_586 = arith.cmpi eq, %jit3A_584, %eq3A_585 : i32
      %jit3A_587 = arith.constant 1 : i32
      %select_n3A_588 = arith.select %eq3A_586, %jit3A_587, %jit3A_584 : i32
      %rem3A_589 = arith.remsi %add3A_542, %select_n3A_588 : i32
      %ne3A_590 = arith.constant 0 : i32
      %ne3A_591 = arith.cmpi ne, %rem3A_589, %ne3A_590 : i32
      %lt3A_592 = arith.constant 0 : i32
      %lt3A_593 = arith.cmpi slt, %rem3A_589, %lt3A_592 : i32
      %lt3A_594 = arith.constant 0 : i32
      %lt3A_595 = arith.cmpi slt, %select_n3A_588, %lt3A_594 : i32
      %ne3A_596 = arith.xori %lt3A_593, %lt3A_595 : i1
      %and3A_597 = arith.andi %ne3A_596, %ne3A_591 : i1
      %add3A_598 = arith.addi %rem3A_589, %select_n3A_588 : i32
      %select_n3A_599 = arith.select %and3A_597, %add3A_598, %rem3A_589 : i32
      %mul3A_600 = arith.constant 64 : i32
      %mul3A_601 = arith.muli %select_n3A_599, %mul3A_600 : i32
      %add3A_602 = arith.addi %mul3A_2, %mul3A_601 : i32
      %dma_start3A_603 = arith.constant 3 : i32
      %dma_start3A_604 = arith.constant 3 : i32
      %dma_start3A_605 = arith.constant 0 : i32
      %dma_start3A_606 = arith.constant 0 : i32
      %dma_start3A_607 = tpu.memref_slice %arg6[%dma_start3A_603, %dma_start3A_605, %dma_start3A_606] : memref<10x64x128xf32, #tpu.memory_space<vmem>> -> memref<1x64x128xf32, #tpu.memory_space<vmem>>
      %dma_start3A_608 = tpu.memref_squeeze %dma_start3A_607 : memref<1x64x128xf32, #tpu.memory_space<vmem>> -> memref<64x128xf32, #tpu.memory_space<vmem>>
      %dma_start3A_609 = arith.constant 0 : i32
      %dma_start3A_610 = arith.constant 0 : i32
      %dma_start3A_611 = tpu.memref_slice %arg4[%select_n3A_583, %dma_start3A_609, %dma_start3A_610] : memref<50x16384x128xf32, #tpu.memory_space<hbm>> -> memref<1x16384x128xf32, #tpu.memory_space<hbm>>
      %dma_start3A_612 = tpu.memref_squeeze %dma_start3A_611 : memref<1x16384x128xf32, #tpu.memory_space<hbm>> -> memref<16384x128xf32, #tpu.memory_space<hbm>>
      %dma_start3A_613 = arith.constant 0 : i32
      %dma_start3A_614 = tpu.memref_slice %dma_start3A_612[%add3A_602, %dma_start3A_613] : memref<16384x128xf32, #tpu.memory_space<hbm>> -> memref<64x128xf32, #tpu.memory_space<hbm>>
      %dma_start3A_615 = tpu.memref_slice %arg8[%dma_start3A_604] : memref<10x!tpu.dma_semaphore, #tpu.memory_space<semaphore_mem>> -> memref<1x!tpu.dma_semaphore, #tpu.memory_space<semaphore_mem>>
      %dma_start3A_616 = tpu.memref_squeeze %dma_start3A_615 : memref<1x!tpu.dma_semaphore, #tpu.memory_space<semaphore_mem>> -> memref<!tpu.dma_semaphore, #tpu.memory_space<semaphore_mem>>
      %dma_start3A_617 = arith.constant 0 : i32
      %dma_start3A_618 = arith.constant 0 : i32
      %dma_start3A_619 = tpu.memref_slice %arg4[%select_n3A_583, %dma_start3A_617, %dma_start3A_618] : memref<50x16384x128xf32, #tpu.memory_space<hbm>> -> memref<1x16384x128xf32, #tpu.memory_space<hbm>>
      %dma_start3A_620 = tpu.memref_squeeze %dma_start3A_619 : memref<1x16384x128xf32, #tpu.memory_space<hbm>> -> memref<16384x128xf32, #tpu.memory_space<hbm>>
      %dma_start3A_621 = arith.constant 0 : i32
      %dma_start3A_622 = tpu.memref_slice %dma_start3A_620[%add3A_602, %dma_start3A_621] : memref<16384x128xf32, #tpu.memory_space<hbm>> -> memref<64x128xf32, #tpu.memory_space<hbm>>
      %dma_start3A_623 = arith.constant 0 : i32
      %dma_start3A_624 = arith.constant 0 : i32
      %dma_start3A_625 = tpu.memref_slice %arg6[%dma_start3A_603, %dma_start3A_623, %dma_start3A_624] : memref<10x64x128xf32, #tpu.memory_space<vmem>> -> memref<1x64x128xf32, #tpu.memory_space<vmem>>
      %dma_start3A_626 = tpu.memref_squeeze %dma_start3A_625 : memref<1x64x128xf32, #tpu.memory_space<vmem>> -> memref<64x128xf32, #tpu.memory_space<vmem>>
      tpu.enqueue_dma source(%dma_start3A_626 : memref<64x128xf32, #tpu.memory_space<vmem>>) target(%dma_start3A_622 : memref<64x128xf32, #tpu.memory_space<hbm>>) target_semaphore(%dma_start3A_616 : memref<!tpu.dma_semaphore, #tpu.memory_space<semaphore_mem>>)
      %sub3A_627 = arith.constant 3 : i32
      %sub3A_628 = arith.subi %add3A_542, %sub3A_627 : i32
      %add3A_629 = arith.constant 10 : i32
      %add3A_630 = arith.addi %sub3A_628, %add3A_629 : i32
      %ge3A_631 = arith.constant 3 : i32
      %ge3A_632 = arith.cmpi sge, %add3A_542, %ge3A_631 : i32
      %convert_element_type3A_633 = arith.extui %ge3A_632 : i1 to i32
      %cond3A_634 = arith.constant 0 : i32
      %cond3A_635 = arith.cmpi ne, %convert_element_type3A_633, %cond3A_634 : i32
      scf.if %cond3A_635 {
        %dma_wait3A_1218 = arith.constant 0 : i32
        %dma_wait3A_1219 = arith.constant 0 : i32
        %dma_wait3A_1220 = arith.constant 0 : i32
        %dma_wait3A_1221 = arith.constant 0 : i32
        %dma_wait3A_1222 = arith.constant 0 : i32
        %dma_wait3A_1223 = tpu.memref_slice %arg6[%dma_wait3A_1218, %dma_wait3A_1221, %dma_wait3A_1222] : memref<10x64x128xf32, #tpu.memory_space<vmem>> -> memref<1x64x128xf32, #tpu.memory_space<vmem>>
        %dma_wait3A_1224 = tpu.memref_squeeze %dma_wait3A_1223 : memref<1x64x128xf32, #tpu.memory_space<vmem>> -> memref<64x128xf32, #tpu.memory_space<vmem>>
        %dma_wait3A_1225 = arith.constant 0 : i32
        %dma_wait3A_1226 = arith.constant 0 : i32
        %dma_wait3A_1227 = tpu.memref_slice %arg4[%dma_wait3A_1219, %dma_wait3A_1225, %dma_wait3A_1226] : memref<50x16384x128xf32, #tpu.memory_space<hbm>> -> memref<1x16384x128xf32, #tpu.memory_space<hbm>>
        %dma_wait3A_1228 = tpu.memref_squeeze %dma_wait3A_1227 : memref<1x16384x128xf32, #tpu.memory_space<hbm>> -> memref<16384x128xf32, #tpu.memory_space<hbm>>
        %dma_wait3A_1229 = arith.constant 0 : i32
        %dma_wait3A_1230 = arith.constant 0 : i32
        %dma_wait3A_1231 = tpu.memref_slice %dma_wait3A_1228[%dma_wait3A_1229, %dma_wait3A_1230] : memref<16384x128xf32, #tpu.memory_space<hbm>> -> memref<64x128xf32, #tpu.memory_space<hbm>>
        %dma_wait3A_1232 = tpu.memref_slice %arg8[%dma_wait3A_1220] : memref<10x!tpu.dma_semaphore, #tpu.memory_space<semaphore_mem>> -> memref<1x!tpu.dma_semaphore, #tpu.memory_space<semaphore_mem>>
        %dma_wait3A_1233 = tpu.memref_squeeze %dma_wait3A_1232 : memref<1x!tpu.dma_semaphore, #tpu.memory_space<semaphore_mem>> -> memref<!tpu.dma_semaphore, #tpu.memory_space<semaphore_mem>>
        %dma_wait3A_1234 = arith.constant 0 : i32
        %dma_wait3A_1235 = arith.constant 0 : i32
        %dma_wait3A_1236 = tpu.memref_slice %arg4[%dma_wait3A_1219, %dma_wait3A_1234, %dma_wait3A_1235] : memref<50x16384x128xf32, #tpu.memory_space<hbm>> -> memref<1x16384x128xf32, #tpu.memory_space<hbm>>
        %dma_wait3A_1237 = tpu.memref_squeeze %dma_wait3A_1236 : memref<1x16384x128xf32, #tpu.memory_space<hbm>> -> memref<16384x128xf32, #tpu.memory_space<hbm>>
        %dma_wait3A_1238 = arith.constant 0 : i32
        %dma_wait3A_1239 = arith.constant 0 : i32
        %dma_wait3A_1240 = tpu.memref_slice %dma_wait3A_1237[%dma_wait3A_1238, %dma_wait3A_1239] : memref<16384x128xf32, #tpu.memory_space<hbm>> -> memref<64x128xf32, #tpu.memory_space<hbm>>
        %dma_wait3A_1241 = arith.constant 0 : i32
        %dma_wait3A_1242 = arith.constant 0 : i32
        %dma_wait3A_1243 = tpu.memref_slice %arg6[%dma_wait3A_1218, %dma_wait3A_1241, %dma_wait3A_1242] : memref<10x64x128xf32, #tpu.memory_space<vmem>> -> memref<1x64x128xf32, #tpu.memory_space<vmem>>
        %dma_wait3A_1244 = tpu.memref_squeeze %dma_wait3A_1243 : memref<1x64x128xf32, #tpu.memory_space<vmem>> -> memref<64x128xf32, #tpu.memory_space<vmem>>
        tpu.wait_dma2 semaphore(%dma_wait3A_1233 : memref<!tpu.dma_semaphore, #tpu.memory_space<semaphore_mem>>) src(%dma_wait3A_1244 : memref<64x128xf32, #tpu.memory_space<vmem>>) dst(%dma_wait3A_1240 : memref<64x128xf32, #tpu.memory_space<hbm>>)
        %lt3A_1245 = arith.constant 400 : i32
        %lt3A_1246 = arith.cmpi slt, %add3A_630, %lt3A_1245 : i32
        %convert_element_type3A_1247 = arith.extui %lt3A_1246 : i1 to i32
        %cond3A_1248 = arith.constant 0 : i32
        %cond3A_1249 = arith.cmpi ne, %convert_element_type3A_1247, %cond3A_1248 : i32
        scf.if %cond3A_1249 {
          %jit3A_1250 = arith.constant 8 : i32
          %div3A_1251 = arith.divsi %add3A_630, %jit3A_1250 : i32
          %sign3A_1252 = arith.constant 0 : i32
          %sign3A_1253 = arith.cmpi sgt, %add3A_630, %sign3A_1252 : i32
          %sign3A_1254 = arith.extui %sign3A_1253 : i1 to i32
          %sign3A_1255 = arith.constant 0 : i32
          %sign3A_1256 = arith.cmpi slt, %add3A_630, %sign3A_1255 : i32
          %sign3A_1257 = arith.extui %sign3A_1256 : i1 to i32
          %sign3A_1258 = arith.subi %sign3A_1254, %sign3A_1257 : i32
          %sign3A_1259 = arith.constant 0 : i32
          %sign3A_1260 = arith.cmpi sgt, %jit3A_1250, %sign3A_1259 : i32
          %sign3A_1261 = arith.extui %sign3A_1260 : i1 to i32
          %sign3A_1262 = arith.constant 0 : i32
          %sign3A_1263 = arith.cmpi slt, %jit3A_1250, %sign3A_1262 : i32
          %sign3A_1264 = arith.extui %sign3A_1263 : i1 to i32
          %sign3A_1265 = arith.subi %sign3A_1261, %sign3A_1264 : i32
          %ne3A_1266 = arith.cmpi ne, %sign3A_1258, %sign3A_1265 : i32
          %rem3A_1267 = arith.remsi %add3A_630, %jit3A_1250 : i32
          %ne3A_1268 = arith.constant 0 : i32
          %ne3A_1269 = arith.cmpi ne, %rem3A_1267, %ne3A_1268 : i32
          %and3A_1270 = arith.andi %ne3A_1266, %ne3A_1269 : i1
          %sub3A_1271 = arith.constant 1 : i32
          %sub3A_1272 = arith.subi %div3A_1251, %sub3A_1271 : i32
          %select_n3A_1273 = arith.select %and3A_1270, %sub3A_1272, %div3A_1251 : i32
          %jit3A_1274 = arith.constant 8 : i32
          %eq3A_1275 = arith.constant 0 : i32
          %eq3A_1276 = arith.cmpi eq, %jit3A_1274, %eq3A_1275 : i32
          %jit3A_1277 = arith.constant 1 : i32
          %select_n3A_1278 = arith.select %eq3A_1276, %jit3A_1277, %jit3A_1274 : i32
          %rem3A_1279 = arith.remsi %add3A_630, %select_n3A_1278 : i32
          %ne3A_1280 = arith.constant 0 : i32
          %ne3A_1281 = arith.cmpi ne, %rem3A_1279, %ne3A_1280 : i32
          %lt3A_1282 = arith.constant 0 : i32
          %lt3A_1283 = arith.cmpi slt, %rem3A_1279, %lt3A_1282 : i32
          %lt3A_1284 = arith.constant 0 : i32
          %lt3A_1285 = arith.cmpi slt, %select_n3A_1278, %lt3A_1284 : i32
          %ne3A_1286 = arith.xori %lt3A_1283, %lt3A_1285 : i1
          %and3A_1287 = arith.andi %ne3A_1286, %ne3A_1281 : i1
          %add3A_1288 = arith.addi %rem3A_1279, %select_n3A_1278 : i32
          %select_n3A_1289 = arith.select %and3A_1287, %add3A_1288, %rem3A_1279 : i32
          %mul3A_1290 = arith.constant 64 : i32
          %mul3A_1291 = arith.muli %select_n3A_1289, %mul3A_1290 : i32
          %dma_start3A_1292 = arith.constant 0 : i32
          %dma_start3A_1293 = arith.constant 0 : i32
          %dma_start3A_1294 = arith.constant 0 : i32
          %dma_start3A_1295 = arith.constant 0 : i32
          %dma_start3A_1296 = tpu.memref_slice %arg6[%dma_start3A_1292, %dma_start3A_1294, %dma_start3A_1295] : memref<10x64x128xf32, #tpu.memory_space<vmem>> -> memref<1x64x128xf32, #tpu.memory_space<vmem>>
          %dma_start3A_1297 = tpu.memref_squeeze %dma_start3A_1296 : memref<1x64x128xf32, #tpu.memory_space<vmem>> -> memref<64x128xf32, #tpu.memory_space<vmem>>
          %dma_start3A_1298 = arith.constant 0 : i32
          %dma_start3A_1299 = tpu.memref_slice %arg5[%select_n3A_1273, %dma_start3A_1298] : memref<50x512xi32, #tpu.memory_space<vmem>> -> memref<1x512xi32, #tpu.memory_space<vmem>>
          %dma_start3A_1300 = tpu.memref_squeeze %dma_start3A_1299 : memref<1x512xi32, #tpu.memory_space<vmem>> -> memref<512xi32, #tpu.memory_space<vmem>>
          %dma_start3A_1301 = tpu.memref_slice %dma_start3A_1300[%mul3A_1291] : memref<512xi32, #tpu.memory_space<vmem>> -> memref<64xi32, #tpu.memory_space<vmem>>
          %dma_start3A_1302 = arith.constant 0 : i32
          %dma_start3A_1303 = arith.constant 0 : i32
          %dma_start3A_1304 = tpu.memref_slice %arg3[%dma_start3A_1302, %dma_start3A_1303] : memref<100000x128xf32, #tpu.memory_space<hbm>> -> memref<100000x128xf32, #tpu.memory_space<hbm>>
          %dma_start3A_1305 = tpu.memref_slice %arg7[%dma_start3A_1293] : memref<10x!tpu.dma_semaphore, #tpu.memory_space<semaphore_mem>> -> memref<1x!tpu.dma_semaphore, #tpu.memory_space<semaphore_mem>>
          %dma_start3A_1306 = tpu.memref_squeeze %dma_start3A_1305 : memref<1x!tpu.dma_semaphore, #tpu.memory_space<semaphore_mem>> -> memref<!tpu.dma_semaphore, #tpu.memory_space<semaphore_mem>>
          tpu.enqueue_indirect_dma source(%dma_start3A_1304 : memref<100000x128xf32, #tpu.memory_space<hbm>>) target(%dma_start3A_1297 : memref<64x128xf32, #tpu.memory_space<vmem>>) offsets(%dma_start3A_1301 : memref<64xi32, #tpu.memory_space<vmem>>) semaphore(%dma_start3A_1306 : memref<!tpu.dma_semaphore, #tpu.memory_space<semaphore_mem>>)
        } else {
        }
      } else {
      }
      %mul3A_636 = arith.constant 10 : i32
      %mul3A_637 = arith.muli %add3A_260, %mul3A_636 : i32
      %add3A_638 = arith.constant 4 : i32
      %add3A_639 = arith.addi %mul3A_637, %add3A_638 : i32
      %dma_wait3A_640 = arith.constant 0 : i32
      %dma_wait3A_641 = arith.constant 4 : i32
      %dma_wait3A_642 = arith.constant 4 : i32
      %dma_wait3A_643 = arith.constant 0 : i32
      %dma_wait3A_644 = arith.constant 0 : i32
      %dma_wait3A_645 = tpu.memref_slice %arg6[%dma_wait3A_641, %dma_wait3A_643, %dma_wait3A_644] : memref<10x64x128xf32, #tpu.memory_space<vmem>> -> memref<1x64x128xf32, #tpu.memory_space<vmem>>
      %dma_wait3A_646 = tpu.memref_squeeze %dma_wait3A_645 : memref<1x64x128xf32, #tpu.memory_space<vmem>> -> memref<64x128xf32, #tpu.memory_space<vmem>>
      %dma_wait3A_647 = arith.constant 0 : i32
      %dma_wait3A_648 = tpu.memref_slice %arg5[%dma_wait3A_640, %dma_wait3A_647] : memref<50x512xi32, #tpu.memory_space<vmem>> -> memref<1x512xi32, #tpu.memory_space<vmem>>
      %dma_wait3A_649 = tpu.memref_squeeze %dma_wait3A_648 : memref<1x512xi32, #tpu.memory_space<vmem>> -> memref<512xi32, #tpu.memory_space<vmem>>
      %dma_wait3A_650 = arith.constant 0 : i32
      %dma_wait3A_651 = tpu.memref_slice %dma_wait3A_649[%dma_wait3A_650] : memref<512xi32, #tpu.memory_space<vmem>> -> memref<64xi32, #tpu.memory_space<vmem>>
      %dma_wait3A_652 = arith.constant 0 : i32
      %dma_wait3A_653 = arith.constant 0 : i32
      %dma_wait3A_654 = tpu.memref_slice %arg3[%dma_wait3A_652, %dma_wait3A_653] : memref<100000x128xf32, #tpu.memory_space<hbm>> -> memref<100000x128xf32, #tpu.memory_space<hbm>>
      %dma_wait3A_655 = tpu.memref_slice %arg7[%dma_wait3A_642] : memref<10x!tpu.dma_semaphore, #tpu.memory_space<semaphore_mem>> -> memref<1x!tpu.dma_semaphore, #tpu.memory_space<semaphore_mem>>
      %dma_wait3A_656 = tpu.memref_squeeze %dma_wait3A_655 : memref<1x!tpu.dma_semaphore, #tpu.memory_space<semaphore_mem>> -> memref<!tpu.dma_semaphore, #tpu.memory_space<semaphore_mem>>
      tpu.wait_indirect_dma semaphore(%dma_wait3A_656 : memref<!tpu.dma_semaphore, #tpu.memory_space<semaphore_mem>>) src(%dma_wait3A_654 : memref<100000x128xf32, #tpu.memory_space<hbm>>) dst(%dma_wait3A_646 : memref<64x128xf32, #tpu.memory_space<vmem>>)
      %jit3A_657 = arith.constant 8 : i32
      %div3A_658 = arith.divsi %add3A_639, %jit3A_657 : i32
      %sign3A_659 = arith.constant 0 : i32
      %sign3A_660 = arith.cmpi sgt, %add3A_639, %sign3A_659 : i32
      %sign3A_661 = arith.extui %sign3A_660 : i1 to i32
      %sign3A_662 = arith.constant 0 : i32
      %sign3A_663 = arith.cmpi slt, %add3A_639, %sign3A_662 : i32
      %sign3A_664 = arith.extui %sign3A_663 : i1 to i32
      %sign3A_665 = arith.subi %sign3A_661, %sign3A_664 : i32
      %sign3A_666 = arith.constant 0 : i32
      %sign3A_667 = arith.cmpi sgt, %jit3A_657, %sign3A_666 : i32
      %sign3A_668 = arith.extui %sign3A_667 : i1 to i32
      %sign3A_669 = arith.constant 0 : i32
      %sign3A_670 = arith.cmpi slt, %jit3A_657, %sign3A_669 : i32
      %sign3A_671 = arith.extui %sign3A_670 : i1 to i32
      %sign3A_672 = arith.subi %sign3A_668, %sign3A_671 : i32
      %ne3A_673 = arith.cmpi ne, %sign3A_665, %sign3A_672 : i32
      %rem3A_674 = arith.remsi %add3A_639, %jit3A_657 : i32
      %ne3A_675 = arith.constant 0 : i32
      %ne3A_676 = arith.cmpi ne, %rem3A_674, %ne3A_675 : i32
      %and3A_677 = arith.andi %ne3A_673, %ne3A_676 : i1
      %sub3A_678 = arith.constant 1 : i32
      %sub3A_679 = arith.subi %div3A_658, %sub3A_678 : i32
      %select_n3A_680 = arith.select %and3A_677, %sub3A_679, %div3A_658 : i32
      %jit3A_681 = arith.constant 8 : i32
      %eq3A_682 = arith.constant 0 : i32
      %eq3A_683 = arith.cmpi eq, %jit3A_681, %eq3A_682 : i32
      %jit3A_684 = arith.constant 1 : i32
      %select_n3A_685 = arith.select %eq3A_683, %jit3A_684, %jit3A_681 : i32
      %rem3A_686 = arith.remsi %add3A_639, %select_n3A_685 : i32
      %ne3A_687 = arith.constant 0 : i32
      %ne3A_688 = arith.cmpi ne, %rem3A_686, %ne3A_687 : i32
      %lt3A_689 = arith.constant 0 : i32
      %lt3A_690 = arith.cmpi slt, %rem3A_686, %lt3A_689 : i32
      %lt3A_691 = arith.constant 0 : i32
      %lt3A_692 = arith.cmpi slt, %select_n3A_685, %lt3A_691 : i32
      %ne3A_693 = arith.xori %lt3A_690, %lt3A_692 : i1
      %and3A_694 = arith.andi %ne3A_693, %ne3A_688 : i1
      %add3A_695 = arith.addi %rem3A_686, %select_n3A_685 : i32
      %select_n3A_696 = arith.select %and3A_694, %add3A_695, %rem3A_686 : i32
      %mul3A_697 = arith.constant 64 : i32
      %mul3A_698 = arith.muli %select_n3A_696, %mul3A_697 : i32
      %add3A_699 = arith.addi %mul3A_2, %mul3A_698 : i32
      %dma_start3A_700 = arith.constant 4 : i32
      %dma_start3A_701 = arith.constant 4 : i32
      %dma_start3A_702 = arith.constant 0 : i32
      %dma_start3A_703 = arith.constant 0 : i32
      %dma_start3A_704 = tpu.memref_slice %arg6[%dma_start3A_700, %dma_start3A_702, %dma_start3A_703] : memref<10x64x128xf32, #tpu.memory_space<vmem>> -> memref<1x64x128xf32, #tpu.memory_space<vmem>>
      %dma_start3A_705 = tpu.memref_squeeze %dma_start3A_704 : memref<1x64x128xf32, #tpu.memory_space<vmem>> -> memref<64x128xf32, #tpu.memory_space<vmem>>
      %dma_start3A_706 = arith.constant 0 : i32
      %dma_start3A_707 = arith.constant 0 : i32
      %dma_start3A_708 = tpu.memref_slice %arg4[%select_n3A_680, %dma_start3A_706, %dma_start3A_707] : memref<50x16384x128xf32, #tpu.memory_space<hbm>> -> memref<1x16384x128xf32, #tpu.memory_space<hbm>>
      %dma_start3A_709 = tpu.memref_squeeze %dma_start3A_708 : memref<1x16384x128xf32, #tpu.memory_space<hbm>> -> memref<16384x128xf32, #tpu.memory_space<hbm>>
      %dma_start3A_710 = arith.constant 0 : i32
      %dma_start3A_711 = tpu.memref_slice %dma_start3A_709[%add3A_699, %dma_start3A_710] : memref<16384x128xf32, #tpu.memory_space<hbm>> -> memref<64x128xf32, #tpu.memory_space<hbm>>
      %dma_start3A_712 = tpu.memref_slice %arg8[%dma_start3A_701] : memref<10x!tpu.dma_semaphore, #tpu.memory_space<semaphore_mem>> -> memref<1x!tpu.dma_semaphore, #tpu.memory_space<semaphore_mem>>
      %dma_start3A_713 = tpu.memref_squeeze %dma_start3A_712 : memref<1x!tpu.dma_semaphore, #tpu.memory_space<semaphore_mem>> -> memref<!tpu.dma_semaphore, #tpu.memory_space<semaphore_mem>>
      %dma_start3A_714 = arith.constant 0 : i32
      %dma_start3A_715 = arith.constant 0 : i32
      %dma_start3A_716 = tpu.memref_slice %arg4[%select_n3A_680, %dma_start3A_714, %dma_start3A_715] : memref<50x16384x128xf32, #tpu.memory_space<hbm>> -> memref<1x16384x128xf32, #tpu.memory_space<hbm>>
      %dma_start3A_717 = tpu.memref_squeeze %dma_start3A_716 : memref<1x16384x128xf32, #tpu.memory_space<hbm>> -> memref<16384x128xf32, #tpu.memory_space<hbm>>
      %dma_start3A_718 = arith.constant 0 : i32
      %dma_start3A_719 = tpu.memref_slice %dma_start3A_717[%add3A_699, %dma_start3A_718] : memref<16384x128xf32, #tpu.memory_space<hbm>> -> memref<64x128xf32, #tpu.memory_space<hbm>>
      %dma_start3A_720 = arith.constant 0 : i32
      %dma_start3A_721 = arith.constant 0 : i32
      %dma_start3A_722 = tpu.memref_slice %arg6[%dma_start3A_700, %dma_start3A_720, %dma_start3A_721] : memref<10x64x128xf32, #tpu.memory_space<vmem>> -> memref<1x64x128xf32, #tpu.memory_space<vmem>>
      %dma_start3A_723 = tpu.memref_squeeze %dma_start3A_722 : memref<1x64x128xf32, #tpu.memory_space<vmem>> -> memref<64x128xf32, #tpu.memory_space<vmem>>
      tpu.enqueue_dma source(%dma_start3A_723 : memref<64x128xf32, #tpu.memory_space<vmem>>) target(%dma_start3A_719 : memref<64x128xf32, #tpu.memory_space<hbm>>) target_semaphore(%dma_start3A_713 : memref<!tpu.dma_semaphore, #tpu.memory_space<semaphore_mem>>)
      %sub3A_724 = arith.constant 3 : i32
      %sub3A_725 = arith.subi %add3A_639, %sub3A_724 : i32
      %add3A_726 = arith.constant 10 : i32
      %add3A_727 = arith.addi %sub3A_725, %add3A_726 : i32
      %ge3A_728 = arith.constant 3 : i32
      %ge3A_729 = arith.cmpi sge, %add3A_639, %ge3A_728 : i32
      %convert_element_type3A_730 = arith.extui %ge3A_729 : i1 to i32
      %cond3A_731 = arith.constant 0 : i32
      %cond3A_732 = arith.cmpi ne, %convert_element_type3A_730, %cond3A_731 : i32
      scf.if %cond3A_732 {
        %dma_wait3A_1218 = arith.constant 1 : i32
        %dma_wait3A_1219 = arith.constant 0 : i32
        %dma_wait3A_1220 = arith.constant 1 : i32
        %dma_wait3A_1221 = arith.constant 0 : i32
        %dma_wait3A_1222 = arith.constant 0 : i32
        %dma_wait3A_1223 = tpu.memref_slice %arg6[%dma_wait3A_1218, %dma_wait3A_1221, %dma_wait3A_1222] : memref<10x64x128xf32, #tpu.memory_space<vmem>> -> memref<1x64x128xf32, #tpu.memory_space<vmem>>
        %dma_wait3A_1224 = tpu.memref_squeeze %dma_wait3A_1223 : memref<1x64x128xf32, #tpu.memory_space<vmem>> -> memref<64x128xf32, #tpu.memory_space<vmem>>
        %dma_wait3A_1225 = arith.constant 0 : i32
        %dma_wait3A_1226 = arith.constant 0 : i32
        %dma_wait3A_1227 = tpu.memref_slice %arg4[%dma_wait3A_1219, %dma_wait3A_1225, %dma_wait3A_1226] : memref<50x16384x128xf32, #tpu.memory_space<hbm>> -> memref<1x16384x128xf32, #tpu.memory_space<hbm>>
        %dma_wait3A_1228 = tpu.memref_squeeze %dma_wait3A_1227 : memref<1x16384x128xf32, #tpu.memory_space<hbm>> -> memref<16384x128xf32, #tpu.memory_space<hbm>>
        %dma_wait3A_1229 = arith.constant 0 : i32
        %dma_wait3A_1230 = arith.constant 0 : i32
        %dma_wait3A_1231 = tpu.memref_slice %dma_wait3A_1228[%dma_wait3A_1229, %dma_wait3A_1230] : memref<16384x128xf32, #tpu.memory_space<hbm>> -> memref<64x128xf32, #tpu.memory_space<hbm>>
        %dma_wait3A_1232 = tpu.memref_slice %arg8[%dma_wait3A_1220] : memref<10x!tpu.dma_semaphore, #tpu.memory_space<semaphore_mem>> -> memref<1x!tpu.dma_semaphore, #tpu.memory_space<semaphore_mem>>
        %dma_wait3A_1233 = tpu.memref_squeeze %dma_wait3A_1232 : memref<1x!tpu.dma_semaphore, #tpu.memory_space<semaphore_mem>> -> memref<!tpu.dma_semaphore, #tpu.memory_space<semaphore_mem>>
        %dma_wait3A_1234 = arith.constant 0 : i32
        %dma_wait3A_1235 = arith.constant 0 : i32
        %dma_wait3A_1236 = tpu.memref_slice %arg4[%dma_wait3A_1219, %dma_wait3A_1234, %dma_wait3A_1235] : memref<50x16384x128xf32, #tpu.memory_space<hbm>> -> memref<1x16384x128xf32, #tpu.memory_space<hbm>>
        %dma_wait3A_1237 = tpu.memref_squeeze %dma_wait3A_1236 : memref<1x16384x128xf32, #tpu.memory_space<hbm>> -> memref<16384x128xf32, #tpu.memory_space<hbm>>
        %dma_wait3A_1238 = arith.constant 0 : i32
        %dma_wait3A_1239 = arith.constant 0 : i32
        %dma_wait3A_1240 = tpu.memref_slice %dma_wait3A_1237[%dma_wait3A_1238, %dma_wait3A_1239] : memref<16384x128xf32, #tpu.memory_space<hbm>> -> memref<64x128xf32, #tpu.memory_space<hbm>>
        %dma_wait3A_1241 = arith.constant 0 : i32
        %dma_wait3A_1242 = arith.constant 0 : i32
        %dma_wait3A_1243 = tpu.memref_slice %arg6[%dma_wait3A_1218, %dma_wait3A_1241, %dma_wait3A_1242] : memref<10x64x128xf32, #tpu.memory_space<vmem>> -> memref<1x64x128xf32, #tpu.memory_space<vmem>>
        %dma_wait3A_1244 = tpu.memref_squeeze %dma_wait3A_1243 : memref<1x64x128xf32, #tpu.memory_space<vmem>> -> memref<64x128xf32, #tpu.memory_space<vmem>>
        tpu.wait_dma2 semaphore(%dma_wait3A_1233 : memref<!tpu.dma_semaphore, #tpu.memory_space<semaphore_mem>>) src(%dma_wait3A_1244 : memref<64x128xf32, #tpu.memory_space<vmem>>) dst(%dma_wait3A_1240 : memref<64x128xf32, #tpu.memory_space<hbm>>)
        %lt3A_1245 = arith.constant 400 : i32
        %lt3A_1246 = arith.cmpi slt, %add3A_727, %lt3A_1245 : i32
        %convert_element_type3A_1247 = arith.extui %lt3A_1246 : i1 to i32
        %cond3A_1248 = arith.constant 0 : i32
        %cond3A_1249 = arith.cmpi ne, %convert_element_type3A_1247, %cond3A_1248 : i32
        scf.if %cond3A_1249 {
          %jit3A_1250 = arith.constant 8 : i32
          %div3A_1251 = arith.divsi %add3A_727, %jit3A_1250 : i32
          %sign3A_1252 = arith.constant 0 : i32
          %sign3A_1253 = arith.cmpi sgt, %add3A_727, %sign3A_1252 : i32
          %sign3A_1254 = arith.extui %sign3A_1253 : i1 to i32
          %sign3A_1255 = arith.constant 0 : i32
          %sign3A_1256 = arith.cmpi slt, %add3A_727, %sign3A_1255 : i32
          %sign3A_1257 = arith.extui %sign3A_1256 : i1 to i32
          %sign3A_1258 = arith.subi %sign3A_1254, %sign3A_1257 : i32
          %sign3A_1259 = arith.constant 0 : i32
          %sign3A_1260 = arith.cmpi sgt, %jit3A_1250, %sign3A_1259 : i32
          %sign3A_1261 = arith.extui %sign3A_1260 : i1 to i32
          %sign3A_1262 = arith.constant 0 : i32
          %sign3A_1263 = arith.cmpi slt, %jit3A_1250, %sign3A_1262 : i32
          %sign3A_1264 = arith.extui %sign3A_1263 : i1 to i32
          %sign3A_1265 = arith.subi %sign3A_1261, %sign3A_1264 : i32
          %ne3A_1266 = arith.cmpi ne, %sign3A_1258, %sign3A_1265 : i32
          %rem3A_1267 = arith.remsi %add3A_727, %jit3A_1250 : i32
          %ne3A_1268 = arith.constant 0 : i32
          %ne3A_1269 = arith.cmpi ne, %rem3A_1267, %ne3A_1268 : i32
          %and3A_1270 = arith.andi %ne3A_1266, %ne3A_1269 : i1
          %sub3A_1271 = arith.constant 1 : i32
          %sub3A_1272 = arith.subi %div3A_1251, %sub3A_1271 : i32
          %select_n3A_1273 = arith.select %and3A_1270, %sub3A_1272, %div3A_1251 : i32
          %jit3A_1274 = arith.constant 8 : i32
          %eq3A_1275 = arith.constant 0 : i32
          %eq3A_1276 = arith.cmpi eq, %jit3A_1274, %eq3A_1275 : i32
          %jit3A_1277 = arith.constant 1 : i32
          %select_n3A_1278 = arith.select %eq3A_1276, %jit3A_1277, %jit3A_1274 : i32
          %rem3A_1279 = arith.remsi %add3A_727, %select_n3A_1278 : i32
          %ne3A_1280 = arith.constant 0 : i32
          %ne3A_1281 = arith.cmpi ne, %rem3A_1279, %ne3A_1280 : i32
          %lt3A_1282 = arith.constant 0 : i32
          %lt3A_1283 = arith.cmpi slt, %rem3A_1279, %lt3A_1282 : i32
          %lt3A_1284 = arith.constant 0 : i32
          %lt3A_1285 = arith.cmpi slt, %select_n3A_1278, %lt3A_1284 : i32
          %ne3A_1286 = arith.xori %lt3A_1283, %lt3A_1285 : i1
          %and3A_1287 = arith.andi %ne3A_1286, %ne3A_1281 : i1
          %add3A_1288 = arith.addi %rem3A_1279, %select_n3A_1278 : i32
          %select_n3A_1289 = arith.select %and3A_1287, %add3A_1288, %rem3A_1279 : i32
          %mul3A_1290 = arith.constant 64 : i32
          %mul3A_1291 = arith.muli %select_n3A_1289, %mul3A_1290 : i32
          %dma_start3A_1292 = arith.constant 1 : i32
          %dma_start3A_1293 = arith.constant 1 : i32
          %dma_start3A_1294 = arith.constant 0 : i32
          %dma_start3A_1295 = arith.constant 0 : i32
          %dma_start3A_1296 = tpu.memref_slice %arg6[%dma_start3A_1292, %dma_start3A_1294, %dma_start3A_1295] : memref<10x64x128xf32, #tpu.memory_space<vmem>> -> memref<1x64x128xf32, #tpu.memory_space<vmem>>
          %dma_start3A_1297 = tpu.memref_squeeze %dma_start3A_1296 : memref<1x64x128xf32, #tpu.memory_space<vmem>> -> memref<64x128xf32, #tpu.memory_space<vmem>>
          %dma_start3A_1298 = arith.constant 0 : i32
          %dma_start3A_1299 = tpu.memref_slice %arg5[%select_n3A_1273, %dma_start3A_1298] : memref<50x512xi32, #tpu.memory_space<vmem>> -> memref<1x512xi32, #tpu.memory_space<vmem>>
          %dma_start3A_1300 = tpu.memref_squeeze %dma_start3A_1299 : memref<1x512xi32, #tpu.memory_space<vmem>> -> memref<512xi32, #tpu.memory_space<vmem>>
          %dma_start3A_1301 = tpu.memref_slice %dma_start3A_1300[%mul3A_1291] : memref<512xi32, #tpu.memory_space<vmem>> -> memref<64xi32, #tpu.memory_space<vmem>>
          %dma_start3A_1302 = arith.constant 0 : i32
          %dma_start3A_1303 = arith.constant 0 : i32
          %dma_start3A_1304 = tpu.memref_slice %arg3[%dma_start3A_1302, %dma_start3A_1303] : memref<100000x128xf32, #tpu.memory_space<hbm>> -> memref<100000x128xf32, #tpu.memory_space<hbm>>
          %dma_start3A_1305 = tpu.memref_slice %arg7[%dma_start3A_1293] : memref<10x!tpu.dma_semaphore, #tpu.memory_space<semaphore_mem>> -> memref<1x!tpu.dma_semaphore, #tpu.memory_space<semaphore_mem>>
          %dma_start3A_1306 = tpu.memref_squeeze %dma_start3A_1305 : memref<1x!tpu.dma_semaphore, #tpu.memory_space<semaphore_mem>> -> memref<!tpu.dma_semaphore, #tpu.memory_space<semaphore_mem>>
          tpu.enqueue_indirect_dma source(%dma_start3A_1304 : memref<100000x128xf32, #tpu.memory_space<hbm>>) target(%dma_start3A_1297 : memref<64x128xf32, #tpu.memory_space<vmem>>) offsets(%dma_start3A_1301 : memref<64xi32, #tpu.memory_space<vmem>>) semaphore(%dma_start3A_1306 : memref<!tpu.dma_semaphore, #tpu.memory_space<semaphore_mem>>)
        } else {
        }
      } else {
      }
      %mul3A_733 = arith.constant 10 : i32
      %mul3A_734 = arith.muli %add3A_260, %mul3A_733 : i32
      %add3A_735 = arith.constant 5 : i32
      %add3A_736 = arith.addi %mul3A_734, %add3A_735 : i32
      %dma_wait3A_737 = arith.constant 0 : i32
      %dma_wait3A_738 = arith.constant 5 : i32
      %dma_wait3A_739 = arith.constant 5 : i32
      %dma_wait3A_740 = arith.constant 0 : i32
      %dma_wait3A_741 = arith.constant 0 : i32
      %dma_wait3A_742 = tpu.memref_slice %arg6[%dma_wait3A_738, %dma_wait3A_740, %dma_wait3A_741] : memref<10x64x128xf32, #tpu.memory_space<vmem>> -> memref<1x64x128xf32, #tpu.memory_space<vmem>>
      %dma_wait3A_743 = tpu.memref_squeeze %dma_wait3A_742 : memref<1x64x128xf32, #tpu.memory_space<vmem>> -> memref<64x128xf32, #tpu.memory_space<vmem>>
      %dma_wait3A_744 = arith.constant 0 : i32
      %dma_wait3A_745 = tpu.memref_slice %arg5[%dma_wait3A_737, %dma_wait3A_744] : memref<50x512xi32, #tpu.memory_space<vmem>> -> memref<1x512xi32, #tpu.memory_space<vmem>>
      %dma_wait3A_746 = tpu.memref_squeeze %dma_wait3A_745 : memref<1x512xi32, #tpu.memory_space<vmem>> -> memref<512xi32, #tpu.memory_space<vmem>>
      %dma_wait3A_747 = arith.constant 0 : i32
      %dma_wait3A_748 = tpu.memref_slice %dma_wait3A_746[%dma_wait3A_747] : memref<512xi32, #tpu.memory_space<vmem>> -> memref<64xi32, #tpu.memory_space<vmem>>
      %dma_wait3A_749 = arith.constant 0 : i32
      %dma_wait3A_750 = arith.constant 0 : i32
      %dma_wait3A_751 = tpu.memref_slice %arg3[%dma_wait3A_749, %dma_wait3A_750] : memref<100000x128xf32, #tpu.memory_space<hbm>> -> memref<100000x128xf32, #tpu.memory_space<hbm>>
      %dma_wait3A_752 = tpu.memref_slice %arg7[%dma_wait3A_739] : memref<10x!tpu.dma_semaphore, #tpu.memory_space<semaphore_mem>> -> memref<1x!tpu.dma_semaphore, #tpu.memory_space<semaphore_mem>>
      %dma_wait3A_753 = tpu.memref_squeeze %dma_wait3A_752 : memref<1x!tpu.dma_semaphore, #tpu.memory_space<semaphore_mem>> -> memref<!tpu.dma_semaphore, #tpu.memory_space<semaphore_mem>>
      tpu.wait_indirect_dma semaphore(%dma_wait3A_753 : memref<!tpu.dma_semaphore, #tpu.memory_space<semaphore_mem>>) src(%dma_wait3A_751 : memref<100000x128xf32, #tpu.memory_space<hbm>>) dst(%dma_wait3A_743 : memref<64x128xf32, #tpu.memory_space<vmem>>)
      %jit3A_754 = arith.constant 8 : i32
      %div3A_755 = arith.divsi %add3A_736, %jit3A_754 : i32
      %sign3A_756 = arith.constant 0 : i32
      %sign3A_757 = arith.cmpi sgt, %add3A_736, %sign3A_756 : i32
      %sign3A_758 = arith.extui %sign3A_757 : i1 to i32
      %sign3A_759 = arith.constant 0 : i32
      %sign3A_760 = arith.cmpi slt, %add3A_736, %sign3A_759 : i32
      %sign3A_761 = arith.extui %sign3A_760 : i1 to i32
      %sign3A_762 = arith.subi %sign3A_758, %sign3A_761 : i32
      %sign3A_763 = arith.constant 0 : i32
      %sign3A_764 = arith.cmpi sgt, %jit3A_754, %sign3A_763 : i32
      %sign3A_765 = arith.extui %sign3A_764 : i1 to i32
      %sign3A_766 = arith.constant 0 : i32
      %sign3A_767 = arith.cmpi slt, %jit3A_754, %sign3A_766 : i32
      %sign3A_768 = arith.extui %sign3A_767 : i1 to i32
      %sign3A_769 = arith.subi %sign3A_765, %sign3A_768 : i32
      %ne3A_770 = arith.cmpi ne, %sign3A_762, %sign3A_769 : i32
      %rem3A_771 = arith.remsi %add3A_736, %jit3A_754 : i32
      %ne3A_772 = arith.constant 0 : i32
      %ne3A_773 = arith.cmpi ne, %rem3A_771, %ne3A_772 : i32
      %and3A_774 = arith.andi %ne3A_770, %ne3A_773 : i1
      %sub3A_775 = arith.constant 1 : i32
      %sub3A_776 = arith.subi %div3A_755, %sub3A_775 : i32
      %select_n3A_777 = arith.select %and3A_774, %sub3A_776, %div3A_755 : i32
      %jit3A_778 = arith.constant 8 : i32
      %eq3A_779 = arith.constant 0 : i32
      %eq3A_780 = arith.cmpi eq, %jit3A_778, %eq3A_779 : i32
      %jit3A_781 = arith.constant 1 : i32
      %select_n3A_782 = arith.select %eq3A_780, %jit3A_781, %jit3A_778 : i32
      %rem3A_783 = arith.remsi %add3A_736, %select_n3A_782 : i32
      %ne3A_784 = arith.constant 0 : i32
      %ne3A_785 = arith.cmpi ne, %rem3A_783, %ne3A_784 : i32
      %lt3A_786 = arith.constant 0 : i32
      %lt3A_787 = arith.cmpi slt, %rem3A_783, %lt3A_786 : i32
      %lt3A_788 = arith.constant 0 : i32
      %lt3A_789 = arith.cmpi slt, %select_n3A_782, %lt3A_788 : i32
      %ne3A_790 = arith.xori %lt3A_787, %lt3A_789 : i1
      %and3A_791 = arith.andi %ne3A_790, %ne3A_785 : i1
      %add3A_792 = arith.addi %rem3A_783, %select_n3A_782 : i32
      %select_n3A_793 = arith.select %and3A_791, %add3A_792, %rem3A_783 : i32
      %mul3A_794 = arith.constant 64 : i32
      %mul3A_795 = arith.muli %select_n3A_793, %mul3A_794 : i32
      %add3A_796 = arith.addi %mul3A_2, %mul3A_795 : i32
      %dma_start3A_797 = arith.constant 5 : i32
      %dma_start3A_798 = arith.constant 5 : i32
      %dma_start3A_799 = arith.constant 0 : i32
      %dma_start3A_800 = arith.constant 0 : i32
      %dma_start3A_801 = tpu.memref_slice %arg6[%dma_start3A_797, %dma_start3A_799, %dma_start3A_800] : memref<10x64x128xf32, #tpu.memory_space<vmem>> -> memref<1x64x128xf32, #tpu.memory_space<vmem>>
      %dma_start3A_802 = tpu.memref_squeeze %dma_start3A_801 : memref<1x64x128xf32, #tpu.memory_space<vmem>> -> memref<64x128xf32, #tpu.memory_space<vmem>>
      %dma_start3A_803 = arith.constant 0 : i32
      %dma_start3A_804 = arith.constant 0 : i32
      %dma_start3A_805 = tpu.memref_slice %arg4[%select_n3A_777, %dma_start3A_803, %dma_start3A_804] : memref<50x16384x128xf32, #tpu.memory_space<hbm>> -> memref<1x16384x128xf32, #tpu.memory_space<hbm>>
      %dma_start3A_806 = tpu.memref_squeeze %dma_start3A_805 : memref<1x16384x128xf32, #tpu.memory_space<hbm>> -> memref<16384x128xf32, #tpu.memory_space<hbm>>
      %dma_start3A_807 = arith.constant 0 : i32
      %dma_start3A_808 = tpu.memref_slice %dma_start3A_806[%add3A_796, %dma_start3A_807] : memref<16384x128xf32, #tpu.memory_space<hbm>> -> memref<64x128xf32, #tpu.memory_space<hbm>>
      %dma_start3A_809 = tpu.memref_slice %arg8[%dma_start3A_798] : memref<10x!tpu.dma_semaphore, #tpu.memory_space<semaphore_mem>> -> memref<1x!tpu.dma_semaphore, #tpu.memory_space<semaphore_mem>>
      %dma_start3A_810 = tpu.memref_squeeze %dma_start3A_809 : memref<1x!tpu.dma_semaphore, #tpu.memory_space<semaphore_mem>> -> memref<!tpu.dma_semaphore, #tpu.memory_space<semaphore_mem>>
      %dma_start3A_811 = arith.constant 0 : i32
      %dma_start3A_812 = arith.constant 0 : i32
      %dma_start3A_813 = tpu.memref_slice %arg4[%select_n3A_777, %dma_start3A_811, %dma_start3A_812] : memref<50x16384x128xf32, #tpu.memory_space<hbm>> -> memref<1x16384x128xf32, #tpu.memory_space<hbm>>
      %dma_start3A_814 = tpu.memref_squeeze %dma_start3A_813 : memref<1x16384x128xf32, #tpu.memory_space<hbm>> -> memref<16384x128xf32, #tpu.memory_space<hbm>>
      %dma_start3A_815 = arith.constant 0 : i32
      %dma_start3A_816 = tpu.memref_slice %dma_start3A_814[%add3A_796, %dma_start3A_815] : memref<16384x128xf32, #tpu.memory_space<hbm>> -> memref<64x128xf32, #tpu.memory_space<hbm>>
      %dma_start3A_817 = arith.constant 0 : i32
      %dma_start3A_818 = arith.constant 0 : i32
      %dma_start3A_819 = tpu.memref_slice %arg6[%dma_start3A_797, %dma_start3A_817, %dma_start3A_818] : memref<10x64x128xf32, #tpu.memory_space<vmem>> -> memref<1x64x128xf32, #tpu.memory_space<vmem>>
      %dma_start3A_820 = tpu.memref_squeeze %dma_start3A_819 : memref<1x64x128xf32, #tpu.memory_space<vmem>> -> memref<64x128xf32, #tpu.memory_space<vmem>>
      tpu.enqueue_dma source(%dma_start3A_820 : memref<64x128xf32, #tpu.memory_space<vmem>>) target(%dma_start3A_816 : memref<64x128xf32, #tpu.memory_space<hbm>>) target_semaphore(%dma_start3A_810 : memref<!tpu.dma_semaphore, #tpu.memory_space<semaphore_mem>>)
      %sub3A_821 = arith.constant 3 : i32
      %sub3A_822 = arith.subi %add3A_736, %sub3A_821 : i32
      %add3A_823 = arith.constant 10 : i32
      %add3A_824 = arith.addi %sub3A_822, %add3A_823 : i32
      %ge3A_825 = arith.constant 3 : i32
      %ge3A_826 = arith.cmpi sge, %add3A_736, %ge3A_825 : i32
      %convert_element_type3A_827 = arith.extui %ge3A_826 : i1 to i32
      %cond3A_828 = arith.constant 0 : i32
      %cond3A_829 = arith.cmpi ne, %convert_element_type3A_827, %cond3A_828 : i32
      scf.if %cond3A_829 {
        %dma_wait3A_1218 = arith.constant 2 : i32
        %dma_wait3A_1219 = arith.constant 0 : i32
        %dma_wait3A_1220 = arith.constant 2 : i32
        %dma_wait3A_1221 = arith.constant 0 : i32
        %dma_wait3A_1222 = arith.constant 0 : i32
        %dma_wait3A_1223 = tpu.memref_slice %arg6[%dma_wait3A_1218, %dma_wait3A_1221, %dma_wait3A_1222] : memref<10x64x128xf32, #tpu.memory_space<vmem>> -> memref<1x64x128xf32, #tpu.memory_space<vmem>>
        %dma_wait3A_1224 = tpu.memref_squeeze %dma_wait3A_1223 : memref<1x64x128xf32, #tpu.memory_space<vmem>> -> memref<64x128xf32, #tpu.memory_space<vmem>>
        %dma_wait3A_1225 = arith.constant 0 : i32
        %dma_wait3A_1226 = arith.constant 0 : i32
        %dma_wait3A_1227 = tpu.memref_slice %arg4[%dma_wait3A_1219, %dma_wait3A_1225, %dma_wait3A_1226] : memref<50x16384x128xf32, #tpu.memory_space<hbm>> -> memref<1x16384x128xf32, #tpu.memory_space<hbm>>
        %dma_wait3A_1228 = tpu.memref_squeeze %dma_wait3A_1227 : memref<1x16384x128xf32, #tpu.memory_space<hbm>> -> memref<16384x128xf32, #tpu.memory_space<hbm>>
        %dma_wait3A_1229 = arith.constant 0 : i32
        %dma_wait3A_1230 = arith.constant 0 : i32
        %dma_wait3A_1231 = tpu.memref_slice %dma_wait3A_1228[%dma_wait3A_1229, %dma_wait3A_1230] : memref<16384x128xf32, #tpu.memory_space<hbm>> -> memref<64x128xf32, #tpu.memory_space<hbm>>
        %dma_wait3A_1232 = tpu.memref_slice %arg8[%dma_wait3A_1220] : memref<10x!tpu.dma_semaphore, #tpu.memory_space<semaphore_mem>> -> memref<1x!tpu.dma_semaphore, #tpu.memory_space<semaphore_mem>>
        %dma_wait3A_1233 = tpu.memref_squeeze %dma_wait3A_1232 : memref<1x!tpu.dma_semaphore, #tpu.memory_space<semaphore_mem>> -> memref<!tpu.dma_semaphore, #tpu.memory_space<semaphore_mem>>
        %dma_wait3A_1234 = arith.constant 0 : i32
        %dma_wait3A_1235 = arith.constant 0 : i32
        %dma_wait3A_1236 = tpu.memref_slice %arg4[%dma_wait3A_1219, %dma_wait3A_1234, %dma_wait3A_1235] : memref<50x16384x128xf32, #tpu.memory_space<hbm>> -> memref<1x16384x128xf32, #tpu.memory_space<hbm>>
        %dma_wait3A_1237 = tpu.memref_squeeze %dma_wait3A_1236 : memref<1x16384x128xf32, #tpu.memory_space<hbm>> -> memref<16384x128xf32, #tpu.memory_space<hbm>>
        %dma_wait3A_1238 = arith.constant 0 : i32
        %dma_wait3A_1239 = arith.constant 0 : i32
        %dma_wait3A_1240 = tpu.memref_slice %dma_wait3A_1237[%dma_wait3A_1238, %dma_wait3A_1239] : memref<16384x128xf32, #tpu.memory_space<hbm>> -> memref<64x128xf32, #tpu.memory_space<hbm>>
        %dma_wait3A_1241 = arith.constant 0 : i32
        %dma_wait3A_1242 = arith.constant 0 : i32
        %dma_wait3A_1243 = tpu.memref_slice %arg6[%dma_wait3A_1218, %dma_wait3A_1241, %dma_wait3A_1242] : memref<10x64x128xf32, #tpu.memory_space<vmem>> -> memref<1x64x128xf32, #tpu.memory_space<vmem>>
        %dma_wait3A_1244 = tpu.memref_squeeze %dma_wait3A_1243 : memref<1x64x128xf32, #tpu.memory_space<vmem>> -> memref<64x128xf32, #tpu.memory_space<vmem>>
        tpu.wait_dma2 semaphore(%dma_wait3A_1233 : memref<!tpu.dma_semaphore, #tpu.memory_space<semaphore_mem>>) src(%dma_wait3A_1244 : memref<64x128xf32, #tpu.memory_space<vmem>>) dst(%dma_wait3A_1240 : memref<64x128xf32, #tpu.memory_space<hbm>>)
        %lt3A_1245 = arith.constant 400 : i32
        %lt3A_1246 = arith.cmpi slt, %add3A_824, %lt3A_1245 : i32
        %convert_element_type3A_1247 = arith.extui %lt3A_1246 : i1 to i32
        %cond3A_1248 = arith.constant 0 : i32
        %cond3A_1249 = arith.cmpi ne, %convert_element_type3A_1247, %cond3A_1248 : i32
        scf.if %cond3A_1249 {
          %jit3A_1250 = arith.constant 8 : i32
          %div3A_1251 = arith.divsi %add3A_824, %jit3A_1250 : i32
          %sign3A_1252 = arith.constant 0 : i32
          %sign3A_1253 = arith.cmpi sgt, %add3A_824, %sign3A_1252 : i32
          %sign3A_1254 = arith.extui %sign3A_1253 : i1 to i32
          %sign3A_1255 = arith.constant 0 : i32
          %sign3A_1256 = arith.cmpi slt, %add3A_824, %sign3A_1255 : i32
          %sign3A_1257 = arith.extui %sign3A_1256 : i1 to i32
          %sign3A_1258 = arith.subi %sign3A_1254, %sign3A_1257 : i32
          %sign3A_1259 = arith.constant 0 : i32
          %sign3A_1260 = arith.cmpi sgt, %jit3A_1250, %sign3A_1259 : i32
          %sign3A_1261 = arith.extui %sign3A_1260 : i1 to i32
          %sign3A_1262 = arith.constant 0 : i32
          %sign3A_1263 = arith.cmpi slt, %jit3A_1250, %sign3A_1262 : i32
          %sign3A_1264 = arith.extui %sign3A_1263 : i1 to i32
          %sign3A_1265 = arith.subi %sign3A_1261, %sign3A_1264 : i32
          %ne3A_1266 = arith.cmpi ne, %sign3A_1258, %sign3A_1265 : i32
          %rem3A_1267 = arith.remsi %add3A_824, %jit3A_1250 : i32
          %ne3A_1268 = arith.constant 0 : i32
          %ne3A_1269 = arith.cmpi ne, %rem3A_1267, %ne3A_1268 : i32
          %and3A_1270 = arith.andi %ne3A_1266, %ne3A_1269 : i1
          %sub3A_1271 = arith.constant 1 : i32
          %sub3A_1272 = arith.subi %div3A_1251, %sub3A_1271 : i32
          %select_n3A_1273 = arith.select %and3A_1270, %sub3A_1272, %div3A_1251 : i32
          %jit3A_1274 = arith.constant 8 : i32
          %eq3A_1275 = arith.constant 0 : i32
          %eq3A_1276 = arith.cmpi eq, %jit3A_1274, %eq3A_1275 : i32
          %jit3A_1277 = arith.constant 1 : i32
          %select_n3A_1278 = arith.select %eq3A_1276, %jit3A_1277, %jit3A_1274 : i32
          %rem3A_1279 = arith.remsi %add3A_824, %select_n3A_1278 : i32
          %ne3A_1280 = arith.constant 0 : i32
          %ne3A_1281 = arith.cmpi ne, %rem3A_1279, %ne3A_1280 : i32
          %lt3A_1282 = arith.constant 0 : i32
          %lt3A_1283 = arith.cmpi slt, %rem3A_1279, %lt3A_1282 : i32
          %lt3A_1284 = arith.constant 0 : i32
          %lt3A_1285 = arith.cmpi slt, %select_n3A_1278, %lt3A_1284 : i32
          %ne3A_1286 = arith.xori %lt3A_1283, %lt3A_1285 : i1
          %and3A_1287 = arith.andi %ne3A_1286, %ne3A_1281 : i1
          %add3A_1288 = arith.addi %rem3A_1279, %select_n3A_1278 : i32
          %select_n3A_1289 = arith.select %and3A_1287, %add3A_1288, %rem3A_1279 : i32
          %mul3A_1290 = arith.constant 64 : i32
          %mul3A_1291 = arith.muli %select_n3A_1289, %mul3A_1290 : i32
          %dma_start3A_1292 = arith.constant 2 : i32
          %dma_start3A_1293 = arith.constant 2 : i32
          %dma_start3A_1294 = arith.constant 0 : i32
          %dma_start3A_1295 = arith.constant 0 : i32
          %dma_start3A_1296 = tpu.memref_slice %arg6[%dma_start3A_1292, %dma_start3A_1294, %dma_start3A_1295] : memref<10x64x128xf32, #tpu.memory_space<vmem>> -> memref<1x64x128xf32, #tpu.memory_space<vmem>>
          %dma_start3A_1297 = tpu.memref_squeeze %dma_start3A_1296 : memref<1x64x128xf32, #tpu.memory_space<vmem>> -> memref<64x128xf32, #tpu.memory_space<vmem>>
          %dma_start3A_1298 = arith.constant 0 : i32
          %dma_start3A_1299 = tpu.memref_slice %arg5[%select_n3A_1273, %dma_start3A_1298] : memref<50x512xi32, #tpu.memory_space<vmem>> -> memref<1x512xi32, #tpu.memory_space<vmem>>
          %dma_start3A_1300 = tpu.memref_squeeze %dma_start3A_1299 : memref<1x512xi32, #tpu.memory_space<vmem>> -> memref<512xi32, #tpu.memory_space<vmem>>
          %dma_start3A_1301 = tpu.memref_slice %dma_start3A_1300[%mul3A_1291] : memref<512xi32, #tpu.memory_space<vmem>> -> memref<64xi32, #tpu.memory_space<vmem>>
          %dma_start3A_1302 = arith.constant 0 : i32
          %dma_start3A_1303 = arith.constant 0 : i32
          %dma_start3A_1304 = tpu.memref_slice %arg3[%dma_start3A_1302, %dma_start3A_1303] : memref<100000x128xf32, #tpu.memory_space<hbm>> -> memref<100000x128xf32, #tpu.memory_space<hbm>>
          %dma_start3A_1305 = tpu.memref_slice %arg7[%dma_start3A_1293] : memref<10x!tpu.dma_semaphore, #tpu.memory_space<semaphore_mem>> -> memref<1x!tpu.dma_semaphore, #tpu.memory_space<semaphore_mem>>
          %dma_start3A_1306 = tpu.memref_squeeze %dma_start3A_1305 : memref<1x!tpu.dma_semaphore, #tpu.memory_space<semaphore_mem>> -> memref<!tpu.dma_semaphore, #tpu.memory_space<semaphore_mem>>
          tpu.enqueue_indirect_dma source(%dma_start3A_1304 : memref<100000x128xf32, #tpu.memory_space<hbm>>) target(%dma_start3A_1297 : memref<64x128xf32, #tpu.memory_space<vmem>>) offsets(%dma_start3A_1301 : memref<64xi32, #tpu.memory_space<vmem>>) semaphore(%dma_start3A_1306 : memref<!tpu.dma_semaphore, #tpu.memory_space<semaphore_mem>>)
        } else {
        }
      } else {
      }
      %mul3A_830 = arith.constant 10 : i32
      %mul3A_831 = arith.muli %add3A_260, %mul3A_830 : i32
      %add3A_832 = arith.constant 6 : i32
      %add3A_833 = arith.addi %mul3A_831, %add3A_832 : i32
      %dma_wait3A_834 = arith.constant 0 : i32
      %dma_wait3A_835 = arith.constant 6 : i32
      %dma_wait3A_836 = arith.constant 6 : i32
      %dma_wait3A_837 = arith.constant 0 : i32
      %dma_wait3A_838 = arith.constant 0 : i32
      %dma_wait3A_839 = tpu.memref_slice %arg6[%dma_wait3A_835, %dma_wait3A_837, %dma_wait3A_838] : memref<10x64x128xf32, #tpu.memory_space<vmem>> -> memref<1x64x128xf32, #tpu.memory_space<vmem>>
      %dma_wait3A_840 = tpu.memref_squeeze %dma_wait3A_839 : memref<1x64x128xf32, #tpu.memory_space<vmem>> -> memref<64x128xf32, #tpu.memory_space<vmem>>
      %dma_wait3A_841 = arith.constant 0 : i32
      %dma_wait3A_842 = tpu.memref_slice %arg5[%dma_wait3A_834, %dma_wait3A_841] : memref<50x512xi32, #tpu.memory_space<vmem>> -> memref<1x512xi32, #tpu.memory_space<vmem>>
      %dma_wait3A_843 = tpu.memref_squeeze %dma_wait3A_842 : memref<1x512xi32, #tpu.memory_space<vmem>> -> memref<512xi32, #tpu.memory_space<vmem>>
      %dma_wait3A_844 = arith.constant 0 : i32
      %dma_wait3A_845 = tpu.memref_slice %dma_wait3A_843[%dma_wait3A_844] : memref<512xi32, #tpu.memory_space<vmem>> -> memref<64xi32, #tpu.memory_space<vmem>>
      %dma_wait3A_846 = arith.constant 0 : i32
      %dma_wait3A_847 = arith.constant 0 : i32
      %dma_wait3A_848 = tpu.memref_slice %arg3[%dma_wait3A_846, %dma_wait3A_847] : memref<100000x128xf32, #tpu.memory_space<hbm>> -> memref<100000x128xf32, #tpu.memory_space<hbm>>
      %dma_wait3A_849 = tpu.memref_slice %arg7[%dma_wait3A_836] : memref<10x!tpu.dma_semaphore, #tpu.memory_space<semaphore_mem>> -> memref<1x!tpu.dma_semaphore, #tpu.memory_space<semaphore_mem>>
      %dma_wait3A_850 = tpu.memref_squeeze %dma_wait3A_849 : memref<1x!tpu.dma_semaphore, #tpu.memory_space<semaphore_mem>> -> memref<!tpu.dma_semaphore, #tpu.memory_space<semaphore_mem>>
      tpu.wait_indirect_dma semaphore(%dma_wait3A_850 : memref<!tpu.dma_semaphore, #tpu.memory_space<semaphore_mem>>) src(%dma_wait3A_848 : memref<100000x128xf32, #tpu.memory_space<hbm>>) dst(%dma_wait3A_840 : memref<64x128xf32, #tpu.memory_space<vmem>>)
      %jit3A_851 = arith.constant 8 : i32
      %div3A_852 = arith.divsi %add3A_833, %jit3A_851 : i32
      %sign3A_853 = arith.constant 0 : i32
      %sign3A_854 = arith.cmpi sgt, %add3A_833, %sign3A_853 : i32
      %sign3A_855 = arith.extui %sign3A_854 : i1 to i32
      %sign3A_856 = arith.constant 0 : i32
      %sign3A_857 = arith.cmpi slt, %add3A_833, %sign3A_856 : i32
      %sign3A_858 = arith.extui %sign3A_857 : i1 to i32
      %sign3A_859 = arith.subi %sign3A_855, %sign3A_858 : i32
      %sign3A_860 = arith.constant 0 : i32
      %sign3A_861 = arith.cmpi sgt, %jit3A_851, %sign3A_860 : i32
      %sign3A_862 = arith.extui %sign3A_861 : i1 to i32
      %sign3A_863 = arith.constant 0 : i32
      %sign3A_864 = arith.cmpi slt, %jit3A_851, %sign3A_863 : i32
      %sign3A_865 = arith.extui %sign3A_864 : i1 to i32
      %sign3A_866 = arith.subi %sign3A_862, %sign3A_865 : i32
      %ne3A_867 = arith.cmpi ne, %sign3A_859, %sign3A_866 : i32
      %rem3A_868 = arith.remsi %add3A_833, %jit3A_851 : i32
      %ne3A_869 = arith.constant 0 : i32
      %ne3A_870 = arith.cmpi ne, %rem3A_868, %ne3A_869 : i32
      %and3A_871 = arith.andi %ne3A_867, %ne3A_870 : i1
      %sub3A_872 = arith.constant 1 : i32
      %sub3A_873 = arith.subi %div3A_852, %sub3A_872 : i32
      %select_n3A_874 = arith.select %and3A_871, %sub3A_873, %div3A_852 : i32
      %jit3A_875 = arith.constant 8 : i32
      %eq3A_876 = arith.constant 0 : i32
      %eq3A_877 = arith.cmpi eq, %jit3A_875, %eq3A_876 : i32
      %jit3A_878 = arith.constant 1 : i32
      %select_n3A_879 = arith.select %eq3A_877, %jit3A_878, %jit3A_875 : i32
      %rem3A_880 = arith.remsi %add3A_833, %select_n3A_879 : i32
      %ne3A_881 = arith.constant 0 : i32
      %ne3A_882 = arith.cmpi ne, %rem3A_880, %ne3A_881 : i32
      %lt3A_883 = arith.constant 0 : i32
      %lt3A_884 = arith.cmpi slt, %rem3A_880, %lt3A_883 : i32
      %lt3A_885 = arith.constant 0 : i32
      %lt3A_886 = arith.cmpi slt, %select_n3A_879, %lt3A_885 : i32
      %ne3A_887 = arith.xori %lt3A_884, %lt3A_886 : i1
      %and3A_888 = arith.andi %ne3A_887, %ne3A_882 : i1
      %add3A_889 = arith.addi %rem3A_880, %select_n3A_879 : i32
      %select_n3A_890 = arith.select %and3A_888, %add3A_889, %rem3A_880 : i32
      %mul3A_891 = arith.constant 64 : i32
      %mul3A_892 = arith.muli %select_n3A_890, %mul3A_891 : i32
      %add3A_893 = arith.addi %mul3A_2, %mul3A_892 : i32
      %dma_start3A_894 = arith.constant 6 : i32
      %dma_start3A_895 = arith.constant 6 : i32
      %dma_start3A_896 = arith.constant 0 : i32
      %dma_start3A_897 = arith.constant 0 : i32
      %dma_start3A_898 = tpu.memref_slice %arg6[%dma_start3A_894, %dma_start3A_896, %dma_start3A_897] : memref<10x64x128xf32, #tpu.memory_space<vmem>> -> memref<1x64x128xf32, #tpu.memory_space<vmem>>
      %dma_start3A_899 = tpu.memref_squeeze %dma_start3A_898 : memref<1x64x128xf32, #tpu.memory_space<vmem>> -> memref<64x128xf32, #tpu.memory_space<vmem>>
      %dma_start3A_900 = arith.constant 0 : i32
      %dma_start3A_901 = arith.constant 0 : i32
      %dma_start3A_902 = tpu.memref_slice %arg4[%select_n3A_874, %dma_start3A_900, %dma_start3A_901] : memref<50x16384x128xf32, #tpu.memory_space<hbm>> -> memref<1x16384x128xf32, #tpu.memory_space<hbm>>
      %dma_start3A_903 = tpu.memref_squeeze %dma_start3A_902 : memref<1x16384x128xf32, #tpu.memory_space<hbm>> -> memref<16384x128xf32, #tpu.memory_space<hbm>>
      %dma_start3A_904 = arith.constant 0 : i32
      %dma_start3A_905 = tpu.memref_slice %dma_start3A_903[%add3A_893, %dma_start3A_904] : memref<16384x128xf32, #tpu.memory_space<hbm>> -> memref<64x128xf32, #tpu.memory_space<hbm>>
      %dma_start3A_906 = tpu.memref_slice %arg8[%dma_start3A_895] : memref<10x!tpu.dma_semaphore, #tpu.memory_space<semaphore_mem>> -> memref<1x!tpu.dma_semaphore, #tpu.memory_space<semaphore_mem>>
      %dma_start3A_907 = tpu.memref_squeeze %dma_start3A_906 : memref<1x!tpu.dma_semaphore, #tpu.memory_space<semaphore_mem>> -> memref<!tpu.dma_semaphore, #tpu.memory_space<semaphore_mem>>
      %dma_start3A_908 = arith.constant 0 : i32
      %dma_start3A_909 = arith.constant 0 : i32
      %dma_start3A_910 = tpu.memref_slice %arg4[%select_n3A_874, %dma_start3A_908, %dma_start3A_909] : memref<50x16384x128xf32, #tpu.memory_space<hbm>> -> memref<1x16384x128xf32, #tpu.memory_space<hbm>>
      %dma_start3A_911 = tpu.memref_squeeze %dma_start3A_910 : memref<1x16384x128xf32, #tpu.memory_space<hbm>> -> memref<16384x128xf32, #tpu.memory_space<hbm>>
      %dma_start3A_912 = arith.constant 0 : i32
      %dma_start3A_913 = tpu.memref_slice %dma_start3A_911[%add3A_893, %dma_start3A_912] : memref<16384x128xf32, #tpu.memory_space<hbm>> -> memref<64x128xf32, #tpu.memory_space<hbm>>
      %dma_start3A_914 = arith.constant 0 : i32
      %dma_start3A_915 = arith.constant 0 : i32
      %dma_start3A_916 = tpu.memref_slice %arg6[%dma_start3A_894, %dma_start3A_914, %dma_start3A_915] : memref<10x64x128xf32, #tpu.memory_space<vmem>> -> memref<1x64x128xf32, #tpu.memory_space<vmem>>
      %dma_start3A_917 = tpu.memref_squeeze %dma_start3A_916 : memref<1x64x128xf32, #tpu.memory_space<vmem>> -> memref<64x128xf32, #tpu.memory_space<vmem>>
      tpu.enqueue_dma source(%dma_start3A_917 : memref<64x128xf32, #tpu.memory_space<vmem>>) target(%dma_start3A_913 : memref<64x128xf32, #tpu.memory_space<hbm>>) target_semaphore(%dma_start3A_907 : memref<!tpu.dma_semaphore, #tpu.memory_space<semaphore_mem>>)
      %sub3A_918 = arith.constant 3 : i32
      %sub3A_919 = arith.subi %add3A_833, %sub3A_918 : i32
      %add3A_920 = arith.constant 10 : i32
      %add3A_921 = arith.addi %sub3A_919, %add3A_920 : i32
      %ge3A_922 = arith.constant 3 : i32
      %ge3A_923 = arith.cmpi sge, %add3A_833, %ge3A_922 : i32
      %convert_element_type3A_924 = arith.extui %ge3A_923 : i1 to i32
      %cond3A_925 = arith.constant 0 : i32
      %cond3A_926 = arith.cmpi ne, %convert_element_type3A_924, %cond3A_925 : i32
      scf.if %cond3A_926 {
        %dma_wait3A_1218 = arith.constant 3 : i32
        %dma_wait3A_1219 = arith.constant 0 : i32
        %dma_wait3A_1220 = arith.constant 3 : i32
        %dma_wait3A_1221 = arith.constant 0 : i32
        %dma_wait3A_1222 = arith.constant 0 : i32
        %dma_wait3A_1223 = tpu.memref_slice %arg6[%dma_wait3A_1218, %dma_wait3A_1221, %dma_wait3A_1222] : memref<10x64x128xf32, #tpu.memory_space<vmem>> -> memref<1x64x128xf32, #tpu.memory_space<vmem>>
        %dma_wait3A_1224 = tpu.memref_squeeze %dma_wait3A_1223 : memref<1x64x128xf32, #tpu.memory_space<vmem>> -> memref<64x128xf32, #tpu.memory_space<vmem>>
        %dma_wait3A_1225 = arith.constant 0 : i32
        %dma_wait3A_1226 = arith.constant 0 : i32
        %dma_wait3A_1227 = tpu.memref_slice %arg4[%dma_wait3A_1219, %dma_wait3A_1225, %dma_wait3A_1226] : memref<50x16384x128xf32, #tpu.memory_space<hbm>> -> memref<1x16384x128xf32, #tpu.memory_space<hbm>>
        %dma_wait3A_1228 = tpu.memref_squeeze %dma_wait3A_1227 : memref<1x16384x128xf32, #tpu.memory_space<hbm>> -> memref<16384x128xf32, #tpu.memory_space<hbm>>
        %dma_wait3A_1229 = arith.constant 0 : i32
        %dma_wait3A_1230 = arith.constant 0 : i32
        %dma_wait3A_1231 = tpu.memref_slice %dma_wait3A_1228[%dma_wait3A_1229, %dma_wait3A_1230] : memref<16384x128xf32, #tpu.memory_space<hbm>> -> memref<64x128xf32, #tpu.memory_space<hbm>>
        %dma_wait3A_1232 = tpu.memref_slice %arg8[%dma_wait3A_1220] : memref<10x!tpu.dma_semaphore, #tpu.memory_space<semaphore_mem>> -> memref<1x!tpu.dma_semaphore, #tpu.memory_space<semaphore_mem>>
        %dma_wait3A_1233 = tpu.memref_squeeze %dma_wait3A_1232 : memref<1x!tpu.dma_semaphore, #tpu.memory_space<semaphore_mem>> -> memref<!tpu.dma_semaphore, #tpu.memory_space<semaphore_mem>>
        %dma_wait3A_1234 = arith.constant 0 : i32
        %dma_wait3A_1235 = arith.constant 0 : i32
        %dma_wait3A_1236 = tpu.memref_slice %arg4[%dma_wait3A_1219, %dma_wait3A_1234, %dma_wait3A_1235] : memref<50x16384x128xf32, #tpu.memory_space<hbm>> -> memref<1x16384x128xf32, #tpu.memory_space<hbm>>
        %dma_wait3A_1237 = tpu.memref_squeeze %dma_wait3A_1236 : memref<1x16384x128xf32, #tpu.memory_space<hbm>> -> memref<16384x128xf32, #tpu.memory_space<hbm>>
        %dma_wait3A_1238 = arith.constant 0 : i32
        %dma_wait3A_1239 = arith.constant 0 : i32
        %dma_wait3A_1240 = tpu.memref_slice %dma_wait3A_1237[%dma_wait3A_1238, %dma_wait3A_1239] : memref<16384x128xf32, #tpu.memory_space<hbm>> -> memref<64x128xf32, #tpu.memory_space<hbm>>
        %dma_wait3A_1241 = arith.constant 0 : i32
        %dma_wait3A_1242 = arith.constant 0 : i32
        %dma_wait3A_1243 = tpu.memref_slice %arg6[%dma_wait3A_1218, %dma_wait3A_1241, %dma_wait3A_1242] : memref<10x64x128xf32, #tpu.memory_space<vmem>> -> memref<1x64x128xf32, #tpu.memory_space<vmem>>
        %dma_wait3A_1244 = tpu.memref_squeeze %dma_wait3A_1243 : memref<1x64x128xf32, #tpu.memory_space<vmem>> -> memref<64x128xf32, #tpu.memory_space<vmem>>
        tpu.wait_dma2 semaphore(%dma_wait3A_1233 : memref<!tpu.dma_semaphore, #tpu.memory_space<semaphore_mem>>) src(%dma_wait3A_1244 : memref<64x128xf32, #tpu.memory_space<vmem>>) dst(%dma_wait3A_1240 : memref<64x128xf32, #tpu.memory_space<hbm>>)
        %lt3A_1245 = arith.constant 400 : i32
        %lt3A_1246 = arith.cmpi slt, %add3A_921, %lt3A_1245 : i32
        %convert_element_type3A_1247 = arith.extui %lt3A_1246 : i1 to i32
        %cond3A_1248 = arith.constant 0 : i32
        %cond3A_1249 = arith.cmpi ne, %convert_element_type3A_1247, %cond3A_1248 : i32
        scf.if %cond3A_1249 {
          %jit3A_1250 = arith.constant 8 : i32
          %div3A_1251 = arith.divsi %add3A_921, %jit3A_1250 : i32
          %sign3A_1252 = arith.constant 0 : i32
          %sign3A_1253 = arith.cmpi sgt, %add3A_921, %sign3A_1252 : i32
          %sign3A_1254 = arith.extui %sign3A_1253 : i1 to i32
          %sign3A_1255 = arith.constant 0 : i32
          %sign3A_1256 = arith.cmpi slt, %add3A_921, %sign3A_1255 : i32
          %sign3A_1257 = arith.extui %sign3A_1256 : i1 to i32
          %sign3A_1258 = arith.subi %sign3A_1254, %sign3A_1257 : i32
          %sign3A_1259 = arith.constant 0 : i32
          %sign3A_1260 = arith.cmpi sgt, %jit3A_1250, %sign3A_1259 : i32
          %sign3A_1261 = arith.extui %sign3A_1260 : i1 to i32
          %sign3A_1262 = arith.constant 0 : i32
          %sign3A_1263 = arith.cmpi slt, %jit3A_1250, %sign3A_1262 : i32
          %sign3A_1264 = arith.extui %sign3A_1263 : i1 to i32
          %sign3A_1265 = arith.subi %sign3A_1261, %sign3A_1264 : i32
          %ne3A_1266 = arith.cmpi ne, %sign3A_1258, %sign3A_1265 : i32
          %rem3A_1267 = arith.remsi %add3A_921, %jit3A_1250 : i32
          %ne3A_1268 = arith.constant 0 : i32
          %ne3A_1269 = arith.cmpi ne, %rem3A_1267, %ne3A_1268 : i32
          %and3A_1270 = arith.andi %ne3A_1266, %ne3A_1269 : i1
          %sub3A_1271 = arith.constant 1 : i32
          %sub3A_1272 = arith.subi %div3A_1251, %sub3A_1271 : i32
          %select_n3A_1273 = arith.select %and3A_1270, %sub3A_1272, %div3A_1251 : i32
          %jit3A_1274 = arith.constant 8 : i32
          %eq3A_1275 = arith.constant 0 : i32
          %eq3A_1276 = arith.cmpi eq, %jit3A_1274, %eq3A_1275 : i32
          %jit3A_1277 = arith.constant 1 : i32
          %select_n3A_1278 = arith.select %eq3A_1276, %jit3A_1277, %jit3A_1274 : i32
          %rem3A_1279 = arith.remsi %add3A_921, %select_n3A_1278 : i32
          %ne3A_1280 = arith.constant 0 : i32
          %ne3A_1281 = arith.cmpi ne, %rem3A_1279, %ne3A_1280 : i32
          %lt3A_1282 = arith.constant 0 : i32
          %lt3A_1283 = arith.cmpi slt, %rem3A_1279, %lt3A_1282 : i32
          %lt3A_1284 = arith.constant 0 : i32
          %lt3A_1285 = arith.cmpi slt, %select_n3A_1278, %lt3A_1284 : i32
          %ne3A_1286 = arith.xori %lt3A_1283, %lt3A_1285 : i1
          %and3A_1287 = arith.andi %ne3A_1286, %ne3A_1281 : i1
          %add3A_1288 = arith.addi %rem3A_1279, %select_n3A_1278 : i32
          %select_n3A_1289 = arith.select %and3A_1287, %add3A_1288, %rem3A_1279 : i32
          %mul3A_1290 = arith.constant 64 : i32
          %mul3A_1291 = arith.muli %select_n3A_1289, %mul3A_1290 : i32
          %dma_start3A_1292 = arith.constant 3 : i32
          %dma_start3A_1293 = arith.constant 3 : i32
          %dma_start3A_1294 = arith.constant 0 : i32
          %dma_start3A_1295 = arith.constant 0 : i32
          %dma_start3A_1296 = tpu.memref_slice %arg6[%dma_start3A_1292, %dma_start3A_1294, %dma_start3A_1295] : memref<10x64x128xf32, #tpu.memory_space<vmem>> -> memref<1x64x128xf32, #tpu.memory_space<vmem>>
          %dma_start3A_1297 = tpu.memref_squeeze %dma_start3A_1296 : memref<1x64x128xf32, #tpu.memory_space<vmem>> -> memref<64x128xf32, #tpu.memory_space<vmem>>
          %dma_start3A_1298 = arith.constant 0 : i32
          %dma_start3A_1299 = tpu.memref_slice %arg5[%select_n3A_1273, %dma_start3A_1298] : memref<50x512xi32, #tpu.memory_space<vmem>> -> memref<1x512xi32, #tpu.memory_space<vmem>>
          %dma_start3A_1300 = tpu.memref_squeeze %dma_start3A_1299 : memref<1x512xi32, #tpu.memory_space<vmem>> -> memref<512xi32, #tpu.memory_space<vmem>>
          %dma_start3A_1301 = tpu.memref_slice %dma_start3A_1300[%mul3A_1291] : memref<512xi32, #tpu.memory_space<vmem>> -> memref<64xi32, #tpu.memory_space<vmem>>
          %dma_start3A_1302 = arith.constant 0 : i32
          %dma_start3A_1303 = arith.constant 0 : i32
          %dma_start3A_1304 = tpu.memref_slice %arg3[%dma_start3A_1302, %dma_start3A_1303] : memref<100000x128xf32, #tpu.memory_space<hbm>> -> memref<100000x128xf32, #tpu.memory_space<hbm>>
          %dma_start3A_1305 = tpu.memref_slice %arg7[%dma_start3A_1293] : memref<10x!tpu.dma_semaphore, #tpu.memory_space<semaphore_mem>> -> memref<1x!tpu.dma_semaphore, #tpu.memory_space<semaphore_mem>>
          %dma_start3A_1306 = tpu.memref_squeeze %dma_start3A_1305 : memref<1x!tpu.dma_semaphore, #tpu.memory_space<semaphore_mem>> -> memref<!tpu.dma_semaphore, #tpu.memory_space<semaphore_mem>>
          tpu.enqueue_indirect_dma source(%dma_start3A_1304 : memref<100000x128xf32, #tpu.memory_space<hbm>>) target(%dma_start3A_1297 : memref<64x128xf32, #tpu.memory_space<vmem>>) offsets(%dma_start3A_1301 : memref<64xi32, #tpu.memory_space<vmem>>) semaphore(%dma_start3A_1306 : memref<!tpu.dma_semaphore, #tpu.memory_space<semaphore_mem>>)
        } else {
        }
      } else {
      }
      %mul3A_927 = arith.constant 10 : i32
      %mul3A_928 = arith.muli %add3A_260, %mul3A_927 : i32
      %add3A_929 = arith.constant 7 : i32
      %add3A_930 = arith.addi %mul3A_928, %add3A_929 : i32
      %dma_wait3A_931 = arith.constant 0 : i32
      %dma_wait3A_932 = arith.constant 7 : i32
      %dma_wait3A_933 = arith.constant 7 : i32
      %dma_wait3A_934 = arith.constant 0 : i32
      %dma_wait3A_935 = arith.constant 0 : i32
      %dma_wait3A_936 = tpu.memref_slice %arg6[%dma_wait3A_932, %dma_wait3A_934, %dma_wait3A_935] : memref<10x64x128xf32, #tpu.memory_space<vmem>> -> memref<1x64x128xf32, #tpu.memory_space<vmem>>
      %dma_wait3A_937 = tpu.memref_squeeze %dma_wait3A_936 : memref<1x64x128xf32, #tpu.memory_space<vmem>> -> memref<64x128xf32, #tpu.memory_space<vmem>>
      %dma_wait3A_938 = arith.constant 0 : i32
      %dma_wait3A_939 = tpu.memref_slice %arg5[%dma_wait3A_931, %dma_wait3A_938] : memref<50x512xi32, #tpu.memory_space<vmem>> -> memref<1x512xi32, #tpu.memory_space<vmem>>
      %dma_wait3A_940 = tpu.memref_squeeze %dma_wait3A_939 : memref<1x512xi32, #tpu.memory_space<vmem>> -> memref<512xi32, #tpu.memory_space<vmem>>
      %dma_wait3A_941 = arith.constant 0 : i32
      %dma_wait3A_942 = tpu.memref_slice %dma_wait3A_940[%dma_wait3A_941] : memref<512xi32, #tpu.memory_space<vmem>> -> memref<64xi32, #tpu.memory_space<vmem>>
      %dma_wait3A_943 = arith.constant 0 : i32
      %dma_wait3A_944 = arith.constant 0 : i32
      %dma_wait3A_945 = tpu.memref_slice %arg3[%dma_wait3A_943, %dma_wait3A_944] : memref<100000x128xf32, #tpu.memory_space<hbm>> -> memref<100000x128xf32, #tpu.memory_space<hbm>>
      %dma_wait3A_946 = tpu.memref_slice %arg7[%dma_wait3A_933] : memref<10x!tpu.dma_semaphore, #tpu.memory_space<semaphore_mem>> -> memref<1x!tpu.dma_semaphore, #tpu.memory_space<semaphore_mem>>
      %dma_wait3A_947 = tpu.memref_squeeze %dma_wait3A_946 : memref<1x!tpu.dma_semaphore, #tpu.memory_space<semaphore_mem>> -> memref<!tpu.dma_semaphore, #tpu.memory_space<semaphore_mem>>
      tpu.wait_indirect_dma semaphore(%dma_wait3A_947 : memref<!tpu.dma_semaphore, #tpu.memory_space<semaphore_mem>>) src(%dma_wait3A_945 : memref<100000x128xf32, #tpu.memory_space<hbm>>) dst(%dma_wait3A_937 : memref<64x128xf32, #tpu.memory_space<vmem>>)
      %jit3A_948 = arith.constant 8 : i32
      %div3A_949 = arith.divsi %add3A_930, %jit3A_948 : i32
      %sign3A_950 = arith.constant 0 : i32
      %sign3A_951 = arith.cmpi sgt, %add3A_930, %sign3A_950 : i32
      %sign3A_952 = arith.extui %sign3A_951 : i1 to i32
      %sign3A_953 = arith.constant 0 : i32
      %sign3A_954 = arith.cmpi slt, %add3A_930, %sign3A_953 : i32
      %sign3A_955 = arith.extui %sign3A_954 : i1 to i32
      %sign3A_956 = arith.subi %sign3A_952, %sign3A_955 : i32
      %sign3A_957 = arith.constant 0 : i32
      %sign3A_958 = arith.cmpi sgt, %jit3A_948, %sign3A_957 : i32
      %sign3A_959 = arith.extui %sign3A_958 : i1 to i32
      %sign3A_960 = arith.constant 0 : i32
      %sign3A_961 = arith.cmpi slt, %jit3A_948, %sign3A_960 : i32
      %sign3A_962 = arith.extui %sign3A_961 : i1 to i32
      %sign3A_963 = arith.subi %sign3A_959, %sign3A_962 : i32
      %ne3A_964 = arith.cmpi ne, %sign3A_956, %sign3A_963 : i32
      %rem3A_965 = arith.remsi %add3A_930, %jit3A_948 : i32
      %ne3A_966 = arith.constant 0 : i32
      %ne3A_967 = arith.cmpi ne, %rem3A_965, %ne3A_966 : i32
      %and3A_968 = arith.andi %ne3A_964, %ne3A_967 : i1
      %sub3A_969 = arith.constant 1 : i32
      %sub3A_970 = arith.subi %div3A_949, %sub3A_969 : i32
      %select_n3A_971 = arith.select %and3A_968, %sub3A_970, %div3A_949 : i32
      %jit3A_972 = arith.constant 8 : i32
      %eq3A_973 = arith.constant 0 : i32
      %eq3A_974 = arith.cmpi eq, %jit3A_972, %eq3A_973 : i32
      %jit3A_975 = arith.constant 1 : i32
      %select_n3A_976 = arith.select %eq3A_974, %jit3A_975, %jit3A_972 : i32
      %rem3A_977 = arith.remsi %add3A_930, %select_n3A_976 : i32
      %ne3A_978 = arith.constant 0 : i32
      %ne3A_979 = arith.cmpi ne, %rem3A_977, %ne3A_978 : i32
      %lt3A_980 = arith.constant 0 : i32
      %lt3A_981 = arith.cmpi slt, %rem3A_977, %lt3A_980 : i32
      %lt3A_982 = arith.constant 0 : i32
      %lt3A_983 = arith.cmpi slt, %select_n3A_976, %lt3A_982 : i32
      %ne3A_984 = arith.xori %lt3A_981, %lt3A_983 : i1
      %and3A_985 = arith.andi %ne3A_984, %ne3A_979 : i1
      %add3A_986 = arith.addi %rem3A_977, %select_n3A_976 : i32
      %select_n3A_987 = arith.select %and3A_985, %add3A_986, %rem3A_977 : i32
      %mul3A_988 = arith.constant 64 : i32
      %mul3A_989 = arith.muli %select_n3A_987, %mul3A_988 : i32
      %add3A_990 = arith.addi %mul3A_2, %mul3A_989 : i32
      %dma_start3A_991 = arith.constant 7 : i32
      %dma_start3A_992 = arith.constant 7 : i32
      %dma_start3A_993 = arith.constant 0 : i32
      %dma_start3A_994 = arith.constant 0 : i32
      %dma_start3A_995 = tpu.memref_slice %arg6[%dma_start3A_991, %dma_start3A_993, %dma_start3A_994] : memref<10x64x128xf32, #tpu.memory_space<vmem>> -> memref<1x64x128xf32, #tpu.memory_space<vmem>>
      %dma_start3A_996 = tpu.memref_squeeze %dma_start3A_995 : memref<1x64x128xf32, #tpu.memory_space<vmem>> -> memref<64x128xf32, #tpu.memory_space<vmem>>
      %dma_start3A_997 = arith.constant 0 : i32
      %dma_start3A_998 = arith.constant 0 : i32
      %dma_start3A_999 = tpu.memref_slice %arg4[%select_n3A_971, %dma_start3A_997, %dma_start3A_998] : memref<50x16384x128xf32, #tpu.memory_space<hbm>> -> memref<1x16384x128xf32, #tpu.memory_space<hbm>>
      %dma_start3A_1000 = tpu.memref_squeeze %dma_start3A_999 : memref<1x16384x128xf32, #tpu.memory_space<hbm>> -> memref<16384x128xf32, #tpu.memory_space<hbm>>
      %dma_start3A_1001 = arith.constant 0 : i32
      %dma_start3A_1002 = tpu.memref_slice %dma_start3A_1000[%add3A_990, %dma_start3A_1001] : memref<16384x128xf32, #tpu.memory_space<hbm>> -> memref<64x128xf32, #tpu.memory_space<hbm>>
      %dma_start3A_1003 = tpu.memref_slice %arg8[%dma_start3A_992] : memref<10x!tpu.dma_semaphore, #tpu.memory_space<semaphore_mem>> -> memref<1x!tpu.dma_semaphore, #tpu.memory_space<semaphore_mem>>
      %dma_start3A_1004 = tpu.memref_squeeze %dma_start3A_1003 : memref<1x!tpu.dma_semaphore, #tpu.memory_space<semaphore_mem>> -> memref<!tpu.dma_semaphore, #tpu.memory_space<semaphore_mem>>
      %dma_start3A_1005 = arith.constant 0 : i32
      %dma_start3A_1006 = arith.constant 0 : i32
      %dma_start3A_1007 = tpu.memref_slice %arg4[%select_n3A_971, %dma_start3A_1005, %dma_start3A_1006] : memref<50x16384x128xf32, #tpu.memory_space<hbm>> -> memref<1x16384x128xf32, #tpu.memory_space<hbm>>
      %dma_start3A_1008 = tpu.memref_squeeze %dma_start3A_1007 : memref<1x16384x128xf32, #tpu.memory_space<hbm>> -> memref<16384x128xf32, #tpu.memory_space<hbm>>
      %dma_start3A_1009 = arith.constant 0 : i32
      %dma_start3A_1010 = tpu.memref_slice %dma_start3A_1008[%add3A_990, %dma_start3A_1009] : memref<16384x128xf32, #tpu.memory_space<hbm>> -> memref<64x128xf32, #tpu.memory_space<hbm>>
      %dma_start3A_1011 = arith.constant 0 : i32
      %dma_start3A_1012 = arith.constant 0 : i32
      %dma_start3A_1013 = tpu.memref_slice %arg6[%dma_start3A_991, %dma_start3A_1011, %dma_start3A_1012] : memref<10x64x128xf32, #tpu.memory_space<vmem>> -> memref<1x64x128xf32, #tpu.memory_space<vmem>>
      %dma_start3A_1014 = tpu.memref_squeeze %dma_start3A_1013 : memref<1x64x128xf32, #tpu.memory_space<vmem>> -> memref<64x128xf32, #tpu.memory_space<vmem>>
      tpu.enqueue_dma source(%dma_start3A_1014 : memref<64x128xf32, #tpu.memory_space<vmem>>) target(%dma_start3A_1010 : memref<64x128xf32, #tpu.memory_space<hbm>>) target_semaphore(%dma_start3A_1004 : memref<!tpu.dma_semaphore, #tpu.memory_space<semaphore_mem>>)
      %sub3A_1015 = arith.constant 3 : i32
      %sub3A_1016 = arith.subi %add3A_930, %sub3A_1015 : i32
      %add3A_1017 = arith.constant 10 : i32
      %add3A_1018 = arith.addi %sub3A_1016, %add3A_1017 : i32
      %ge3A_1019 = arith.constant 3 : i32
      %ge3A_1020 = arith.cmpi sge, %add3A_930, %ge3A_1019 : i32
      %convert_element_type3A_1021 = arith.extui %ge3A_1020 : i1 to i32
      %cond3A_1022 = arith.constant 0 : i32
      %cond3A_1023 = arith.cmpi ne, %convert_element_type3A_1021, %cond3A_1022 : i32
      scf.if %cond3A_1023 {
        %dma_wait3A_1218 = arith.constant 4 : i32
        %dma_wait3A_1219 = arith.constant 0 : i32
        %dma_wait3A_1220 = arith.constant 4 : i32
        %dma_wait3A_1221 = arith.constant 0 : i32
        %dma_wait3A_1222 = arith.constant 0 : i32
        %dma_wait3A_1223 = tpu.memref_slice %arg6[%dma_wait3A_1218, %dma_wait3A_1221, %dma_wait3A_1222] : memref<10x64x128xf32, #tpu.memory_space<vmem>> -> memref<1x64x128xf32, #tpu.memory_space<vmem>>
        %dma_wait3A_1224 = tpu.memref_squeeze %dma_wait3A_1223 : memref<1x64x128xf32, #tpu.memory_space<vmem>> -> memref<64x128xf32, #tpu.memory_space<vmem>>
        %dma_wait3A_1225 = arith.constant 0 : i32
        %dma_wait3A_1226 = arith.constant 0 : i32
        %dma_wait3A_1227 = tpu.memref_slice %arg4[%dma_wait3A_1219, %dma_wait3A_1225, %dma_wait3A_1226] : memref<50x16384x128xf32, #tpu.memory_space<hbm>> -> memref<1x16384x128xf32, #tpu.memory_space<hbm>>
        %dma_wait3A_1228 = tpu.memref_squeeze %dma_wait3A_1227 : memref<1x16384x128xf32, #tpu.memory_space<hbm>> -> memref<16384x128xf32, #tpu.memory_space<hbm>>
        %dma_wait3A_1229 = arith.constant 0 : i32
        %dma_wait3A_1230 = arith.constant 0 : i32
        %dma_wait3A_1231 = tpu.memref_slice %dma_wait3A_1228[%dma_wait3A_1229, %dma_wait3A_1230] : memref<16384x128xf32, #tpu.memory_space<hbm>> -> memref<64x128xf32, #tpu.memory_space<hbm>>
        %dma_wait3A_1232 = tpu.memref_slice %arg8[%dma_wait3A_1220] : memref<10x!tpu.dma_semaphore, #tpu.memory_space<semaphore_mem>> -> memref<1x!tpu.dma_semaphore, #tpu.memory_space<semaphore_mem>>
        %dma_wait3A_1233 = tpu.memref_squeeze %dma_wait3A_1232 : memref<1x!tpu.dma_semaphore, #tpu.memory_space<semaphore_mem>> -> memref<!tpu.dma_semaphore, #tpu.memory_space<semaphore_mem>>
        %dma_wait3A_1234 = arith.constant 0 : i32
        %dma_wait3A_1235 = arith.constant 0 : i32
        %dma_wait3A_1236 = tpu.memref_slice %arg4[%dma_wait3A_1219, %dma_wait3A_1234, %dma_wait3A_1235] : memref<50x16384x128xf32, #tpu.memory_space<hbm>> -> memref<1x16384x128xf32, #tpu.memory_space<hbm>>
        %dma_wait3A_1237 = tpu.memref_squeeze %dma_wait3A_1236 : memref<1x16384x128xf32, #tpu.memory_space<hbm>> -> memref<16384x128xf32, #tpu.memory_space<hbm>>
        %dma_wait3A_1238 = arith.constant 0 : i32
        %dma_wait3A_1239 = arith.constant 0 : i32
        %dma_wait3A_1240 = tpu.memref_slice %dma_wait3A_1237[%dma_wait3A_1238, %dma_wait3A_1239] : memref<16384x128xf32, #tpu.memory_space<hbm>> -> memref<64x128xf32, #tpu.memory_space<hbm>>
        %dma_wait3A_1241 = arith.constant 0 : i32
        %dma_wait3A_1242 = arith.constant 0 : i32
        %dma_wait3A_1243 = tpu.memref_slice %arg6[%dma_wait3A_1218, %dma_wait3A_1241, %dma_wait3A_1242] : memref<10x64x128xf32, #tpu.memory_space<vmem>> -> memref<1x64x128xf32, #tpu.memory_space<vmem>>
        %dma_wait3A_1244 = tpu.memref_squeeze %dma_wait3A_1243 : memref<1x64x128xf32, #tpu.memory_space<vmem>> -> memref<64x128xf32, #tpu.memory_space<vmem>>
        tpu.wait_dma2 semaphore(%dma_wait3A_1233 : memref<!tpu.dma_semaphore, #tpu.memory_space<semaphore_mem>>) src(%dma_wait3A_1244 : memref<64x128xf32, #tpu.memory_space<vmem>>) dst(%dma_wait3A_1240 : memref<64x128xf32, #tpu.memory_space<hbm>>)
        %lt3A_1245 = arith.constant 400 : i32
        %lt3A_1246 = arith.cmpi slt, %add3A_1018, %lt3A_1245 : i32
        %convert_element_type3A_1247 = arith.extui %lt3A_1246 : i1 to i32
        %cond3A_1248 = arith.constant 0 : i32
        %cond3A_1249 = arith.cmpi ne, %convert_element_type3A_1247, %cond3A_1248 : i32
        scf.if %cond3A_1249 {
          %jit3A_1250 = arith.constant 8 : i32
          %div3A_1251 = arith.divsi %add3A_1018, %jit3A_1250 : i32
          %sign3A_1252 = arith.constant 0 : i32
          %sign3A_1253 = arith.cmpi sgt, %add3A_1018, %sign3A_1252 : i32
          %sign3A_1254 = arith.extui %sign3A_1253 : i1 to i32
          %sign3A_1255 = arith.constant 0 : i32
          %sign3A_1256 = arith.cmpi slt, %add3A_1018, %sign3A_1255 : i32
          %sign3A_1257 = arith.extui %sign3A_1256 : i1 to i32
          %sign3A_1258 = arith.subi %sign3A_1254, %sign3A_1257 : i32
          %sign3A_1259 = arith.constant 0 : i32
          %sign3A_1260 = arith.cmpi sgt, %jit3A_1250, %sign3A_1259 : i32
          %sign3A_1261 = arith.extui %sign3A_1260 : i1 to i32
          %sign3A_1262 = arith.constant 0 : i32
          %sign3A_1263 = arith.cmpi slt, %jit3A_1250, %sign3A_1262 : i32
          %sign3A_1264 = arith.extui %sign3A_1263 : i1 to i32
          %sign3A_1265 = arith.subi %sign3A_1261, %sign3A_1264 : i32
          %ne3A_1266 = arith.cmpi ne, %sign3A_1258, %sign3A_1265 : i32
          %rem3A_1267 = arith.remsi %add3A_1018, %jit3A_1250 : i32
          %ne3A_1268 = arith.constant 0 : i32
          %ne3A_1269 = arith.cmpi ne, %rem3A_1267, %ne3A_1268 : i32
          %and3A_1270 = arith.andi %ne3A_1266, %ne3A_1269 : i1
          %sub3A_1271 = arith.constant 1 : i32
          %sub3A_1272 = arith.subi %div3A_1251, %sub3A_1271 : i32
          %select_n3A_1273 = arith.select %and3A_1270, %sub3A_1272, %div3A_1251 : i32
          %jit3A_1274 = arith.constant 8 : i32
          %eq3A_1275 = arith.constant 0 : i32
          %eq3A_1276 = arith.cmpi eq, %jit3A_1274, %eq3A_1275 : i32
          %jit3A_1277 = arith.constant 1 : i32
          %select_n3A_1278 = arith.select %eq3A_1276, %jit3A_1277, %jit3A_1274 : i32
          %rem3A_1279 = arith.remsi %add3A_1018, %select_n3A_1278 : i32
          %ne3A_1280 = arith.constant 0 : i32
          %ne3A_1281 = arith.cmpi ne, %rem3A_1279, %ne3A_1280 : i32
          %lt3A_1282 = arith.constant 0 : i32
          %lt3A_1283 = arith.cmpi slt, %rem3A_1279, %lt3A_1282 : i32
          %lt3A_1284 = arith.constant 0 : i32
          %lt3A_1285 = arith.cmpi slt, %select_n3A_1278, %lt3A_1284 : i32
          %ne3A_1286 = arith.xori %lt3A_1283, %lt3A_1285 : i1
          %and3A_1287 = arith.andi %ne3A_1286, %ne3A_1281 : i1
          %add3A_1288 = arith.addi %rem3A_1279, %select_n3A_1278 : i32
          %select_n3A_1289 = arith.select %and3A_1287, %add3A_1288, %rem3A_1279 : i32
          %mul3A_1290 = arith.constant 64 : i32
          %mul3A_1291 = arith.muli %select_n3A_1289, %mul3A_1290 : i32
          %dma_start3A_1292 = arith.constant 4 : i32
          %dma_start3A_1293 = arith.constant 4 : i32
          %dma_start3A_1294 = arith.constant 0 : i32
          %dma_start3A_1295 = arith.constant 0 : i32
          %dma_start3A_1296 = tpu.memref_slice %arg6[%dma_start3A_1292, %dma_start3A_1294, %dma_start3A_1295] : memref<10x64x128xf32, #tpu.memory_space<vmem>> -> memref<1x64x128xf32, #tpu.memory_space<vmem>>
          %dma_start3A_1297 = tpu.memref_squeeze %dma_start3A_1296 : memref<1x64x128xf32, #tpu.memory_space<vmem>> -> memref<64x128xf32, #tpu.memory_space<vmem>>
          %dma_start3A_1298 = arith.constant 0 : i32
          %dma_start3A_1299 = tpu.memref_slice %arg5[%select_n3A_1273, %dma_start3A_1298] : memref<50x512xi32, #tpu.memory_space<vmem>> -> memref<1x512xi32, #tpu.memory_space<vmem>>
          %dma_start3A_1300 = tpu.memref_squeeze %dma_start3A_1299 : memref<1x512xi32, #tpu.memory_space<vmem>> -> memref<512xi32, #tpu.memory_space<vmem>>
          %dma_start3A_1301 = tpu.memref_slice %dma_start3A_1300[%mul3A_1291] : memref<512xi32, #tpu.memory_space<vmem>> -> memref<64xi32, #tpu.memory_space<vmem>>
          %dma_start3A_1302 = arith.constant 0 : i32
          %dma_start3A_1303 = arith.constant 0 : i32
          %dma_start3A_1304 = tpu.memref_slice %arg3[%dma_start3A_1302, %dma_start3A_1303] : memref<100000x128xf32, #tpu.memory_space<hbm>> -> memref<100000x128xf32, #tpu.memory_space<hbm>>
          %dma_start3A_1305 = tpu.memref_slice %arg7[%dma_start3A_1293] : memref<10x!tpu.dma_semaphore, #tpu.memory_space<semaphore_mem>> -> memref<1x!tpu.dma_semaphore, #tpu.memory_space<semaphore_mem>>
          %dma_start3A_1306 = tpu.memref_squeeze %dma_start3A_1305 : memref<1x!tpu.dma_semaphore, #tpu.memory_space<semaphore_mem>> -> memref<!tpu.dma_semaphore, #tpu.memory_space<semaphore_mem>>
          tpu.enqueue_indirect_dma source(%dma_start3A_1304 : memref<100000x128xf32, #tpu.memory_space<hbm>>) target(%dma_start3A_1297 : memref<64x128xf32, #tpu.memory_space<vmem>>) offsets(%dma_start3A_1301 : memref<64xi32, #tpu.memory_space<vmem>>) semaphore(%dma_start3A_1306 : memref<!tpu.dma_semaphore, #tpu.memory_space<semaphore_mem>>)
        } else {
        }
      } else {
      }
      %mul3A_1024 = arith.constant 10 : i32
      %mul3A_1025 = arith.muli %add3A_260, %mul3A_1024 : i32
      %add3A_1026 = arith.constant 8 : i32
      %add3A_1027 = arith.addi %mul3A_1025, %add3A_1026 : i32
      %dma_wait3A_1028 = arith.constant 0 : i32
      %dma_wait3A_1029 = arith.constant 8 : i32
      %dma_wait3A_1030 = arith.constant 8 : i32
      %dma_wait3A_1031 = arith.constant 0 : i32
      %dma_wait3A_1032 = arith.constant 0 : i32
      %dma_wait3A_1033 = tpu.memref_slice %arg6[%dma_wait3A_1029, %dma_wait3A_1031, %dma_wait3A_1032] : memref<10x64x128xf32, #tpu.memory_space<vmem>> -> memref<1x64x128xf32, #tpu.memory_space<vmem>>
      %dma_wait3A_1034 = tpu.memref_squeeze %dma_wait3A_1033 : memref<1x64x128xf32, #tpu.memory_space<vmem>> -> memref<64x128xf32, #tpu.memory_space<vmem>>
      %dma_wait3A_1035 = arith.constant 0 : i32
      %dma_wait3A_1036 = tpu.memref_slice %arg5[%dma_wait3A_1028, %dma_wait3A_1035] : memref<50x512xi32, #tpu.memory_space<vmem>> -> memref<1x512xi32, #tpu.memory_space<vmem>>
      %dma_wait3A_1037 = tpu.memref_squeeze %dma_wait3A_1036 : memref<1x512xi32, #tpu.memory_space<vmem>> -> memref<512xi32, #tpu.memory_space<vmem>>
      %dma_wait3A_1038 = arith.constant 0 : i32
      %dma_wait3A_1039 = tpu.memref_slice %dma_wait3A_1037[%dma_wait3A_1038] : memref<512xi32, #tpu.memory_space<vmem>> -> memref<64xi32, #tpu.memory_space<vmem>>
      %dma_wait3A_1040 = arith.constant 0 : i32
      %dma_wait3A_1041 = arith.constant 0 : i32
      %dma_wait3A_1042 = tpu.memref_slice %arg3[%dma_wait3A_1040, %dma_wait3A_1041] : memref<100000x128xf32, #tpu.memory_space<hbm>> -> memref<100000x128xf32, #tpu.memory_space<hbm>>
      %dma_wait3A_1043 = tpu.memref_slice %arg7[%dma_wait3A_1030] : memref<10x!tpu.dma_semaphore, #tpu.memory_space<semaphore_mem>> -> memref<1x!tpu.dma_semaphore, #tpu.memory_space<semaphore_mem>>
      %dma_wait3A_1044 = tpu.memref_squeeze %dma_wait3A_1043 : memref<1x!tpu.dma_semaphore, #tpu.memory_space<semaphore_mem>> -> memref<!tpu.dma_semaphore, #tpu.memory_space<semaphore_mem>>
      tpu.wait_indirect_dma semaphore(%dma_wait3A_1044 : memref<!tpu.dma_semaphore, #tpu.memory_space<semaphore_mem>>) src(%dma_wait3A_1042 : memref<100000x128xf32, #tpu.memory_space<hbm>>) dst(%dma_wait3A_1034 : memref<64x128xf32, #tpu.memory_space<vmem>>)
      %jit3A_1045 = arith.constant 8 : i32
      %div3A_1046 = arith.divsi %add3A_1027, %jit3A_1045 : i32
      %sign3A_1047 = arith.constant 0 : i32
      %sign3A_1048 = arith.cmpi sgt, %add3A_1027, %sign3A_1047 : i32
      %sign3A_1049 = arith.extui %sign3A_1048 : i1 to i32
      %sign3A_1050 = arith.constant 0 : i32
      %sign3A_1051 = arith.cmpi slt, %add3A_1027, %sign3A_1050 : i32
      %sign3A_1052 = arith.extui %sign3A_1051 : i1 to i32
      %sign3A_1053 = arith.subi %sign3A_1049, %sign3A_1052 : i32
      %sign3A_1054 = arith.constant 0 : i32
      %sign3A_1055 = arith.cmpi sgt, %jit3A_1045, %sign3A_1054 : i32
      %sign3A_1056 = arith.extui %sign3A_1055 : i1 to i32
      %sign3A_1057 = arith.constant 0 : i32
      %sign3A_1058 = arith.cmpi slt, %jit3A_1045, %sign3A_1057 : i32
      %sign3A_1059 = arith.extui %sign3A_1058 : i1 to i32
      %sign3A_1060 = arith.subi %sign3A_1056, %sign3A_1059 : i32
      %ne3A_1061 = arith.cmpi ne, %sign3A_1053, %sign3A_1060 : i32
      %rem3A_1062 = arith.remsi %add3A_1027, %jit3A_1045 : i32
      %ne3A_1063 = arith.constant 0 : i32
      %ne3A_1064 = arith.cmpi ne, %rem3A_1062, %ne3A_1063 : i32
      %and3A_1065 = arith.andi %ne3A_1061, %ne3A_1064 : i1
      %sub3A_1066 = arith.constant 1 : i32
      %sub3A_1067 = arith.subi %div3A_1046, %sub3A_1066 : i32
      %select_n3A_1068 = arith.select %and3A_1065, %sub3A_1067, %div3A_1046 : i32
      %jit3A_1069 = arith.constant 8 : i32
      %eq3A_1070 = arith.constant 0 : i32
      %eq3A_1071 = arith.cmpi eq, %jit3A_1069, %eq3A_1070 : i32
      %jit3A_1072 = arith.constant 1 : i32
      %select_n3A_1073 = arith.select %eq3A_1071, %jit3A_1072, %jit3A_1069 : i32
      %rem3A_1074 = arith.remsi %add3A_1027, %select_n3A_1073 : i32
      %ne3A_1075 = arith.constant 0 : i32
      %ne3A_1076 = arith.cmpi ne, %rem3A_1074, %ne3A_1075 : i32
      %lt3A_1077 = arith.constant 0 : i32
      %lt3A_1078 = arith.cmpi slt, %rem3A_1074, %lt3A_1077 : i32
      %lt3A_1079 = arith.constant 0 : i32
      %lt3A_1080 = arith.cmpi slt, %select_n3A_1073, %lt3A_1079 : i32
      %ne3A_1081 = arith.xori %lt3A_1078, %lt3A_1080 : i1
      %and3A_1082 = arith.andi %ne3A_1081, %ne3A_1076 : i1
      %add3A_1083 = arith.addi %rem3A_1074, %select_n3A_1073 : i32
      %select_n3A_1084 = arith.select %and3A_1082, %add3A_1083, %rem3A_1074 : i32
      %mul3A_1085 = arith.constant 64 : i32
      %mul3A_1086 = arith.muli %select_n3A_1084, %mul3A_1085 : i32
      %add3A_1087 = arith.addi %mul3A_2, %mul3A_1086 : i32
      %dma_start3A_1088 = arith.constant 8 : i32
      %dma_start3A_1089 = arith.constant 8 : i32
      %dma_start3A_1090 = arith.constant 0 : i32
      %dma_start3A_1091 = arith.constant 0 : i32
      %dma_start3A_1092 = tpu.memref_slice %arg6[%dma_start3A_1088, %dma_start3A_1090, %dma_start3A_1091] : memref<10x64x128xf32, #tpu.memory_space<vmem>> -> memref<1x64x128xf32, #tpu.memory_space<vmem>>
      %dma_start3A_1093 = tpu.memref_squeeze %dma_start3A_1092 : memref<1x64x128xf32, #tpu.memory_space<vmem>> -> memref<64x128xf32, #tpu.memory_space<vmem>>
      %dma_start3A_1094 = arith.constant 0 : i32
      %dma_start3A_1095 = arith.constant 0 : i32
      %dma_start3A_1096 = tpu.memref_slice %arg4[%select_n3A_1068, %dma_start3A_1094, %dma_start3A_1095] : memref<50x16384x128xf32, #tpu.memory_space<hbm>> -> memref<1x16384x128xf32, #tpu.memory_space<hbm>>
      %dma_start3A_1097 = tpu.memref_squeeze %dma_start3A_1096 : memref<1x16384x128xf32, #tpu.memory_space<hbm>> -> memref<16384x128xf32, #tpu.memory_space<hbm>>
      %dma_start3A_1098 = arith.constant 0 : i32
      %dma_start3A_1099 = tpu.memref_slice %dma_start3A_1097[%add3A_1087, %dma_start3A_1098] : memref<16384x128xf32, #tpu.memory_space<hbm>> -> memref<64x128xf32, #tpu.memory_space<hbm>>
      %dma_start3A_1100 = tpu.memref_slice %arg8[%dma_start3A_1089] : memref<10x!tpu.dma_semaphore, #tpu.memory_space<semaphore_mem>> -> memref<1x!tpu.dma_semaphore, #tpu.memory_space<semaphore_mem>>
      %dma_start3A_1101 = tpu.memref_squeeze %dma_start3A_1100 : memref<1x!tpu.dma_semaphore, #tpu.memory_space<semaphore_mem>> -> memref<!tpu.dma_semaphore, #tpu.memory_space<semaphore_mem>>
      %dma_start3A_1102 = arith.constant 0 : i32
      %dma_start3A_1103 = arith.constant 0 : i32
      %dma_start3A_1104 = tpu.memref_slice %arg4[%select_n3A_1068, %dma_start3A_1102, %dma_start3A_1103] : memref<50x16384x128xf32, #tpu.memory_space<hbm>> -> memref<1x16384x128xf32, #tpu.memory_space<hbm>>
      %dma_start3A_1105 = tpu.memref_squeeze %dma_start3A_1104 : memref<1x16384x128xf32, #tpu.memory_space<hbm>> -> memref<16384x128xf32, #tpu.memory_space<hbm>>
      %dma_start3A_1106 = arith.constant 0 : i32
      %dma_start3A_1107 = tpu.memref_slice %dma_start3A_1105[%add3A_1087, %dma_start3A_1106] : memref<16384x128xf32, #tpu.memory_space<hbm>> -> memref<64x128xf32, #tpu.memory_space<hbm>>
      %dma_start3A_1108 = arith.constant 0 : i32
      %dma_start3A_1109 = arith.constant 0 : i32
      %dma_start3A_1110 = tpu.memref_slice %arg6[%dma_start3A_1088, %dma_start3A_1108, %dma_start3A_1109] : memref<10x64x128xf32, #tpu.memory_space<vmem>> -> memref<1x64x128xf32, #tpu.memory_space<vmem>>
      %dma_start3A_1111 = tpu.memref_squeeze %dma_start3A_1110 : memref<1x64x128xf32, #tpu.memory_space<vmem>> -> memref<64x128xf32, #tpu.memory_space<vmem>>
      tpu.enqueue_dma source(%dma_start3A_1111 : memref<64x128xf32, #tpu.memory_space<vmem>>) target(%dma_start3A_1107 : memref<64x128xf32, #tpu.memory_space<hbm>>) target_semaphore(%dma_start3A_1101 : memref<!tpu.dma_semaphore, #tpu.memory_space<semaphore_mem>>)
      %sub3A_1112 = arith.constant 3 : i32
      %sub3A_1113 = arith.subi %add3A_1027, %sub3A_1112 : i32
      %add3A_1114 = arith.constant 10 : i32
      %add3A_1115 = arith.addi %sub3A_1113, %add3A_1114 : i32
      %ge3A_1116 = arith.constant 3 : i32
      %ge3A_1117 = arith.cmpi sge, %add3A_1027, %ge3A_1116 : i32
      %convert_element_type3A_1118 = arith.extui %ge3A_1117 : i1 to i32
      %cond3A_1119 = arith.constant 0 : i32
      %cond3A_1120 = arith.cmpi ne, %convert_element_type3A_1118, %cond3A_1119 : i32
      scf.if %cond3A_1120 {
        %dma_wait3A_1218 = arith.constant 5 : i32
        %dma_wait3A_1219 = arith.constant 0 : i32
        %dma_wait3A_1220 = arith.constant 5 : i32
        %dma_wait3A_1221 = arith.constant 0 : i32
        %dma_wait3A_1222 = arith.constant 0 : i32
        %dma_wait3A_1223 = tpu.memref_slice %arg6[%dma_wait3A_1218, %dma_wait3A_1221, %dma_wait3A_1222] : memref<10x64x128xf32, #tpu.memory_space<vmem>> -> memref<1x64x128xf32, #tpu.memory_space<vmem>>
        %dma_wait3A_1224 = tpu.memref_squeeze %dma_wait3A_1223 : memref<1x64x128xf32, #tpu.memory_space<vmem>> -> memref<64x128xf32, #tpu.memory_space<vmem>>
        %dma_wait3A_1225 = arith.constant 0 : i32
        %dma_wait3A_1226 = arith.constant 0 : i32
        %dma_wait3A_1227 = tpu.memref_slice %arg4[%dma_wait3A_1219, %dma_wait3A_1225, %dma_wait3A_1226] : memref<50x16384x128xf32, #tpu.memory_space<hbm>> -> memref<1x16384x128xf32, #tpu.memory_space<hbm>>
        %dma_wait3A_1228 = tpu.memref_squeeze %dma_wait3A_1227 : memref<1x16384x128xf32, #tpu.memory_space<hbm>> -> memref<16384x128xf32, #tpu.memory_space<hbm>>
        %dma_wait3A_1229 = arith.constant 0 : i32
        %dma_wait3A_1230 = arith.constant 0 : i32
        %dma_wait3A_1231 = tpu.memref_slice %dma_wait3A_1228[%dma_wait3A_1229, %dma_wait3A_1230] : memref<16384x128xf32, #tpu.memory_space<hbm>> -> memref<64x128xf32, #tpu.memory_space<hbm>>
        %dma_wait3A_1232 = tpu.memref_slice %arg8[%dma_wait3A_1220] : memref<10x!tpu.dma_semaphore, #tpu.memory_space<semaphore_mem>> -> memref<1x!tpu.dma_semaphore, #tpu.memory_space<semaphore_mem>>
        %dma_wait3A_1233 = tpu.memref_squeeze %dma_wait3A_1232 : memref<1x!tpu.dma_semaphore, #tpu.memory_space<semaphore_mem>> -> memref<!tpu.dma_semaphore, #tpu.memory_space<semaphore_mem>>
        %dma_wait3A_1234 = arith.constant 0 : i32
        %dma_wait3A_1235 = arith.constant 0 : i32
        %dma_wait3A_1236 = tpu.memref_slice %arg4[%dma_wait3A_1219, %dma_wait3A_1234, %dma_wait3A_1235] : memref<50x16384x128xf32, #tpu.memory_space<hbm>> -> memref<1x16384x128xf32, #tpu.memory_space<hbm>>
        %dma_wait3A_1237 = tpu.memref_squeeze %dma_wait3A_1236 : memref<1x16384x128xf32, #tpu.memory_space<hbm>> -> memref<16384x128xf32, #tpu.memory_space<hbm>>
        %dma_wait3A_1238 = arith.constant 0 : i32
        %dma_wait3A_1239 = arith.constant 0 : i32
        %dma_wait3A_1240 = tpu.memref_slice %dma_wait3A_1237[%dma_wait3A_1238, %dma_wait3A_1239] : memref<16384x128xf32, #tpu.memory_space<hbm>> -> memref<64x128xf32, #tpu.memory_space<hbm>>
        %dma_wait3A_1241 = arith.constant 0 : i32
        %dma_wait3A_1242 = arith.constant 0 : i32
        %dma_wait3A_1243 = tpu.memref_slice %arg6[%dma_wait3A_1218, %dma_wait3A_1241, %dma_wait3A_1242] : memref<10x64x128xf32, #tpu.memory_space<vmem>> -> memref<1x64x128xf32, #tpu.memory_space<vmem>>
        %dma_wait3A_1244 = tpu.memref_squeeze %dma_wait3A_1243 : memref<1x64x128xf32, #tpu.memory_space<vmem>> -> memref<64x128xf32, #tpu.memory_space<vmem>>
        tpu.wait_dma2 semaphore(%dma_wait3A_1233 : memref<!tpu.dma_semaphore, #tpu.memory_space<semaphore_mem>>) src(%dma_wait3A_1244 : memref<64x128xf32, #tpu.memory_space<vmem>>) dst(%dma_wait3A_1240 : memref<64x128xf32, #tpu.memory_space<hbm>>)
        %lt3A_1245 = arith.constant 400 : i32
        %lt3A_1246 = arith.cmpi slt, %add3A_1115, %lt3A_1245 : i32
        %convert_element_type3A_1247 = arith.extui %lt3A_1246 : i1 to i32
        %cond3A_1248 = arith.constant 0 : i32
        %cond3A_1249 = arith.cmpi ne, %convert_element_type3A_1247, %cond3A_1248 : i32
        scf.if %cond3A_1249 {
          %jit3A_1250 = arith.constant 8 : i32
          %div3A_1251 = arith.divsi %add3A_1115, %jit3A_1250 : i32
          %sign3A_1252 = arith.constant 0 : i32
          %sign3A_1253 = arith.cmpi sgt, %add3A_1115, %sign3A_1252 : i32
          %sign3A_1254 = arith.extui %sign3A_1253 : i1 to i32
          %sign3A_1255 = arith.constant 0 : i32
          %sign3A_1256 = arith.cmpi slt, %add3A_1115, %sign3A_1255 : i32
          %sign3A_1257 = arith.extui %sign3A_1256 : i1 to i32
          %sign3A_1258 = arith.subi %sign3A_1254, %sign3A_1257 : i32
          %sign3A_1259 = arith.constant 0 : i32
          %sign3A_1260 = arith.cmpi sgt, %jit3A_1250, %sign3A_1259 : i32
          %sign3A_1261 = arith.extui %sign3A_1260 : i1 to i32
          %sign3A_1262 = arith.constant 0 : i32
          %sign3A_1263 = arith.cmpi slt, %jit3A_1250, %sign3A_1262 : i32
          %sign3A_1264 = arith.extui %sign3A_1263 : i1 to i32
          %sign3A_1265 = arith.subi %sign3A_1261, %sign3A_1264 : i32
          %ne3A_1266 = arith.cmpi ne, %sign3A_1258, %sign3A_1265 : i32
          %rem3A_1267 = arith.remsi %add3A_1115, %jit3A_1250 : i32
          %ne3A_1268 = arith.constant 0 : i32
          %ne3A_1269 = arith.cmpi ne, %rem3A_1267, %ne3A_1268 : i32
          %and3A_1270 = arith.andi %ne3A_1266, %ne3A_1269 : i1
          %sub3A_1271 = arith.constant 1 : i32
          %sub3A_1272 = arith.subi %div3A_1251, %sub3A_1271 : i32
          %select_n3A_1273 = arith.select %and3A_1270, %sub3A_1272, %div3A_1251 : i32
          %jit3A_1274 = arith.constant 8 : i32
          %eq3A_1275 = arith.constant 0 : i32
          %eq3A_1276 = arith.cmpi eq, %jit3A_1274, %eq3A_1275 : i32
          %jit3A_1277 = arith.constant 1 : i32
          %select_n3A_1278 = arith.select %eq3A_1276, %jit3A_1277, %jit3A_1274 : i32
          %rem3A_1279 = arith.remsi %add3A_1115, %select_n3A_1278 : i32
          %ne3A_1280 = arith.constant 0 : i32
          %ne3A_1281 = arith.cmpi ne, %rem3A_1279, %ne3A_1280 : i32
          %lt3A_1282 = arith.constant 0 : i32
          %lt3A_1283 = arith.cmpi slt, %rem3A_1279, %lt3A_1282 : i32
          %lt3A_1284 = arith.constant 0 : i32
          %lt3A_1285 = arith.cmpi slt, %select_n3A_1278, %lt3A_1284 : i32
          %ne3A_1286 = arith.xori %lt3A_1283, %lt3A_1285 : i1
          %and3A_1287 = arith.andi %ne3A_1286, %ne3A_1281 : i1
          %add3A_1288 = arith.addi %rem3A_1279, %select_n3A_1278 : i32
          %select_n3A_1289 = arith.select %and3A_1287, %add3A_1288, %rem3A_1279 : i32
          %mul3A_1290 = arith.constant 64 : i32
          %mul3A_1291 = arith.muli %select_n3A_1289, %mul3A_1290 : i32
          %dma_start3A_1292 = arith.constant 5 : i32
          %dma_start3A_1293 = arith.constant 5 : i32
          %dma_start3A_1294 = arith.constant 0 : i32
          %dma_start3A_1295 = arith.constant 0 : i32
          %dma_start3A_1296 = tpu.memref_slice %arg6[%dma_start3A_1292, %dma_start3A_1294, %dma_start3A_1295] : memref<10x64x128xf32, #tpu.memory_space<vmem>> -> memref<1x64x128xf32, #tpu.memory_space<vmem>>
          %dma_start3A_1297 = tpu.memref_squeeze %dma_start3A_1296 : memref<1x64x128xf32, #tpu.memory_space<vmem>> -> memref<64x128xf32, #tpu.memory_space<vmem>>
          %dma_start3A_1298 = arith.constant 0 : i32
          %dma_start3A_1299 = tpu.memref_slice %arg5[%select_n3A_1273, %dma_start3A_1298] : memref<50x512xi32, #tpu.memory_space<vmem>> -> memref<1x512xi32, #tpu.memory_space<vmem>>
          %dma_start3A_1300 = tpu.memref_squeeze %dma_start3A_1299 : memref<1x512xi32, #tpu.memory_space<vmem>> -> memref<512xi32, #tpu.memory_space<vmem>>
          %dma_start3A_1301 = tpu.memref_slice %dma_start3A_1300[%mul3A_1291] : memref<512xi32, #tpu.memory_space<vmem>> -> memref<64xi32, #tpu.memory_space<vmem>>
          %dma_start3A_1302 = arith.constant 0 : i32
          %dma_start3A_1303 = arith.constant 0 : i32
          %dma_start3A_1304 = tpu.memref_slice %arg3[%dma_start3A_1302, %dma_start3A_1303] : memref<100000x128xf32, #tpu.memory_space<hbm>> -> memref<100000x128xf32, #tpu.memory_space<hbm>>
          %dma_start3A_1305 = tpu.memref_slice %arg7[%dma_start3A_1293] : memref<10x!tpu.dma_semaphore, #tpu.memory_space<semaphore_mem>> -> memref<1x!tpu.dma_semaphore, #tpu.memory_space<semaphore_mem>>
          %dma_start3A_1306 = tpu.memref_squeeze %dma_start3A_1305 : memref<1x!tpu.dma_semaphore, #tpu.memory_space<semaphore_mem>> -> memref<!tpu.dma_semaphore, #tpu.memory_space<semaphore_mem>>
          tpu.enqueue_indirect_dma source(%dma_start3A_1304 : memref<100000x128xf32, #tpu.memory_space<hbm>>) target(%dma_start3A_1297 : memref<64x128xf32, #tpu.memory_space<vmem>>) offsets(%dma_start3A_1301 : memref<64xi32, #tpu.memory_space<vmem>>) semaphore(%dma_start3A_1306 : memref<!tpu.dma_semaphore, #tpu.memory_space<semaphore_mem>>)
        } else {
        }
      } else {
      }
      %mul3A_1121 = arith.constant 10 : i32
      %mul3A_1122 = arith.muli %add3A_260, %mul3A_1121 : i32
      %add3A_1123 = arith.constant 9 : i32
      %add3A_1124 = arith.addi %mul3A_1122, %add3A_1123 : i32
      %dma_wait3A_1125 = arith.constant 0 : i32
      %dma_wait3A_1126 = arith.constant 9 : i32
      %dma_wait3A_1127 = arith.constant 9 : i32
      %dma_wait3A_1128 = arith.constant 0 : i32
      %dma_wait3A_1129 = arith.constant 0 : i32
      %dma_wait3A_1130 = tpu.memref_slice %arg6[%dma_wait3A_1126, %dma_wait3A_1128, %dma_wait3A_1129] : memref<10x64x128xf32, #tpu.memory_space<vmem>> -> memref<1x64x128xf32, #tpu.memory_space<vmem>>
      %dma_wait3A_1131 = tpu.memref_squeeze %dma_wait3A_1130 : memref<1x64x128xf32, #tpu.memory_space<vmem>> -> memref<64x128xf32, #tpu.memory_space<vmem>>
      %dma_wait3A_1132 = arith.constant 0 : i32
      %dma_wait3A_1133 = tpu.memref_slice %arg5[%dma_wait3A_1125, %dma_wait3A_1132] : memref<50x512xi32, #tpu.memory_space<vmem>> -> memref<1x512xi32, #tpu.memory_space<vmem>>
      %dma_wait3A_1134 = tpu.memref_squeeze %dma_wait3A_1133 : memref<1x512xi32, #tpu.memory_space<vmem>> -> memref<512xi32, #tpu.memory_space<vmem>>
      %dma_wait3A_1135 = arith.constant 0 : i32
      %dma_wait3A_1136 = tpu.memref_slice %dma_wait3A_1134[%dma_wait3A_1135] : memref<512xi32, #tpu.memory_space<vmem>> -> memref<64xi32, #tpu.memory_space<vmem>>
      %dma_wait3A_1137 = arith.constant 0 : i32
      %dma_wait3A_1138 = arith.constant 0 : i32
      %dma_wait3A_1139 = tpu.memref_slice %arg3[%dma_wait3A_1137, %dma_wait3A_1138] : memref<100000x128xf32, #tpu.memory_space<hbm>> -> memref<100000x128xf32, #tpu.memory_space<hbm>>
      %dma_wait3A_1140 = tpu.memref_slice %arg7[%dma_wait3A_1127] : memref<10x!tpu.dma_semaphore, #tpu.memory_space<semaphore_mem>> -> memref<1x!tpu.dma_semaphore, #tpu.memory_space<semaphore_mem>>
      %dma_wait3A_1141 = tpu.memref_squeeze %dma_wait3A_1140 : memref<1x!tpu.dma_semaphore, #tpu.memory_space<semaphore_mem>> -> memref<!tpu.dma_semaphore, #tpu.memory_space<semaphore_mem>>
      tpu.wait_indirect_dma semaphore(%dma_wait3A_1141 : memref<!tpu.dma_semaphore, #tpu.memory_space<semaphore_mem>>) src(%dma_wait3A_1139 : memref<100000x128xf32, #tpu.memory_space<hbm>>) dst(%dma_wait3A_1131 : memref<64x128xf32, #tpu.memory_space<vmem>>)
      %jit3A_1142 = arith.constant 8 : i32
      %div3A_1143 = arith.divsi %add3A_1124, %jit3A_1142 : i32
      %sign3A_1144 = arith.constant 0 : i32
      %sign3A_1145 = arith.cmpi sgt, %add3A_1124, %sign3A_1144 : i32
      %sign3A_1146 = arith.extui %sign3A_1145 : i1 to i32
      %sign3A_1147 = arith.constant 0 : i32
      %sign3A_1148 = arith.cmpi slt, %add3A_1124, %sign3A_1147 : i32
      %sign3A_1149 = arith.extui %sign3A_1148 : i1 to i32
      %sign3A_1150 = arith.subi %sign3A_1146, %sign3A_1149 : i32
      %sign3A_1151 = arith.constant 0 : i32
      %sign3A_1152 = arith.cmpi sgt, %jit3A_1142, %sign3A_1151 : i32
      %sign3A_1153 = arith.extui %sign3A_1152 : i1 to i32
      %sign3A_1154 = arith.constant 0 : i32
      %sign3A_1155 = arith.cmpi slt, %jit3A_1142, %sign3A_1154 : i32
      %sign3A_1156 = arith.extui %sign3A_1155 : i1 to i32
      %sign3A_1157 = arith.subi %sign3A_1153, %sign3A_1156 : i32
      %ne3A_1158 = arith.cmpi ne, %sign3A_1150, %sign3A_1157 : i32
      %rem3A_1159 = arith.remsi %add3A_1124, %jit3A_1142 : i32
      %ne3A_1160 = arith.constant 0 : i32
      %ne3A_1161 = arith.cmpi ne, %rem3A_1159, %ne3A_1160 : i32
      %and3A_1162 = arith.andi %ne3A_1158, %ne3A_1161 : i1
      %sub3A_1163 = arith.constant 1 : i32
      %sub3A_1164 = arith.subi %div3A_1143, %sub3A_1163 : i32
      %select_n3A_1165 = arith.select %and3A_1162, %sub3A_1164, %div3A_1143 : i32
      %jit3A_1166 = arith.constant 8 : i32
      %eq3A_1167 = arith.constant 0 : i32
      %eq3A_1168 = arith.cmpi eq, %jit3A_1166, %eq3A_1167 : i32
      %jit3A_1169 = arith.constant 1 : i32
      %select_n3A_1170 = arith.select %eq3A_1168, %jit3A_1169, %jit3A_1166 : i32
      %rem3A_1171 = arith.remsi %add3A_1124, %select_n3A_1170 : i32
      %ne3A_1172 = arith.constant 0 : i32
      %ne3A_1173 = arith.cmpi ne, %rem3A_1171, %ne3A_1172 : i32
      %lt3A_1174 = arith.constant 0 : i32
      %lt3A_1175 = arith.cmpi slt, %rem3A_1171, %lt3A_1174 : i32
      %lt3A_1176 = arith.constant 0 : i32
      %lt3A_1177 = arith.cmpi slt, %select_n3A_1170, %lt3A_1176 : i32
      %ne3A_1178 = arith.xori %lt3A_1175, %lt3A_1177 : i1
      %and3A_1179 = arith.andi %ne3A_1178, %ne3A_1173 : i1
      %add3A_1180 = arith.addi %rem3A_1171, %select_n3A_1170 : i32
      %select_n3A_1181 = arith.select %and3A_1179, %add3A_1180, %rem3A_1171 : i32
      %mul3A_1182 = arith.constant 64 : i32
      %mul3A_1183 = arith.muli %select_n3A_1181, %mul3A_1182 : i32
      %add3A_1184 = arith.addi %mul3A_2, %mul3A_1183 : i32
      %dma_start3A_1185 = arith.constant 9 : i32
      %dma_start3A_1186 = arith.constant 9 : i32
      %dma_start3A_1187 = arith.constant 0 : i32
      %dma_start3A_1188 = arith.constant 0 : i32
      %dma_start3A_1189 = tpu.memref_slice %arg6[%dma_start3A_1185, %dma_start3A_1187, %dma_start3A_1188] : memref<10x64x128xf32, #tpu.memory_space<vmem>> -> memref<1x64x128xf32, #tpu.memory_space<vmem>>
      %dma_start3A_1190 = tpu.memref_squeeze %dma_start3A_1189 : memref<1x64x128xf32, #tpu.memory_space<vmem>> -> memref<64x128xf32, #tpu.memory_space<vmem>>
      %dma_start3A_1191 = arith.constant 0 : i32
      %dma_start3A_1192 = arith.constant 0 : i32
      %dma_start3A_1193 = tpu.memref_slice %arg4[%select_n3A_1165, %dma_start3A_1191, %dma_start3A_1192] : memref<50x16384x128xf32, #tpu.memory_space<hbm>> -> memref<1x16384x128xf32, #tpu.memory_space<hbm>>
      %dma_start3A_1194 = tpu.memref_squeeze %dma_start3A_1193 : memref<1x16384x128xf32, #tpu.memory_space<hbm>> -> memref<16384x128xf32, #tpu.memory_space<hbm>>
      %dma_start3A_1195 = arith.constant 0 : i32
      %dma_start3A_1196 = tpu.memref_slice %dma_start3A_1194[%add3A_1184, %dma_start3A_1195] : memref<16384x128xf32, #tpu.memory_space<hbm>> -> memref<64x128xf32, #tpu.memory_space<hbm>>
      %dma_start3A_1197 = tpu.memref_slice %arg8[%dma_start3A_1186] : memref<10x!tpu.dma_semaphore, #tpu.memory_space<semaphore_mem>> -> memref<1x!tpu.dma_semaphore, #tpu.memory_space<semaphore_mem>>
      %dma_start3A_1198 = tpu.memref_squeeze %dma_start3A_1197 : memref<1x!tpu.dma_semaphore, #tpu.memory_space<semaphore_mem>> -> memref<!tpu.dma_semaphore, #tpu.memory_space<semaphore_mem>>
      %dma_start3A_1199 = arith.constant 0 : i32
      %dma_start3A_1200 = arith.constant 0 : i32
      %dma_start3A_1201 = tpu.memref_slice %arg4[%select_n3A_1165, %dma_start3A_1199, %dma_start3A_1200] : memref<50x16384x128xf32, #tpu.memory_space<hbm>> -> memref<1x16384x128xf32, #tpu.memory_space<hbm>>
      %dma_start3A_1202 = tpu.memref_squeeze %dma_start3A_1201 : memref<1x16384x128xf32, #tpu.memory_space<hbm>> -> memref<16384x128xf32, #tpu.memory_space<hbm>>
      %dma_start3A_1203 = arith.constant 0 : i32
      %dma_start3A_1204 = tpu.memref_slice %dma_start3A_1202[%add3A_1184, %dma_start3A_1203] : memref<16384x128xf32, #tpu.memory_space<hbm>> -> memref<64x128xf32, #tpu.memory_space<hbm>>
      %dma_start3A_1205 = arith.constant 0 : i32
      %dma_start3A_1206 = arith.constant 0 : i32
      %dma_start3A_1207 = tpu.memref_slice %arg6[%dma_start3A_1185, %dma_start3A_1205, %dma_start3A_1206] : memref<10x64x128xf32, #tpu.memory_space<vmem>> -> memref<1x64x128xf32, #tpu.memory_space<vmem>>
      %dma_start3A_1208 = tpu.memref_squeeze %dma_start3A_1207 : memref<1x64x128xf32, #tpu.memory_space<vmem>> -> memref<64x128xf32, #tpu.memory_space<vmem>>
      tpu.enqueue_dma source(%dma_start3A_1208 : memref<64x128xf32, #tpu.memory_space<vmem>>) target(%dma_start3A_1204 : memref<64x128xf32, #tpu.memory_space<hbm>>) target_semaphore(%dma_start3A_1198 : memref<!tpu.dma_semaphore, #tpu.memory_space<semaphore_mem>>)
      %sub3A_1209 = arith.constant 3 : i32
      %sub3A_1210 = arith.subi %add3A_1124, %sub3A_1209 : i32
      %add3A_1211 = arith.constant 10 : i32
      %add3A_1212 = arith.addi %sub3A_1210, %add3A_1211 : i32
      %ge3A_1213 = arith.constant 3 : i32
      %ge3A_1214 = arith.cmpi sge, %add3A_1124, %ge3A_1213 : i32
      %convert_element_type3A_1215 = arith.extui %ge3A_1214 : i1 to i32
      %cond3A_1216 = arith.constant 0 : i32
      %cond3A_1217 = arith.cmpi ne, %convert_element_type3A_1215, %cond3A_1216 : i32
      scf.if %cond3A_1217 {
        %dma_wait3A_1218 = arith.constant 6 : i32
        %dma_wait3A_1219 = arith.constant 0 : i32
        %dma_wait3A_1220 = arith.constant 6 : i32
        %dma_wait3A_1221 = arith.constant 0 : i32
        %dma_wait3A_1222 = arith.constant 0 : i32
        %dma_wait3A_1223 = tpu.memref_slice %arg6[%dma_wait3A_1218, %dma_wait3A_1221, %dma_wait3A_1222] : memref<10x64x128xf32, #tpu.memory_space<vmem>> -> memref<1x64x128xf32, #tpu.memory_space<vmem>>
        %dma_wait3A_1224 = tpu.memref_squeeze %dma_wait3A_1223 : memref<1x64x128xf32, #tpu.memory_space<vmem>> -> memref<64x128xf32, #tpu.memory_space<vmem>>
        %dma_wait3A_1225 = arith.constant 0 : i32
        %dma_wait3A_1226 = arith.constant 0 : i32
        %dma_wait3A_1227 = tpu.memref_slice %arg4[%dma_wait3A_1219, %dma_wait3A_1225, %dma_wait3A_1226] : memref<50x16384x128xf32, #tpu.memory_space<hbm>> -> memref<1x16384x128xf32, #tpu.memory_space<hbm>>
        %dma_wait3A_1228 = tpu.memref_squeeze %dma_wait3A_1227 : memref<1x16384x128xf32, #tpu.memory_space<hbm>> -> memref<16384x128xf32, #tpu.memory_space<hbm>>
        %dma_wait3A_1229 = arith.constant 0 : i32
        %dma_wait3A_1230 = arith.constant 0 : i32
        %dma_wait3A_1231 = tpu.memref_slice %dma_wait3A_1228[%dma_wait3A_1229, %dma_wait3A_1230] : memref<16384x128xf32, #tpu.memory_space<hbm>> -> memref<64x128xf32, #tpu.memory_space<hbm>>
        %dma_wait3A_1232 = tpu.memref_slice %arg8[%dma_wait3A_1220] : memref<10x!tpu.dma_semaphore, #tpu.memory_space<semaphore_mem>> -> memref<1x!tpu.dma_semaphore, #tpu.memory_space<semaphore_mem>>
        %dma_wait3A_1233 = tpu.memref_squeeze %dma_wait3A_1232 : memref<1x!tpu.dma_semaphore, #tpu.memory_space<semaphore_mem>> -> memref<!tpu.dma_semaphore, #tpu.memory_space<semaphore_mem>>
        %dma_wait3A_1234 = arith.constant 0 : i32
        %dma_wait3A_1235 = arith.constant 0 : i32
        %dma_wait3A_1236 = tpu.memref_slice %arg4[%dma_wait3A_1219, %dma_wait3A_1234, %dma_wait3A_1235] : memref<50x16384x128xf32, #tpu.memory_space<hbm>> -> memref<1x16384x128xf32, #tpu.memory_space<hbm>>
        %dma_wait3A_1237 = tpu.memref_squeeze %dma_wait3A_1236 : memref<1x16384x128xf32, #tpu.memory_space<hbm>> -> memref<16384x128xf32, #tpu.memory_space<hbm>>
        %dma_wait3A_1238 = arith.constant 0 : i32
        %dma_wait3A_1239 = arith.constant 0 : i32
        %dma_wait3A_1240 = tpu.memref_slice %dma_wait3A_1237[%dma_wait3A_1238, %dma_wait3A_1239] : memref<16384x128xf32, #tpu.memory_space<hbm>> -> memref<64x128xf32, #tpu.memory_space<hbm>>
        %dma_wait3A_1241 = arith.constant 0 : i32
        %dma_wait3A_1242 = arith.constant 0 : i32
        %dma_wait3A_1243 = tpu.memref_slice %arg6[%dma_wait3A_1218, %dma_wait3A_1241, %dma_wait3A_1242] : memref<10x64x128xf32, #tpu.memory_space<vmem>> -> memref<1x64x128xf32, #tpu.memory_space<vmem>>
        %dma_wait3A_1244 = tpu.memref_squeeze %dma_wait3A_1243 : memref<1x64x128xf32, #tpu.memory_space<vmem>> -> memref<64x128xf32, #tpu.memory_space<vmem>>
        tpu.wait_dma2 semaphore(%dma_wait3A_1233 : memref<!tpu.dma_semaphore, #tpu.memory_space<semaphore_mem>>) src(%dma_wait3A_1244 : memref<64x128xf32, #tpu.memory_space<vmem>>) dst(%dma_wait3A_1240 : memref<64x128xf32, #tpu.memory_space<hbm>>)
        %lt3A_1245 = arith.constant 400 : i32
        %lt3A_1246 = arith.cmpi slt, %add3A_1212, %lt3A_1245 : i32
        %convert_element_type3A_1247 = arith.extui %lt3A_1246 : i1 to i32
        %cond3A_1248 = arith.constant 0 : i32
        %cond3A_1249 = arith.cmpi ne, %convert_element_type3A_1247, %cond3A_1248 : i32
        scf.if %cond3A_1249 {
          %jit3A_1250 = arith.constant 8 : i32
          %div3A_1251 = arith.divsi %add3A_1212, %jit3A_1250 : i32
          %sign3A_1252 = arith.constant 0 : i32
          %sign3A_1253 = arith.cmpi sgt, %add3A_1212, %sign3A_1252 : i32
          %sign3A_1254 = arith.extui %sign3A_1253 : i1 to i32
          %sign3A_1255 = arith.constant 0 : i32
          %sign3A_1256 = arith.cmpi slt, %add3A_1212, %sign3A_1255 : i32
          %sign3A_1257 = arith.extui %sign3A_1256 : i1 to i32
          %sign3A_1258 = arith.subi %sign3A_1254, %sign3A_1257 : i32
          %sign3A_1259 = arith.constant 0 : i32
          %sign3A_1260 = arith.cmpi sgt, %jit3A_1250, %sign3A_1259 : i32
          %sign3A_1261 = arith.extui %sign3A_1260 : i1 to i32
          %sign3A_1262 = arith.constant 0 : i32
          %sign3A_1263 = arith.cmpi slt, %jit3A_1250, %sign3A_1262 : i32
          %sign3A_1264 = arith.extui %sign3A_1263 : i1 to i32
          %sign3A_1265 = arith.subi %sign3A_1261, %sign3A_1264 : i32
          %ne3A_1266 = arith.cmpi ne, %sign3A_1258, %sign3A_1265 : i32
          %rem3A_1267 = arith.remsi %add3A_1212, %jit3A_1250 : i32
          %ne3A_1268 = arith.constant 0 : i32
          %ne3A_1269 = arith.cmpi ne, %rem3A_1267, %ne3A_1268 : i32
          %and3A_1270 = arith.andi %ne3A_1266, %ne3A_1269 : i1
          %sub3A_1271 = arith.constant 1 : i32
          %sub3A_1272 = arith.subi %div3A_1251, %sub3A_1271 : i32
          %select_n3A_1273 = arith.select %and3A_1270, %sub3A_1272, %div3A_1251 : i32
          %jit3A_1274 = arith.constant 8 : i32
          %eq3A_1275 = arith.constant 0 : i32
          %eq3A_1276 = arith.cmpi eq, %jit3A_1274, %eq3A_1275 : i32
          %jit3A_1277 = arith.constant 1 : i32
          %select_n3A_1278 = arith.select %eq3A_1276, %jit3A_1277, %jit3A_1274 : i32
          %rem3A_1279 = arith.remsi %add3A_1212, %select_n3A_1278 : i32
          %ne3A_1280 = arith.constant 0 : i32
          %ne3A_1281 = arith.cmpi ne, %rem3A_1279, %ne3A_1280 : i32
          %lt3A_1282 = arith.constant 0 : i32
          %lt3A_1283 = arith.cmpi slt, %rem3A_1279, %lt3A_1282 : i32
          %lt3A_1284 = arith.constant 0 : i32
          %lt3A_1285 = arith.cmpi slt, %select_n3A_1278, %lt3A_1284 : i32
          %ne3A_1286 = arith.xori %lt3A_1283, %lt3A_1285 : i1
          %and3A_1287 = arith.andi %ne3A_1286, %ne3A_1281 : i1
          %add3A_1288 = arith.addi %rem3A_1279, %select_n3A_1278 : i32
          %select_n3A_1289 = arith.select %and3A_1287, %add3A_1288, %rem3A_1279 : i32
          %mul3A_1290 = arith.constant 64 : i32
          %mul3A_1291 = arith.muli %select_n3A_1289, %mul3A_1290 : i32
          %dma_start3A_1292 = arith.constant 6 : i32
          %dma_start3A_1293 = arith.constant 6 : i32
          %dma_start3A_1294 = arith.constant 0 : i32
          %dma_start3A_1295 = arith.constant 0 : i32
          %dma_start3A_1296 = tpu.memref_slice %arg6[%dma_start3A_1292, %dma_start3A_1294, %dma_start3A_1295] : memref<10x64x128xf32, #tpu.memory_space<vmem>> -> memref<1x64x128xf32, #tpu.memory_space<vmem>>
          %dma_start3A_1297 = tpu.memref_squeeze %dma_start3A_1296 : memref<1x64x128xf32, #tpu.memory_space<vmem>> -> memref<64x128xf32, #tpu.memory_space<vmem>>
          %dma_start3A_1298 = arith.constant 0 : i32
          %dma_start3A_1299 = tpu.memref_slice %arg5[%select_n3A_1273, %dma_start3A_1298] : memref<50x512xi32, #tpu.memory_space<vmem>> -> memref<1x512xi32, #tpu.memory_space<vmem>>
          %dma_start3A_1300 = tpu.memref_squeeze %dma_start3A_1299 : memref<1x512xi32, #tpu.memory_space<vmem>> -> memref<512xi32, #tpu.memory_space<vmem>>
          %dma_start3A_1301 = tpu.memref_slice %dma_start3A_1300[%mul3A_1291] : memref<512xi32, #tpu.memory_space<vmem>> -> memref<64xi32, #tpu.memory_space<vmem>>
          %dma_start3A_1302 = arith.constant 0 : i32
          %dma_start3A_1303 = arith.constant 0 : i32
          %dma_start3A_1304 = tpu.memref_slice %arg3[%dma_start3A_1302, %dma_start3A_1303] : memref<100000x128xf32, #tpu.memory_space<hbm>> -> memref<100000x128xf32, #tpu.memory_space<hbm>>
          %dma_start3A_1305 = tpu.memref_slice %arg7[%dma_start3A_1293] : memref<10x!tpu.dma_semaphore, #tpu.memory_space<semaphore_mem>> -> memref<1x!tpu.dma_semaphore, #tpu.memory_space<semaphore_mem>>
          %dma_start3A_1306 = tpu.memref_squeeze %dma_start3A_1305 : memref<1x!tpu.dma_semaphore, #tpu.memory_space<semaphore_mem>> -> memref<!tpu.dma_semaphore, #tpu.memory_space<semaphore_mem>>
          tpu.enqueue_indirect_dma source(%dma_start3A_1304 : memref<100000x128xf32, #tpu.memory_space<hbm>>) target(%dma_start3A_1297 : memref<64x128xf32, #tpu.memory_space<vmem>>) offsets(%dma_start3A_1301 : memref<64xi32, #tpu.memory_space<vmem>>) semaphore(%dma_start3A_1306 : memref<!tpu.dma_semaphore, #tpu.memory_space<semaphore_mem>>)
        } else {
        }
      } else {
      }
    }
    %scan3A_175 = arith.constant 40 : i32
    %dma_wait3A = arith.constant 7 : i32
    %dma_wait3A_176 = arith.constant 0 : i32
    %dma_wait3A_177 = arith.constant 7 : i32
    %dma_wait3A_178 = arith.constant 0 : i32
    %dma_wait3A_179 = arith.constant 0 : i32
    %dma_wait3A_180 = tpu.memref_slice %arg6[%dma_wait3A, %dma_wait3A_178, %dma_wait3A_179] : memref<10x64x128xf32, #tpu.memory_space<vmem>> -> memref<1x64x128xf32, #tpu.memory_space<vmem>>
    %dma_wait3A_181 = tpu.memref_squeeze %dma_wait3A_180 : memref<1x64x128xf32, #tpu.memory_space<vmem>> -> memref<64x128xf32, #tpu.memory_space<vmem>>
    %dma_wait3A_182 = arith.constant 0 : i32
    %dma_wait3A_183 = arith.constant 0 : i32
    %dma_wait3A_184 = tpu.memref_slice %arg4[%dma_wait3A_176, %dma_wait3A_182, %dma_wait3A_183] : memref<50x16384x128xf32, #tpu.memory_space<hbm>> -> memref<1x16384x128xf32, #tpu.memory_space<hbm>>
    %dma_wait3A_185 = tpu.memref_squeeze %dma_wait3A_184 : memref<1x16384x128xf32, #tpu.memory_space<hbm>> -> memref<16384x128xf32, #tpu.memory_space<hbm>>
    %dma_wait3A_186 = arith.constant 0 : i32
    %dma_wait3A_187 = arith.constant 0 : i32
    %dma_wait3A_188 = tpu.memref_slice %dma_wait3A_185[%dma_wait3A_186, %dma_wait3A_187] : memref<16384x128xf32, #tpu.memory_space<hbm>> -> memref<64x128xf32, #tpu.memory_space<hbm>>
    %dma_wait3A_189 = tpu.memref_slice %arg8[%dma_wait3A_177] : memref<10x!tpu.dma_semaphore, #tpu.memory_space<semaphore_mem>> -> memref<1x!tpu.dma_semaphore, #tpu.memory_space<semaphore_mem>>
    %dma_wait3A_190 = tpu.memref_squeeze %dma_wait3A_189 : memref<1x!tpu.dma_semaphore, #tpu.memory_space<semaphore_mem>> -> memref<!tpu.dma_semaphore, #tpu.memory_space<semaphore_mem>>
    %dma_wait3A_191 = arith.constant 0 : i32
    %dma_wait3A_192 = arith.constant 0 : i32
    %dma_wait3A_193 = tpu.memref_slice %arg4[%dma_wait3A_176, %dma_wait3A_191, %dma_wait3A_192] : memref<50x16384x128xf32, #tpu.memory_space<hbm>> -> memref<1x16384x128xf32, #tpu.memory_space<hbm>>
    %dma_wait3A_194 = tpu.memref_squeeze %dma_wait3A_193 : memref<1x16384x128xf32, #tpu.memory_space<hbm>> -> memref<16384x128xf32, #tpu.memory_space<hbm>>
    %dma_wait3A_195 = arith.constant 0 : i32
    %dma_wait3A_196 = arith.constant 0 : i32
    %dma_wait3A_197 = tpu.memref_slice %dma_wait3A_194[%dma_wait3A_195, %dma_wait3A_196] : memref<16384x128xf32, #tpu.memory_space<hbm>> -> memref<64x128xf32, #tpu.memory_space<hbm>>
    %dma_wait3A_198 = arith.constant 0 : i32
    %dma_wait3A_199 = arith.constant 0 : i32
    %dma_wait3A_200 = tpu.memref_slice %arg6[%dma_wait3A, %dma_wait3A_198, %dma_wait3A_199] : memref<10x64x128xf32, #tpu.memory_space<vmem>> -> memref<1x64x128xf32, #tpu.memory_space<vmem>>
    %dma_wait3A_201 = tpu.memref_squeeze %dma_wait3A_200 : memref<1x64x128xf32, #tpu.memory_space<vmem>> -> memref<64x128xf32, #tpu.memory_space<vmem>>
    tpu.wait_dma2 semaphore(%dma_wait3A_190 : memref<!tpu.dma_semaphore, #tpu.memory_space<semaphore_mem>>) src(%dma_wait3A_201 : memref<64x128xf32, #tpu.memory_space<vmem>>) dst(%dma_wait3A_197 : memref<64x128xf32, #tpu.memory_space<hbm>>)
    %dma_wait3A_202 = arith.constant 8 : i32
    %dma_wait3A_203 = arith.constant 0 : i32
    %dma_wait3A_204 = arith.constant 8 : i32
    %dma_wait3A_205 = arith.constant 0 : i32
    %dma_wait3A_206 = arith.constant 0 : i32
    %dma_wait3A_207 = tpu.memref_slice %arg6[%dma_wait3A_202, %dma_wait3A_205, %dma_wait3A_206] : memref<10x64x128xf32, #tpu.memory_space<vmem>> -> memref<1x64x128xf32, #tpu.memory_space<vmem>>
    %dma_wait3A_208 = tpu.memref_squeeze %dma_wait3A_207 : memref<1x64x128xf32, #tpu.memory_space<vmem>> -> memref<64x128xf32, #tpu.memory_space<vmem>>
    %dma_wait3A_209 = arith.constant 0 : i32
    %dma_wait3A_210 = arith.constant 0 : i32
    %dma_wait3A_211 = tpu.memref_slice %arg4[%dma_wait3A_203, %dma_wait3A_209, %dma_wait3A_210] : memref<50x16384x128xf32, #tpu.memory_space<hbm>> -> memref<1x16384x128xf32, #tpu.memory_space<hbm>>
    %dma_wait3A_212 = tpu.memref_squeeze %dma_wait3A_211 : memref<1x16384x128xf32, #tpu.memory_space<hbm>> -> memref<16384x128xf32, #tpu.memory_space<hbm>>
    %dma_wait3A_213 = arith.constant 0 : i32
    %dma_wait3A_214 = arith.constant 0 : i32
    %dma_wait3A_215 = tpu.memref_slice %dma_wait3A_212[%dma_wait3A_213, %dma_wait3A_214] : memref<16384x128xf32, #tpu.memory_space<hbm>> -> memref<64x128xf32, #tpu.memory_space<hbm>>
    %dma_wait3A_216 = tpu.memref_slice %arg8[%dma_wait3A_204] : memref<10x!tpu.dma_semaphore, #tpu.memory_space<semaphore_mem>> -> memref<1x!tpu.dma_semaphore, #tpu.memory_space<semaphore_mem>>
    %dma_wait3A_217 = tpu.memref_squeeze %dma_wait3A_216 : memref<1x!tpu.dma_semaphore, #tpu.memory_space<semaphore_mem>> -> memref<!tpu.dma_semaphore, #tpu.memory_space<semaphore_mem>>
    %dma_wait3A_218 = arith.constant 0 : i32
    %dma_wait3A_219 = arith.constant 0 : i32
    %dma_wait3A_220 = tpu.memref_slice %arg4[%dma_wait3A_203, %dma_wait3A_218, %dma_wait3A_219] : memref<50x16384x128xf32, #tpu.memory_space<hbm>> -> memref<1x16384x128xf32, #tpu.memory_space<hbm>>
    %dma_wait3A_221 = tpu.memref_squeeze %dma_wait3A_220 : memref<1x16384x128xf32, #tpu.memory_space<hbm>> -> memref<16384x128xf32, #tpu.memory_space<hbm>>
    %dma_wait3A_222 = arith.constant 0 : i32
    %dma_wait3A_223 = arith.constant 0 : i32
    %dma_wait3A_224 = tpu.memref_slice %dma_wait3A_221[%dma_wait3A_222, %dma_wait3A_223] : memref<16384x128xf32, #tpu.memory_space<hbm>> -> memref<64x128xf32, #tpu.memory_space<hbm>>
    %dma_wait3A_225 = arith.constant 0 : i32
    %dma_wait3A_226 = arith.constant 0 : i32
    %dma_wait3A_227 = tpu.memref_slice %arg6[%dma_wait3A_202, %dma_wait3A_225, %dma_wait3A_226] : memref<10x64x128xf32, #tpu.memory_space<vmem>> -> memref<1x64x128xf32, #tpu.memory_space<vmem>>
    %dma_wait3A_228 = tpu.memref_squeeze %dma_wait3A_227 : memref<1x64x128xf32, #tpu.memory_space<vmem>> -> memref<64x128xf32, #tpu.memory_space<vmem>>
    tpu.wait_dma2 semaphore(%dma_wait3A_217 : memref<!tpu.dma_semaphore, #tpu.memory_space<semaphore_mem>>) src(%dma_wait3A_228 : memref<64x128xf32, #tpu.memory_space<vmem>>) dst(%dma_wait3A_224 : memref<64x128xf32, #tpu.memory_space<hbm>>)
    %dma_wait3A_229 = arith.constant 9 : i32
    %dma_wait3A_230 = arith.constant 0 : i32
    %dma_wait3A_231 = arith.constant 9 : i32
    %dma_wait3A_232 = arith.constant 0 : i32
    %dma_wait3A_233 = arith.constant 0 : i32
    %dma_wait3A_234 = tpu.memref_slice %arg6[%dma_wait3A_229, %dma_wait3A_232, %dma_wait3A_233] : memref<10x64x128xf32, #tpu.memory_space<vmem>> -> memref<1x64x128xf32, #tpu.memory_space<vmem>>
    %dma_wait3A_235 = tpu.memref_squeeze %dma_wait3A_234 : memref<1x64x128xf32, #tpu.memory_space<vmem>> -> memref<64x128xf32, #tpu.memory_space<vmem>>
    %dma_wait3A_236 = arith.constant 0 : i32
    %dma_wait3A_237 = arith.constant 0 : i32
    %dma_wait3A_238 = tpu.memref_slice %arg4[%dma_wait3A_230, %dma_wait3A_236, %dma_wait3A_237] : memref<50x16384x128xf32, #tpu.memory_space<hbm>> -> memref<1x16384x128xf32, #tpu.memory_space<hbm>>
    %dma_wait3A_239 = tpu.memref_squeeze %dma_wait3A_238 : memref<1x16384x128xf32, #tpu.memory_space<hbm>> -> memref<16384x128xf32, #tpu.memory_space<hbm>>
    %dma_wait3A_240 = arith.constant 0 : i32
    %dma_wait3A_241 = arith.constant 0 : i32
    %dma_wait3A_242 = tpu.memref_slice %dma_wait3A_239[%dma_wait3A_240, %dma_wait3A_241] : memref<16384x128xf32, #tpu.memory_space<hbm>> -> memref<64x128xf32, #tpu.memory_space<hbm>>
    %dma_wait3A_243 = tpu.memref_slice %arg8[%dma_wait3A_231] : memref<10x!tpu.dma_semaphore, #tpu.memory_space<semaphore_mem>> -> memref<1x!tpu.dma_semaphore, #tpu.memory_space<semaphore_mem>>
    %dma_wait3A_244 = tpu.memref_squeeze %dma_wait3A_243 : memref<1x!tpu.dma_semaphore, #tpu.memory_space<semaphore_mem>> -> memref<!tpu.dma_semaphore, #tpu.memory_space<semaphore_mem>>
    %dma_wait3A_245 = arith.constant 0 : i32
    %dma_wait3A_246 = arith.constant 0 : i32
    %dma_wait3A_247 = tpu.memref_slice %arg4[%dma_wait3A_230, %dma_wait3A_245, %dma_wait3A_246] : memref<50x16384x128xf32, #tpu.memory_space<hbm>> -> memref<1x16384x128xf32, #tpu.memory_space<hbm>>
    %dma_wait3A_248 = tpu.memref_squeeze %dma_wait3A_247 : memref<1x16384x128xf32, #tpu.memory_space<hbm>> -> memref<16384x128xf32, #tpu.memory_space<hbm>>
    %dma_wait3A_249 = arith.constant 0 : i32
    %dma_wait3A_250 = arith.constant 0 : i32
    %dma_wait3A_251 = tpu.memref_slice %dma_wait3A_248[%dma_wait3A_249, %dma_wait3A_250] : memref<16384x128xf32, #tpu.memory_space<hbm>> -> memref<64x128xf32, #tpu.memory_space<hbm>>
    %dma_wait3A_252 = arith.constant 0 : i32
    %dma_wait3A_253 = arith.constant 0 : i32
    %dma_wait3A_254 = tpu.memref_slice %arg6[%dma_wait3A_229, %dma_wait3A_252, %dma_wait3A_253] : memref<10x64x128xf32, #tpu.memory_space<vmem>> -> memref<1x64x128xf32, #tpu.memory_space<vmem>>
    %dma_wait3A_255 = tpu.memref_squeeze %dma_wait3A_254 : memref<1x64x128xf32, #tpu.memory_space<vmem>> -> memref<64x128xf32, #tpu.memory_space<vmem>>
    tpu.wait_dma2 semaphore(%dma_wait3A_244 : memref<!tpu.dma_semaphore, #tpu.memory_space<semaphore_mem>>) src(%dma_wait3A_255 : memref<64x128xf32, #tpu.memory_space<vmem>>) dst(%dma_wait3A_251 : memref<64x128xf32, #tpu.memory_space<hbm>>)
    return
  }
}

</mosaic_0001>

<sc_bundles>
// kernel: kernel.3.cloned.1.call-start
scs
__scs_entry_jumppad:
0x0: {  	(pc) =	sbr.rel $0x88, $3  }
0x1: {  	(tag) =	ssettag $0x0;
	lr =	simm.s32 $0x1  }
0x2: {  	[smem:$0x3F9F] =	sst lr;
	_ =	strace $0xD0000000  }
0x3: {  	_ = 	snop  }
0x4: {  	_ = 	snop  }
0x5: {  	_ = 	snop  }
0x6: {  	_ = 	snop  }
0x7: {  	_ = 	snop  }
__scs_overlays_trampoline_lowered:
0x8: {  	[smem:$0x3FAE] =	sst s0  }
0x9: {  	[smem:$0x3FAF] =	sst s1  }
0xa: {  	[smem:$0x3FB0] =	sst s2  }
0xb: {  	[smem:$0x3FB1] =	sst s3  }
0xc: {  	[smem:$0x3FB2] =	sst s4  }
0xd: {  	[smem:$0x3FB3] =	sst s5  }
0xe: {  	[smem:$0x3FB4] =	sst s6  }
0xf: {  	[smem:$0x3FB5] =	sst s7  }
0x10: {  	[smem:$0x3FB6] =	sst s8  }
0x11: {  	[smem:$0x3FB7] =	sst s9;
	s0 =	simm.s32 @!p0 $0x0  }
0x12: {  	s1 =	sld [smem:$0x3F9D];
	s0 =	simm.s32 @p0 $0x1  }
0x13: {  	[smem:$0x3FB8] =	sst s0;
	s0 =	simm.s32 @!p1 $0x0  }
0x14: {  	s2 =	sld [smem:$0x3F9C];
	s0 =	simm.s32 @p1 $0x1  }
0x15: {  	[smem:$0x3FB9] =	sst s0;
	s0 =	simm.s32 @!p2 $0x0  }
0x16: {  	s3 =	sld [smem:$0x3FDB];
	s0 =	simm.s32 @p2 $0x1  }
0x17: {  	s4 =	simm.s32 $0x1BF5;
	[smem:$0x3FBB] =	sst s0  }
0x18: {  	s0 =	sld [smem:$0x3F9E];
	_ =	swait.ge [sflag:s4], $0x0  }
0x19: {  	s7 =	sld [smem:$0x3F9F]  }
0x1a: {  	s8 =	sadd.s32 $0xFFFFE003, lr  }
0x1b: {  	s9 =	sadd.s32 $0xFFFFFEF7, lr;
	s5 =	simm.s32 $0xFFFFFFFF;
	p2 =	slt.u32 s8, $0xFFFFF086  }
0x1c: {  	p1 =	slt.u32 s9, $0xF7A;
	s5 =	simm.s32 @!p2 $0x0  }
0x1d: {  	s5 =	simm.s32 @p1 $0x1;
	p0 =	seq.s32 s7, s2  }
0x1e: {  	s7 =	smul.u32 @!p0 $0xF7A, s2;
	p2 =	seq.s32 @!p0 s5, $0x0  }
0x1f: {  	s9 =	smul.u32 $0xF7A, s1;
	s8 =	simm.s32 @!p0 $0x1BF5;
	p2 =	por !p2, p0  }
0x20: {  	[sflag:s8] =	ssyncset.s32 @!p0 $0xFFFFF086;
	s6 =	sadd.s32 @!p0 s3, s7;
	s7 =	simm.s32 @!p0 $0x108  }
0x21: {  	s3 =	sadd.s32 s3, s9;
	s6 =	sadd.s32 @!p0 $0x88, s6;
	s7 =	simm.s32 @p2 $0x1082  }
0x22: {  	[simem:s7], [sflag:s8] =	dma.local @!p0 [hbm:s6], $0xF7A  }
0x23: {  	s9 =	sor.u32 $0xD0000000, s2;
	s6 =	simm.s32 $0x108;
	_ =	swait.ge @!p0 [sflag:s8], $0x0  }
0x24: {  	s3 =	sadd.s32 $0x88, s3;
	s6 =	simm.s32 @!p1 $0x1082;
	[sflag:s4] =	ssyncset.s32 $0xFFFFF086  }
0x25: {  	[simem:s6], [sflag:s4] =	dma.local [hbm:s3], $0xF7A  }
0x26: {  	[smem:$0x3F9F] =	sst s1;
	(tag) =	ssettag s2;
	_ =	strace s9  }
0x27: {  	s1 =	sld [smem:$0x3FAF]  }
0x28: {  	s2 =	sld [smem:$0x3FB0]  }
0x29: {  	s4 =	sld [smem:$0x3FB2]  }
0x2a: {  	p0 =	seq.s32 s5, $0x0;
	s5 =	sld [smem:$0x3FB3]  }
0x2b: {  	s6 =	sld [smem:$0x3FB4]  }
0x2c: {  	s7 =	sld [smem:$0x3FB5]  }
0x2d: {  	s3 =	simm.s32 $0x108;
	s8 =	sld [smem:$0x3FB6]  }
0x2e: {  	s3 =	simm.s32 @!p0 $0x1082;
	s9 =	sld [smem:$0x3FB7]  }
0x2f: {  	lr =	sadd.s32 s0, s3;
	s0 =	sld [smem:$0x3FAE]  }
0x30: {  	s3 =	sld [smem:$0x3FB1]  }
0x31: {  	[smem:$0x3FBA] =	sst s10  }
0x32: {  	s10 =	sld [smem:$0x3FB8];
	_ =	sdelay $0x3  }
0x33: {  	p0 =	seq.s32 s10, $0x1;
	s10 =	sld [smem:$0x3FBA];
	_ =	sdelay $0x3  }
0x34: {  	[smem:$0x3FBA] =	sst s10  }
0x35: {  	s10 =	sld [smem:$0x3FB9];
	_ =	sdelay $0x3  }
0x36: {  	p1 =	seq.s32 s10, $0x1;
	s10 =	sld [smem:$0x3FBA];
	_ =	sdelay $0x3  }
0x37: {  	[smem:$0x3FBA] =	sst s10  }
0x38: {  	s10 =	sld [smem:$0x3FBB]  }
0x39: {  	_ = 	snop;
	(pc) =	sbr.ind lr, $3  }
0x3a: {  	_ = 	snop  }
0x3b: {  	_ = 	snop  }
0x3c: {  	p2 =	seq.s32 s10, $0x1;
	s10 =	sld [smem:$0x3FBA]  }
0x3d: {  	_ =	shalt  }
0x3e: {  	_ =	shalt  }
0x3f: {  	_ =	shalt  }
0x40: {  	_ =	shalt  }
0x41: {  	_ =	shalt  }
0x42: {  	_ =	shalt  }
0x43: {  	_ =	shalt  }
0x44: {  	_ =	shalt  }
0x45: {  	_ =	shalt  }
0x46: {  	_ =	shalt  }
0x47: {  	_ =	shalt  }
0x48: {  	_ =	shalt  }
0x49: {  	_ =	shalt  }
0x4a: {  	_ =	shalt  }
0x4b: {  	_ =	shalt  }
0x4c: {  	_ =	shalt  }
0x4d: {  	_ =	shalt  }
0x4e: {  	_ =	shalt  }
0x4f: {  	_ =	shalt  }
0x50: {  	_ =	shalt  }
0x51: {  	_ =	shalt  }
0x52: {  	_ =	shalt  }
0x53: {  	_ =	shalt  }
0x54: {  	_ =	shalt  }
0x55: {  	_ =	shalt  }
0x56: {  	_ =	shalt  }
0x57: {  	_ =	shalt  }
0x58: {  	_ =	shalt  }
0x59: {  	_ =	shalt  }
0x5a: {  	_ =	shalt  }
0x5b: {  	_ =	shalt  }
0x5c: {  	_ =	shalt  }
0x5d: {  	_ =	shalt  }
0x5e: {  	_ =	shalt  }
0x5f: {  	_ =	shalt  }
0x60: {  	_ =	shalt  }
0x61: {  	_ =	shalt  }
0x62: {  	_ =	shalt  }
0x63: {  	_ =	shalt  }
0x64: {  	_ =	shalt  }
0x65: {  	_ =	shalt  }
0x66: {  	_ =	shalt  }
0x67: {  	_ =	shalt  }
0x68: {  	_ =	shalt  }
0x69: {  	_ =	shalt  }
0x6a: {  	_ =	shalt  }
0x6b: {  	_ =	shalt  }
0x6c: {  	_ =	shalt  }
0x6d: {  	_ =	shalt  }
0x6e: {  	_ =	shalt  }
0x6f: {  	_ =	shalt  }
0x70: {  	_ =	shalt  }
0x71: {  	_ =	shalt  }
0x72: {  	_ =	shalt  }
0x73: {  	_ =	shalt  }
0x74: {  	_ =	shalt  }
0x75: {  	_ =	shalt  }
0x76: {  	_ =	shalt  }
0x77: {  	_ =	shalt  }
0x78: {  	_ =	shalt  }
0x79: {  	_ =	shalt  }
0x7a: {  	_ =	shalt  }
0x7b: {  	_ =	shalt  }
0x7c: {  	_ =	shalt  }
0x7d: {  	_ =	shalt  }
0x7e: {  	_ =	shalt  }
0x7f: {  	_ =	shalt  }
0x80: {  	_ =	shalt  }
0x81: {  	_ =	shalt  }
0x82: {  	_ =	shalt  }
0x83: {  	_ =	shalt  }
0x84: {  	_ =	shalt  }
0x85: {  	_ =	shalt  }
0x86: {  	_ =	shalt  }
0x87: {  	_ =	shalt  }
.Lfunc_end0:
.L_simem_size_0:
called_computation_lowered:
.L_overlay_start_0:
0x88: {  	s2 =	sld [smem:$0x3FD9]  }
0x89: {  	s3 =	sld [smem:$0x3FFE];
	_ =	sdelay $0x1  }
0x8a: {  	s1 =	srdreg.scid  }
0x8b: {  	s0 =	sand.u32 $0x1, s1  }
0x8c: {  	s18 =	sshll.u32 s0, $0xA;
	s2 =	sadd.s32 s3, s2  }
0x8d: {  	s2 =	sadd.s32 s2, s18  }
0x8e: {  	[smem:$0x3FC6] =	sst s2  }
0x8f: {  	_ = 	snop  }
0x90: {  	s2 =	sld [smem:$0x3FC9]  }
0x91: {  	s19 =	sld [smem:$0x3FC8]  }
0x92: {  	s4 =	sld [smem:$0x3FD0];
	(tm) =	ssettm $0x1  }
0x93: {  	s5 =	sld [smem:$0x3FFB];
	_ =	sdelay $0x3  }
0x94: {  	_ =	strace s5  }
0x95: {  	s5 =	sld [smem:$0x3FFC];
	_ =	sdelay $0x3  }
0x96: {  	_ =	strace s5  }
0x97: {  	s5 =	sld [smem:$0x3FFD];
	_ =	sdelay $0x3  }
0x98: {  	_ =	strace s5  }
0x99: {  	_ =	strace $0x8FFFFFFF  }
0x9a: {  	s20 =	sld [smem:$0x3FDB];
	_ =	sdelay $0x1  }
0x9b: {  	s6 =	simm.s32 $_scs_section_size  }
0x9c: {  	s7 =	simm.s32 $_size__tile_overlayer_lowered;
	s8 =	simm.s32 $_tile_overlayer_lowered  }
0x9d: {  	s23 =	simm.s32 $0x1BFF;
	s22 =	sshll.u32 s8, $0x1;
	s5 =	sadd.s32 s6, s20  }
0x9e: {  	s9 =	simm.s32 $0x0;
	s21 =	sshll.u32 s7, $0x1;
	s7 =	sadd.s32 s22, s5  }
0x9f: {  	[timem:s9], [sflag:s23] =	dma.local [hbm:s7], s21  }
0xa0: {  	_ =	swait.ge [sflag:s23], s21  }
0xa1: {  	s6 =	ssub.s32 $0x0, s21;
	[sflag:s23] =	ssyncset.done $0x0  }
0xa2: {  	[sflag:s23] =	ssyncadd.s32 s6;
	_ =	sdelay $0x1  }
0xa3: {  	s24 =	simm.s32 $0x1B8B  }
0xa4: {  	_ =	swait.ge [sflag:s24], $0x1  }
0xa5: {  	[sflag:s24] =	ssyncset.done $0x0  }
0xa6: {  	s25 =	simm.s32 $0x1B8E;
	[sflag:s24] =	ssyncadd.s32 $0xFFFFFFFF  }
0xa7: {  	s26 =	simm.s32 $execute0_lowered;
	[smem:$0x3FD2] =	sst s25  }
0xa8: {  	s6 =	sshll.u32 s26, $0x1;
	_ =	strace $0x80000046;
	[dreg:$0x1] =	wrdreg $0xFFFFFFFF  }
0xa9: {  	s28 =	simm.s32 $_size_execute0_lowered;
	s5 =	sadd.s32 s5, s6;
	[dreg:$0x0] =	wrdreg $0x0  }
0xaa: {  	s6 =	sshll.u32 s28, $0x1;
	[dreg:$0x2] =	wrdreg s5  }
0xab: {  	[dreg:$0x3] =	wrdreg s6  }
0xac: {  	[dreg:$0x4] =	wrdreg $0xC0  }
0xad: {  	_ =	task [dreg:s9], $0x5FFFF  }
0xae: {  	[dreg:$0x1] =	wrdreg $0xFFFFFFFF  }
0xaf: {  	[dreg:$0x0] =	wrdreg $0x60  }
0xb0: {  	[dreg:$0x2] =	wrdreg s2  }
0xb1: {  	[dreg:$0x3] =	wrdreg s19  }
0xb2: {  	[dreg:$0x4] =	wrdreg s4  }
0xb3: {  	[dreg:$0x5] =	wrdreg $0x9  }
0xb4: {  	_ =	task.clear_ibuf [dreg:s9], $0x6FFFF;
	_ =	strace $0x90000046  }
0xb5: {  	s29 =	simm.s32 $0x9;
	_ =	strace $0x80000048  }
0xb6: {  	_ =	swait.ge [sflag:s29], $0x1  }
0xb7: {  	[sflag:s29] =	ssyncadd.s32 $0xFFFFFFFF  }
0xb8: {  	_ =	strace $0x90000048  }
0xb9: {  	_ =	sfence  }
0xba: {  	s30 =	sld [smem:$0x0];
	_ =	sdelay $0x2  }
0xbb: {  	s31 =	sshll.u32 s1, $0xD;
	s1 =	sshrl.u32 s1, $0x2  }
0xbc: {  	s3 =	sand.u32 $0x4000, s31;
	s1 =	sadd.s32 s1, s30  }
0xbd: {  	s0 =	sor.u32 s3, s0;
	s1 =	sshll.u32 s1, $0x11  }
0xbe: {  	s0 =	sor.u32 s1, s0  }
0xbf: {  	s0 =	sadd.s32 $0x8F2B, s0  }
0xc0: {  	[sflag:s0] =	ssyncadd.remote.s32 $0x1  }
0xc1: {  	_ =	sfence.sel $0xFFFF  }
0xc2: {  	[dreg:$0x0] =	wrdreg $0xFFFFFFFF;
	(pc) =	sbr.abs _section_cstart, $3  }
0xc3: {  	[dreg:$0x1] =	wrdreg $0xFFFFFFFF  }
0xc4: {  	_ =	task.clear_ibuf [dreg:s9], $0x2FFFF;
	_ =	strace $0x9FFFFFFF  }
0xc5: {  	(tm) =	ssettm $0x7FFFFFFF  }
tec
execute0_lowered:
.L_overlay_start_1:
0x0: {  	(tag) =	ssettag $0x1  }
0x1: {  	s0 =	rddreg [dreg:$0x0]  }
0x2: {  	s1 =	rddreg [dreg:$0x1]  }
0x3: {  	s2 =	rddreg [dreg:$0x2]  }
0x4: {  	s3 =	srdreg.scid;
	s4 =	simm.s32 $0x0;
	s7 =	stileid.u32  }
0x5: {  	s8 =	simm.s32 $0x4;
	s9 =	simm.s32 $0xB;
	s14 =	simm.s32 $0x5  }
0x6: {  	s16 =	simm.s32 $0xC;
	s18 =	simm.s32 $0x6;
	s20 =	simm.s32 $0xD  }
0x7: {  	s22 =	simm.s32 $0x7;
	s24 =	simm.s32 $0xE;
	s26 =	simm.s32 $0x8  }
0x8: {  	s29 =	simm.s32 $0xF;
	s10 =	simm.s32 $0xA;
	s3 =	sand.u32 $0x1, s3  }
0x9: {  	s12 =	simm.s32 $0x11;
	s7 =	sshll.u32 s7, $0xA;
	s5 =	ssub.s32 $0x2, s3  }
.Ltmp0:
0xa: {  	s3 =	sshll.u32 s3, $0x9;
	s6 =	sshrl.u32 s5, $0x1;
	(pc) =	sbr.rel .LBB2_1-.Ltmp0, $4  }
0xb: {  	[smem:$0x7FF] =	sst s4;
	s6 =	ssub.s32 s5, s6;
	s5 =	sor.u32 s3, s7  }
0xc: {  	s13 =	simm.s32 $0x0;
	_ =	strace $0x80000047;
	s0 =	sadd.s32 s0, s5  }
0xd: {  	s3 =	simm.s32 $0x13000;
	s31 =	smax.u32 s6, $0x1;
	[dreg:$0x4] =	wrdreg s0  }
0xe: {  	s7 =	simm.s32 $0x10;
	s6 =	simm.s32 $0x9;
	[dreg:$0x5] =	wrdreg s31  }
.LBB2_4:
0xf: {  	s0 =	simm.s32 $0x12  }
0x10: {  	_ =	swait.ge [sflag:s0], $0x2000  }
0x11: {  	[sflag:s0] =	ssyncset.done $0x0  }
0x12: {  	s30 =	simm.s32 $0x13;
	[sflag:s0] =	ssyncadd.s32 $0xFFFFE000  }
0x13: {  	_ =	swait.ge [sflag:s30], $0x2000  }
0x14: {  	[sflag:s30] =	ssyncset.done $0x0  }
0x15: {  	s11 =	simm.s32 $0x14;
	[sflag:s30] =	ssyncadd.s32 $0xFFFFE000  }
0x16: {  	_ =	swait.ge [sflag:s11], $0x2000  }
0x17: {  	s13 =	rddreg [dreg:$0x6]  }
0x18: {  	s31 =	rddreg [dreg:$0x5];
	s13 =	sadd.s32 $0x1, s13  }
0x19: {  	p0 =	sne.s32 s13, s31  }
.Ltmp1:
0x1a: {  	_ = 	snop;
	(pc) =	sbr.rel @!p0 .LBB2_5-.Ltmp1, $3  }
0x1b: {  	_ =	sdelay $0x1  }
0x1c: {  	[sflag:s11] =	ssyncset.done $0x0  }
0x1d: {  	[sflag:s11] =	ssyncadd.s32 $0xFFFFE000  }
.LBB2_1:
0x1e: {  	[dreg:$0x6] =	wrdreg s13  }
0x1f: {  	s0 =	rddreg [dreg:$0x4]  }
0x20: {  	s11 =	simm.s32 $0x1000;
	s31 =	simm.s32 $0x20000;
	s15 =	simm.s32 $0x15  }
0x21: {  	[tilespmem:s4], [sflag:$0x15] =	stream.strided.gather [hbm4b:s0+s11], $0x7000, s31, s11, $0x38;
	[tilespmem:$0x1B000] =	vst v63  }
0x22: {  	_ =	swait.ge [sflag:s15], $0x7000  }
0x23: {  	[sflag:s15] =	ssyncset.done $0x0  }
0x24: {  	s17 =	simm.s32 $0x7000;
	s0 =	simm.s32 $0x40;
	[sflag:s15] =	ssyncadd.s32 $0xFFFF9000  }
0x25: {  	[tilespmem:s17], [sflag:$0x1] =	stream.indirect.gather [hbm4b:s1+s0], $0x80, s4, s0, $0xb8;
	[tilespmem:$0x1B000] =	vst v63  }
0x26: {  	s19 =	simm.s32 $0x9000  }
0x27: {  	[tilespmem:s19], [sflag:$0x2] =	stream.indirect.gather [hbm4b:s1+s0], $0x80, s0, s0, $0xb8;
	[tilespmem:$0x1B000] =	vst v63  }
0x28: {  	s21 =	simm.s32 $0x400;
	s23 =	simm.s32 $0xB000  }
0x29: {  	[tilespmem:s23], [sflag:$0x3] =	stream.indirect.gather [hbm4b:s1+s0], $0x80, s21, s0, $0xb8;
	[tilespmem:$0x1B000] =	vst v63  }
0x2a: {  	s25 =	simm.s32 $0x440;
	s28 =	simm.s32 $0xD000  }
0x2b: {  	[tilespmem:s28], [sflag:$0x4] =	stream.indirect.gather [hbm4b:s1+s0], $0x80, s25, s0, $0xb8;
	[tilespmem:$0x1B000] =	vst v63  }
0x2c: {  	s30 =	simm.s32 $0x800;
	s13 =	simm.s32 $0x1E00;
	s31 =	simm.s32 $0xF000  }
0x2d: {  	[tilespmem:s31], [sflag:$0x5] =	stream.indirect.gather [hbm4b:s1+s0], $0x80, s30, s0, $0xb8;
	[tilespmem:$0x1B000] =	vst v63  }
0x2e: {  	s15 =	simm.s32 $0x840;
	s17 =	simm.s32 $0x11000;
	s19 =	simm.s32 $0xC00  }
0x2f: {  	[tilespmem:s17], [sflag:$0x6] =	stream.indirect.gather [hbm4b:s1+s0], $0x80, s15, s0, $0xb8;
	[tilespmem:$0x1B000] =	vst v63  }
0x30: {  	s21 =	simm.s32 $0xC40;
	s23 =	simm.s32 $0x15000;
	s25 =	simm.s32 $0x80  }
0x31: {  	[tilespmem:s3], [sflag:$0x7] =	stream.indirect.gather [hbm4b:s1+s0], $0x80, s19, s0, $0xb8;
	[tilespmem:$0x1B000] =	vst v63  }
0x32: {  	s28 =	simm.s32 $0x17000;
	s30 =	simm.s32 $0xC0;
	s31 =	simm.s32 $0x19000  }
0x33: {  	[tilespmem:s23], [sflag:$0x8] =	stream.indirect.gather [hbm4b:s1+s0], $0x80, s21, s0, $0xb8;
	[tilespmem:$0x1B000] =	vst v63  }
0x34: {  	s15 =	simm.s32 $0x48000;
	s17 =	simm.s32 $0x240;
	s19 =	simm.s32 $0x0  }
0x35: {  	[tilespmem:s28], [sflag:$0x9] =	stream.indirect.gather [hbm4b:s1+s0], $0x80, s25, s0, $0xb8;
	[tilespmem:$0x1B000] =	vst v63  }
0x36: {  	s3 =	simm.s32 $0x13000;
	s21 =	simm.s32 $0x10;
	s25 =	simm.s32 $0x0  }
0x37: {  	[tilespmem:s31], [sflag:$0xA] =	stream.indirect.gather [hbm4b:s1+s0], $0x80, s30, s0, $0xb8;
	[tilespmem:$0x1B000] =	vst v63  }
.LBB2_2:
0x38: {  	s28 =	sand.u32 $0x180, s19  }
0x39: {  	s30 =	sadd.s32 $0xFFFB8000, s15;
	s0 =	simm.s32 $0x1;
	s11 =	simm.s32 $0x7000  }
0x3a: {  	_ =	swait.ge [sflag:s0], $0x2000;
	s28 =	sor.u32 s5, s28;
	s30 =	sand.u32 $0x1FC0000, s30  }
0x3b: {  	[sflag:s0] =	ssyncset.done $0x0;
	s30 =	sadd.s32 s2, s30;
	s28 =	sshll.u32 s28, $0x4  }
0x3c: {  	p0 =	seq.s32 s21, $0x10;
	[sflag:s0] =	ssyncadd.s32 $0xFFFFE000;
	s30 =	sadd.s32 s28, s30  }
0x3d: {  	[hbm4b:s30+s4] =	stream.linear.scatter [tilespmem:s11], [sflag:$0xB], $0x2000, $0x38;
	[tilespmem:$0x1B000] =	vst v63  }
0x3e: {  	s23 =	simm.s32 @!p0 $0x12;
	s11 =	sadd.s32 $0xFFFFFFF7, s21  }
0x3f: {  	s0 =	sadd.s32 @!p0 $0xFFFFF000, s13;
	s31 =	sshll.u32 @!p0 s11, $0x6;
	s11 =	sshll.u32 @!p0 s11, $0x4  }
0x40: {  	_ =	swait.ge @!p0 [sflag:s23], $0x2000;
	s31 =	sand.u32 @!p0 $0x1F000, s31;
	s11 =	sand.u32 @!p0 $0x380, s11  }
0x41: {  	s0 =	sand.u32 @!p0 $0xC00, s0;
	[sflag:s23] =	ssyncset.done @!p0 $0x0;
	s11 =	sor.u32 @!p0 s11, s31  }
0x42: {  	[sflag:s23] =	ssyncadd.s32 @!p0 $0xFFFFE000;
	s0 =	sor.u32 @!p0 s0, s11  }
0x43: {  	s23 =	simm.s32 @!p0 $0x15000;
	s11 =	simm.s32 @!p0 $0x40;
	s0 =	sor.u32 @!p0 $0x40, s0  }
0x44: {  	[tilespmem:s23], [sflag:$0x8] =	stream.indirect.gather @!p0 [hbm4b:s1+s11], $0x80, s0, s11, $0xb8;
	[tilespmem:$0x1B000] =	vst v63  }
0x45: {  	s23 =	simm.s32 $0x2  }
0x46: {  	_ =	swait.ge [sflag:s23], $0x2000  }
0x47: {  	s30 =	sadd.s32 $0x400, s30;
	s31 =	simm.s32 $0x9000;
	[sflag:s23] =	ssyncset.done $0x0  }
0x48: {  	s0 =	sadd.s32 $0xFFFFFFF8, s21;
	[sflag:s23] =	ssyncadd.s32 $0xFFFFE000;
	s23 =	simm.s32 @!p0 $0x13  }
0x49: {  	[hbm4b:s30+s4] =	stream.linear.scatter [tilespmem:s31], [sflag:$0xC], $0x2000, $0x38;
	[tilespmem:$0x1B000] =	vst v63  }
0x4a: {  	s30 =	sshll.u32 @!p0 s0, $0x6;
	s0 =	sshll.u32 @!p0 s0, $0x4;
	_ =	swait.ge @!p0 [sflag:s23], $0x2000  }
0x4b: {  	s30 =	sand.u32 @!p0 $0x1F000, s30;
	s0 =	sand.u32 @!p0 $0x380, s0;
	[sflag:s23] =	ssyncset.done @!p0 $0x0  }
0x4c: {  	s0 =	sor.u32 @!p0 s0, s30;
	s30 =	sand.u32 @!p0 $0xC00, s25;
	[sflag:s23] =	ssyncadd.s32 @!p0 $0xFFFFE000  }
0x4d: {  	s0 =	sor.u32 @!p0 s30, s0;
	s23 =	simm.s32 @!p0 $0x17000;
	s30 =	sadd.s32 $0xFFFFFE40, s17  }
0x4e: {  	[tilespmem:s23], [sflag:$0x9] =	stream.indirect.gather @!p0 [hbm4b:s1+s11], $0x80, s0, s11, $0xb8;
	[tilespmem:$0x1B000] =	vst v63  }
0x4f: {  	s31 =	simm.s32 $0x3;
	s0 =	sand.u32 $0x180, s30;
	s23 =	sadd.s32 $0xFFFC8000, s15  }
0x50: {  	_ =	swait.ge [sflag:s31], $0x2000;
	s0 =	sor.u32 s5, s0;
	s23 =	sand.u32 $0x3FC0000, s23  }
0x51: {  	[sflag:s31] =	ssyncset.done $0x0;
	s23 =	sadd.s32 s2, s23;
	s0 =	sshll.u32 s0, $0x4  }
0x52: {  	[sflag:s31] =	ssyncadd.s32 $0xFFFFE000;
	s0 =	sadd.s32 s0, s23;
	s31 =	simm.s32 $0xB000  }
0x53: {  	[hbm4b:s0+s4] =	stream.linear.scatter [tilespmem:s31], [sflag:$0xD], $0x2000, $0x38;
	[tilespmem:$0x1B000] =	vst v63  }
0x54: {  	s0 =	sadd.s32 $0xFFFFFFF9, s21  }
0x55: {  	s23 =	simm.s32 @!p0 $0x14;
	s30 =	sshll.u32 @!p0 s0, $0x6;
	s0 =	sshll.u32 @!p0 s0, $0x4  }
0x56: {  	s31 =	sadd.s32 @!p0 $0xFFFFF400, s13;
	s30 =	sand.u32 @!p0 $0x1F000, s30;
	s0 =	sand.u32 @!p0 $0x380, s0  }
0x57: {  	_ =	swait.ge @!p0 [sflag:s23], $0x2000;
	s0 =	sor.u32 @!p0 s0, s30;
	s30 =	sand.u32 @!p0 $0xC00, s31  }
0x58: {  	[sflag:s23] =	ssyncset.done @!p0 $0x0;
	s0 =	sor.u32 @!p0 s30, s0  }
0x59: {  	[sflag:s23] =	ssyncadd.s32 @!p0 $0xFFFFE000;
	s23 =	simm.s32 @!p0 $0x19000;
	s0 =	sor.u32 @!p0 $0x40, s0  }
0x5a: {  	[tilespmem:s23], [sflag:$0xA] =	stream.indirect.gather @!p0 [hbm4b:s1+s11], $0x80, s0, s11, $0xb8;
	[tilespmem:$0x1B000] =	vst v63  }
0x5b: {  	s23 =	sadd.s32 $0xFFFFFE80, s17  }
0x5c: {  	s31 =	simm.s32 $0xD000;
	s30 =	sadd.s32 $0xFFFD0000, s15;
	s0 =	sand.u32 $0x1C0, s23  }
0x5d: {  	s11 =	sand.u32 $0x3FC0000, s30;
	_ =	swait.ge [sflag:s8], $0x2000;
	s0 =	sor.u32 s5, s0  }
0x5e: {  	s11 =	sadd.s32 s2, s11;
	[sflag:s8] =	ssyncset.done $0x0;
	s0 =	sshll.u32 s0, $0x4  }
0x5f: {  	p0 =	seq.s32 s21, $0x196;
	[sflag:s8] =	ssyncadd.s32 $0xFFFFE000;
	s0 =	sadd.s32 s0, s11  }
0x60: {  	[hbm4b:s0+s4] =	stream.linear.scatter [tilespmem:s31], [sflag:$0xE], $0x2000, $0x38;
	[tilespmem:$0x1B000] =	vst v63  }
0x61: {  	s23 =	sadd.s32 @!p0 $0xFFFFF600, s13;
	s0 =	sadd.s32 @!p0 $0xFFFFFFFA, s21  }
0x62: {  	s30 =	simm.s32 @!p0 $0x40;
	s11 =	sshll.u32 @!p0 s0, $0x6;
	s0 =	sshll.u32 @!p0 s0, $0x4  }
0x63: {  	_ =	swait.ge [sflag:s9], $0x2000;
	s11 =	sand.u32 @!p0 $0x1F000, s11;
	s0 =	sand.u32 @!p0 $0x380, s0  }
0x64: {  	[sflag:s9] =	ssyncset.done $0x0;
	s0 =	sor.u32 @!p0 s0, s11;
	s11 =	sand.u32 @!p0 $0xC00, s23  }
0x65: {  	[sflag:s9] =	ssyncadd.s32 $0xFFFFE000;
	s0 =	sor.u32 @!p0 s11, s0;
	s11 =	simm.s32 @!p0 $0x7000  }
0x66: {  	[tilespmem:s11], [sflag:$0x1] =	stream.indirect.gather @!p0 [hbm4b:s1+s30], $0x80, s0, s30, $0xb8;
	[tilespmem:$0x1B000] =	vst v63  }
0x67: {  	s11 =	sadd.s32 $0xFFFFFEC0, s17  }
0x68: {  	s23 =	sadd.s32 $0xFFFD8000, s15;
	s0 =	sand.u32 $0x180, s11  }
0x69: {  	_ =	swait.ge [sflag:s14], $0x2000;
	s11 =	sand.u32 $0x3FC0000, s23;
	s0 =	sor.u32 s5, s0  }
0x6a: {  	[sflag:s14] =	ssyncset.done $0x0;
	s11 =	sadd.s32 s2, s11;
	s0 =	sshll.u32 s0, $0x4  }
0x6b: {  	s31 =	simm.s32 $0xF000;
	[sflag:s14] =	ssyncadd.s32 $0xFFFFE000;
	s0 =	sadd.s32 s0, s11  }
0x6c: {  	[hbm4b:s0+s4] =	stream.linear.scatter [tilespmem:s31], [sflag:$0xF], $0x2000, $0x38;
	[tilespmem:$0x1B000] =	vst v63  }
0x6d: {  	s0 =	sadd.s32 @!p0 $0xFFFFFFFB, s21  }
0x6e: {  	s11 =	sshll.u32 @!p0 s0, $0x6;
	s0 =	sshll.u32 @!p0 s0, $0x4  }
0x6f: {  	s23 =	sadd.s32 @!p0 $0xFFFFF800, s13;
	s11 =	sand.u32 @!p0 $0x1F000, s11;
	s0 =	sand.u32 @!p0 $0x380, s0  }
0x70: {  	_ =	swait.ge [sflag:s16], $0x2000;
	s0 =	sor.u32 @!p0 s0, s11;
	s11 =	sand.u32 @!p0 $0xC00, s23  }
0x71: {  	[sflag:s16] =	ssyncset.done $0x0;
	s0 =	sor.u32 @!p0 s11, s0  }
0x72: {  	[sflag:s16] =	ssyncadd.s32 $0xFFFFE000;
	s11 =	simm.s32 @!p0 $0x9000;
	s0 =	sor.u32 @!p0 $0x40, s0  }
0x73: {  	[tilespmem:s11], [sflag:$0x2] =	stream.indirect.gather @!p0 [hbm4b:s1+s30], $0x80, s0, s30, $0xb8;
	[tilespmem:$0x1B000] =	vst v63  }
0x74: {  	s11 =	sadd.s32 $0xFFFFFF00, s17  }
0x75: {  	s23 =	sadd.s32 $0xFFFE0000, s15;
	s0 =	sand.u32 $0x1C0, s11  }
0x76: {  	_ =	swait.ge [sflag:s18], $0x2000;
	s11 =	sand.u32 $0x3FC0000, s23;
	s0 =	sor.u32 s5, s0  }
0x77: {  	[sflag:s18] =	ssyncset.done $0x0;
	s11 =	sadd.s32 s2, s11;
	s0 =	sshll.u32 s0, $0x4  }
0x78: {  	s31 =	simm.s32 $0x11000;
	[sflag:s18] =	ssyncadd.s32 $0xFFFFE000;
	s0 =	sadd.s32 s0, s11  }
0x79: {  	[hbm4b:s0+s4] =	stream.linear.scatter [tilespmem:s31], [sflag:$0x10], $0x2000, $0x38;
	[tilespmem:$0x1B000] =	vst v63  }
0x7a: {  	s23 =	sadd.s32 @!p0 $0xFFFFFA00, s13;
	s0 =	sadd.s32 @!p0 $0xFFFFFFFC, s21  }
0x7b: {  	_ =	swait.ge [sflag:s20], $0x2000;
	s11 =	sshll.u32 @!p0 s0, $0x6;
	s0 =	sshll.u32 @!p0 s0, $0x4  }
0x7c: {  	s11 =	sand.u32 @!p0 $0x1F000, s11;
	s0 =	sand.u32 @!p0 $0x380, s0;
	[sflag:s20] =	ssyncset.done $0x0  }
0x7d: {  	s0 =	sor.u32 @!p0 s0, s11;
	s11 =	sand.u32 @!p0 $0xC00, s23;
	[sflag:s20] =	ssyncadd.s32 $0xFFFFE000  }
0x7e: {  	s23 =	sadd.s32 $0xFFFFFF40, s17;
	s0 =	sor.u32 @!p0 s11, s0;
	s11 =	simm.s32 @!p0 $0xB000  }
0x7f: {  	[tilespmem:s11], [sflag:$0x3] =	stream.indirect.gather @!p0 [hbm4b:s1+s30], $0x80, s0, s30, $0xb8;
	[tilespmem:$0x1B000] =	vst v63  }
0x80: {  	s31 =	sadd.s32 $0xFFFE8000, s15;
	s0 =	sand.u32 $0x180, s23  }
0x81: {  	s11 =	sand.u32 $0x3FC0000, s31;
	_ =	swait.ge [sflag:s22], $0x2000;
	s0 =	sor.u32 s5, s0  }
0x82: {  	s11 =	sadd.s32 s2, s11;
	[sflag:s22] =	ssyncset.done $0x0;
	s0 =	sshll.u32 s0, $0x4  }
0x83: {  	[sflag:s22] =	ssyncadd.s32 $0xFFFFE000;
	s0 =	sadd.s32 s0, s11  }
0x84: {  	[hbm4b:s0+s4] =	stream.linear.scatter [tilespmem:s3], [sflag:$0x11], $0x2000, $0x38;
	[tilespmem:$0x1B000] =	vst v63  }
0x85: {  	s0 =	sadd.s32 @!p0 $0xFFFFFFFD, s21  }
0x86: {  	s11 =	sshll.u32 @!p0 s0, $0x6;
	s0 =	sshll.u32 @!p0 s0, $0x4  }
0x87: {  	s23 =	sadd.s32 @!p0 $0xFFFFFC00, s13;
	s11 =	sand.u32 @!p0 $0x1F000, s11;
	s0 =	sand.u32 @!p0 $0x380, s0  }
0x88: {  	_ =	swait.ge [sflag:s24], $0x2000;
	s0 =	sor.u32 @!p0 s0, s11;
	s11 =	sand.u32 @!p0 $0xC00, s23  }
0x89: {  	[sflag:s24] =	ssyncset.done $0x0;
	s0 =	sor.u32 @!p0 s11, s0  }
0x8a: {  	[sflag:s24] =	ssyncadd.s32 $0xFFFFE000;
	s11 =	simm.s32 @!p0 $0xD000;
	s0 =	sor.u32 @!p0 $0x40, s0  }
0x8b: {  	[tilespmem:s11], [sflag:$0x4] =	stream.indirect.gather @!p0 [hbm4b:s1+s30], $0x80, s0, s30, $0xb8;
	[tilespmem:$0x1B000] =	vst v63  }
0x8c: {  	s11 =	sadd.s32 $0xFFFFFF80, s17  }
0x8d: {  	s23 =	sadd.s32 $0xFFFF0000, s15;
	s0 =	sand.u32 $0x1C0, s11  }
0x8e: {  	_ =	swait.ge [sflag:s26], $0x2000;
	s11 =	sand.u32 $0x3FC0000, s23;
	s0 =	sor.u32 s5, s0  }
0x8f: {  	[sflag:s26] =	ssyncset.done $0x0;
	s11 =	sadd.s32 s2, s11;
	s0 =	sshll.u32 s0, $0x4  }
0x90: {  	s31 =	simm.s32 $0x15000;
	[sflag:s26] =	ssyncadd.s32 $0xFFFFE000;
	s0 =	sadd.s32 s0, s11  }
0x91: {  	[hbm4b:s0+s4] =	stream.linear.scatter [tilespmem:s31], [sflag:$0x12], $0x2000, $0x38;
	[tilespmem:$0x1B000] =	vst v63  }
0x92: {  	s0 =	sadd.s32 @!p0 $0xFFFFFFFE, s21  }
0x93: {  	s23 =	sadd.s32 @!p0 $0xFFFFFE00, s13;
	s11 =	sshll.u32 @!p0 s0, $0x6;
	s0 =	sshll.u32 @!p0 s0, $0x4  }
0x94: {  	_ =	swait.ge [sflag:s29], $0x2000;
	s11 =	sand.u32 @!p0 $0x1F000, s11;
	s0 =	sand.u32 @!p0 $0x380, s0  }
0x95: {  	[sflag:s29] =	ssyncset.done $0x0;
	s0 =	sor.u32 @!p0 s0, s11;
	s11 =	sand.u32 @!p0 $0xC00, s23  }
0x96: {  	[sflag:s29] =	ssyncadd.s32 $0xFFFFE000;
	s0 =	sor.u32 @!p0 s11, s0;
	s11 =	simm.s32 @!p0 $0xF000  }
0x97: {  	[tilespmem:s11], [sflag:$0x5] =	stream.indirect.gather @!p0 [hbm4b:s1+s30], $0x80, s0, s30, $0xb8;
	[tilespmem:$0x1B000] =	vst v63  }
0x98: {  	s11 =	sadd.s32 $0xFFFF8000, s15  }
0x99: {  	_ =	swait.ge [sflag:s6], $0x2000;
	s0 =	sand.u32 $0x3FC0000, s11  }
0x9a: {  	[sflag:s6] =	ssyncset.done $0x0;
	s0 =	sadd.s32 s2, s0  }
0x9b: {  	s23 =	simm.s32 $0x17000;
	[sflag:s6] =	ssyncadd.s32 $0xFFFFE000;
	s0 =	sadd.s32 s28, s0  }
0x9c: {  	[hbm4b:s0+s4] =	stream.linear.scatter [tilespmem:s23], [sflag:$0x13], $0x2000, $0x38;
	[tilespmem:$0x1B000] =	vst v63  }
0x9d: {  	s0 =	sadd.s32 @!p0 $0xFFFFFFFF, s21  }
0x9e: {  	s11 =	sshll.u32 @!p0 s0, $0x6;
	s0 =	sshll.u32 @!p0 s0, $0x4  }
0x9f: {  	s31 =	simm.s32 $0x19000;
	s11 =	sand.u32 @!p0 $0x1F000, s11;
	s0 =	sand.u32 @!p0 $0x380, s0  }
0xa0: {  	_ =	swait.ge [sflag:s7], $0x2000;
	s0 =	sor.u32 @!p0 s0, s11;
	s11 =	sand.u32 @!p0 $0xC00, s13  }
0xa1: {  	s28 =	sand.u32 $0x1C0, s17;
	[sflag:s7] =	ssyncset.done $0x0;
	s0 =	sor.u32 @!p0 s11, s0  }
0xa2: {  	[sflag:s7] =	ssyncadd.s32 $0xFFFFE000;
	s11 =	simm.s32 @!p0 $0x11000;
	s0 =	sor.u32 @!p0 $0x40, s0  }
0xa3: {  	[tilespmem:s11], [sflag:$0x6] =	stream.indirect.gather @!p0 [hbm4b:s1+s30], $0x80, s0, s30, $0xb8;
	[tilespmem:$0x1B000] =	vst v63  }
0xa4: {  	s0 =	sor.u32 s5, s28;
	s30 =	sand.u32 $0x3FC0000, s15;
	_ =	swait.ge [sflag:s10], $0x2000  }
0xa5: {  	s11 =	sadd.s32 s2, s30;
	s0 =	sshll.u32 s0, $0x4;
	[sflag:s10] =	ssyncset.done $0x0  }
.Ltmp2:
0xa6: {  	s0 =	sadd.s32 s0, s11;
	[sflag:s10] =	ssyncadd.s32 $0xFFFFE000;
	(pc) =	sbr.rel @p0 .LBB2_4-.Ltmp2, $4  }
0xa7: {  	[hbm4b:s0+s4] =	stream.linear.scatter [tilespmem:s31], [sflag:$0x14], $0x2000, $0x38;
	[tilespmem:$0x1B000] =	vst v63  }
0xa8: {  	_ =	swait.ge [sflag:s12], $0x2000  }
0xa9: {  	[sflag:s12] =	ssyncset.done $0x0  }
0xaa: {  	s3 =	simm.s32 $0x13000;
	[sflag:s12] =	ssyncadd.s32 $0xFFFFE000  }
0xab: {  	s0 =	sshll.u32 s21, $0x6  }
0xac: {  	s11 =	sshll.u32 s21, $0x4;
	s30 =	sand.u32 $0xC00, s25;
	s31 =	simm.s32 $0x40  }
.Ltmp3:
0xad: {  	s0 =	sand.u32 $0x1F000, s0;
	s11 =	sand.u32 $0x380, s11;
	(pc) =	sbr.rel .LBB2_2-.Ltmp3, $4  }
0xae: {  	s25 =	sadd.s32 $0x400, s25;
	s21 =	sadd.s32 $0xA, s21;
	s0 =	sor.u32 s11, s0  }
0xaf: {  	s13 =	sadd.s32 $0x1400, s13;
	s15 =	sadd.s32 $0x50000, s15;
	s0 =	sor.u32 s30, s0  }
0xb0: {  	[tilespmem:s3], [sflag:$0x7] =	stream.indirect.gather [hbm4b:s1+s31], $0x80, s0, s31, $0xb8;
	[tilespmem:$0x1B000] =	vst v63  }
0xb1: {  	s17 =	sadd.s32 $0x280, s17;
	s19 =	sadd.s32 $0x80, s19;
	s3 =	simm.s32 $0x13000  }
.LBB2_5:
0xb2: {  	_ =	sfence.sel $0x180000  }
0xb3: {  	[bflag:$0x0] =	sbarrier.arrive $0xFFFF  }
0xb4: {  	_ =	strace $0x90000047  }
0xb5: {  	s0 =	stileid.u32;
	[bflag:$0x2] =	sbarrier.arrive $0xFFFF  }
0xb6: {  	p0 =	sne.s32 s0, $0x0;
	s0 =	rddreg [dreg:$0x3]  }
0xb7: {  	s0 =	sadd.s32 @!p0 $0x100000, s0  }
0xb8: {  	[sflag:s0] =	ssyncadd.tile.s32 @!p0 $0x1;
	_ =	shalt  }
.Lfunc_end2:
_tile_overlayer_lowered:
.L_overlay_start_2:
0xb9: {  	(tag) =	ssettag $0x2  }
0xba: {  	s0 =	rddreg [dreg:$0x0];
	s2 =	stileid.u32  }
0xbb: {  	s1 =	rddreg [dreg:$0x1];
	p0 =	sne.s32 s2, $0x0  }
0xbc: {  	s3 =	rddreg [dreg:$0x2];
	[bflag:$0x3] =	sbarrier.arrive $0xFFFF;
	s2 =	simm.s32 @!p0 $0x1C15  }
0xbd: {  	[timem:s3], [sflag:s2] =	dma.local @!p0 [hbm:s0], s1  }
0xbe: {  	s0 =	simm.s32 @!p0 $0x15  }
0xbf: {  	_ =	swait.ge @!p0 [sflag:s0], s1  }
0xc0: {  	s1 =	ssub.s32 @!p0 $0x0, s1;
	[sflag:s0] =	ssyncset.done @!p0 $0x0  }
0xc1: {  	[sflag:s0] =	ssyncadd.s32 @!p0 s1  }
0xc2: {  	[bflag:$0x3] =	sbarrier.arrive $0xFFFF  }
0xc3: {  	_ =	shalt  }

</sc_bundles>
